<compile_context>
chip_gen: v7x
topology: tpu7x:2x2x1
jax: 0.10.2.dev20260603
libtpu: 0.0.44.dev20260713+nightly
codegen_flags: <defaults>
</compile_context>

<pallas_src>
import functools

import jax
import jax.numpy as jnp
from jax import lax
from jax.experimental import pallas as pl
from jax.experimental.pallas import tpu as pltpu
from jax.experimental.pallas import tpu_sc as plsc

S, B, C, H, W = 2, 4, 1, 152, 272
M = 256
HW = H * W
CHUNK = 64
NSTREAM = 11


def _sc_gather_body(ind_hbm, hm_hbm, reg_hbm, wh_hbm, co_hbm, box_hbm,
                    hmg, regg, whg, cog, boxg,
                    idx_v, off_v, val_v, sem):
    core = lax.axis_index("c")
    sub = lax.axis_index("s")
    wid = sub * 2 + core
    s = wid // 16
    rem = wid - s * 16
    b = rem // 4
    mb = (rem - b * 4) * CHUNK
    base = pl.multiple_of(b * M + mb, CHUNK)
    pltpu.sync_copy(ind_hbm.at[pl.ds(base, CHUNK)], idx_v)

    sb = s * B + b

    def lin(off):
        return lambda v: v + off

    def box_off(cc):
        return lin((sb * 4 + cc) * HW)

    streams = [(hm_hbm, lin(sb * HW), hmg.at[s, b, pl.ds(mb, CHUNK)])]
    for tab, out in ((reg_hbm, regg), (wh_hbm, whg), (co_hbm, cog)):
        for cc in range(2):
            streams.append((tab, lin((sb * 2 + cc) * HW),
                            out.at[s, b, cc, pl.ds(mb, CHUNK)]))
    for cc in range(4):
        streams.append((box_hbm, box_off(cc),
                        boxg.at[s, b, cc, pl.ds(mb, CHUNK)]))

    for j, (_, fn, _) in enumerate(streams):
        for k in range(CHUNK // 16):
            off_v[j, pl.ds(k * 16, 16)] = fn(idx_v[pl.ds(k * 16, 16)])
    descs = [pltpu.async_copy(tab.at[off_v.at[j]], val_v.at[j], sem)
             for j, (tab, _, _) in enumerate(streams)]
    for d in descs:
        d.wait()
    for j, (_, _, dst) in enumerate(streams):
        pltpu.sync_copy(val_v.at[j], dst)


@functools.cache
def _get_sc_gather():
    return pl.kernel(
        _sc_gather_body,
        out_type=(
            jax.ShapeDtypeStruct((S, B, M), jnp.float32),
            jax.ShapeDtypeStruct((S, B, 2, M), jnp.float32),
            jax.ShapeDtypeStruct((S, B, 2, M), jnp.float32),
            jax.ShapeDtypeStruct((S, B, 2, M), jnp.float32),
            jax.ShapeDtypeStruct((S, B, 4, M), jnp.float32),
        ),
        mesh=plsc.VectorSubcoreMesh(core_axis_name="c", subcore_axis_name="s"),
        scratch_types=[
            pltpu.VMEM((CHUNK,), jnp.int32),
            pltpu.VMEM((NSTREAM, CHUNK), jnp.int32),
            pltpu.VMEM((NSTREAM, CHUNK), jnp.float32),
            pltpu.SemaphoreType.DMA,
        ],
    )


def _clip_sig(x):
    return jnp.clip(1.0 / (1.0 + jnp.exp(-x)), 1e-4, 1.0 - 1e-4)


def _tc_dense_body(hm_ref, hmr_ref, tr_ref, trr_ref, trm_ref, out_ref):
    trm = trm_ref[...]
    trr = trr_ref[...]
    hmr = hmr_ref[...]
    omt = 1.0 - hmr
    omt2 = omt * omt
    omt4 = omt2 * omt2
    vals = []
    for s in range(S):
        hs = _clip_sig(hm_ref[s])
        vals.append(jnp.sum(jnp.log(1.0 - hs) * hs * hs * omt4))
    for s in range(S):
        vals.append(jnp.sum(jnp.abs(tr_ref[s] * trm - trr * trm)))
    vals.append(jnp.sum(trm))

    r_i = lax.broadcasted_iota(jnp.int32, (8, 128), 0)
    c_i = lax.broadcasted_iota(jnp.int32, (8, 128), 1)
    acc = jnp.zeros((8, 128), jnp.float32)
    for k, v in enumerate(vals):
        acc = acc + jnp.where((r_i == 0) & (c_i == k), v, 0.0)
    out_ref[...] = acc


def _tc_combine_body(part_ref, hmg_ref, mask_ref, regp_ref, regt_ref,
                     regm_ref, whp_ref, wht_ref, whm_ref, cop_ref, cot_ref,
                     com_ref, boxp_ref, boxt_ref, boxm_ref, out_ref):
    c_i1 = lax.broadcasted_iota(jnp.int32, (1, 128), 1)
    part = part_ref[0:1, :]

    def pget(k):
        return jnp.sum(jnp.where(c_i1 == k, part, 0.0))

    num_pos = jnp.sum(mask_ref[...])
    npos_den = jnp.maximum(num_pos, 1.0)
    tr_den = pget(4) + 1e-4

    def masked_l1(pred, tgt, m):
        return jnp.sum(jnp.abs(pred * m - tgt * m)) / (jnp.sum(m) + 1e-4)

    boxm = boxm_ref[...]
    nb = jnp.sum(boxm) + 1e-4

    def xyxy(cx, cy, w, h):
        return cx - 0.5 * w, cy - 0.5 * h, cx + 0.5 * w, cy + 0.5 * h

    tcoord = [boxt_ref[:, c, :] for c in range(4)]
    x21, y21, x22, y22 = xyxy(*tcoord)
    area2 = (x22 - x21) * (y22 - y21)

    losses = []
    for s in range(S):
        neg = pget(s)
        pv = _clip_sig(hmg_ref[s])
        one_m_pv = 1.0 - pv
        pos = jnp.sum(jnp.log(pv) * one_m_pv * one_m_pv * mask_ref[...])
        focal = jnp.where(num_pos == 0.0, -neg, -(pos + neg) / npos_den)
        track = pget(2 + s) / tr_den
        regl = masked_l1(regp_ref[s], regt_ref[...], regm_ref[...])
        whl = masked_l1(whp_ref[s], wht_ref[...], whm_ref[...])
        col = masked_l1(cop_ref[s], cot_ref[...], com_ref[...])
        pcoord = [boxp_ref[s, :, c, :] for c in range(4)]
        l1 = sum(jnp.sum(jnp.abs(p - t) * boxm)
                 for p, t in zip(pcoord, tcoord)) / nb
        x11, y11, x12, y12 = xyxy(*pcoord)
        area1 = (x12 - x11) * (y12 - y11)
        iw = jnp.maximum(jnp.minimum(x12, x22) - jnp.maximum(x11, x21), 0.0)
        ih = jnp.maximum(jnp.minimum(y12, y22) - jnp.maximum(y11, y21), 0.0)
        inter = iw * ih
        union = area1 + area2 - inter
        iou = inter / (union + 1e-7)
        cw = jnp.maximum(jnp.maximum(x12, x22) - jnp.minimum(x11, x21), 0.0)
        ch = jnp.maximum(jnp.maximum(y12, y22) - jnp.minimum(y11, y21), 0.0)
        areac = cw * ch
        giou = iou - (areac - union) / (areac + 1e-7)
        gl = jnp.sum((1.0 - giou) * boxm) / nb
        losses += [focal, track, regl, whl, col, l1, gl]

    c_i = lax.broadcasted_iota(jnp.int32, (14,), 0)
    acc = jnp.zeros((14,), jnp.float32)
    for k, v in enumerate(losses):
        acc = acc + jnp.where(c_i == k, v, 0.0)
    out_ref[...] = acc


def _tc_dense(*args):
    return pl.pallas_call(
        _tc_dense_body,
        out_shape=jax.ShapeDtypeStruct((8, 128), jnp.float32),
    )(*args)


def _tc_combine(*args):
    return pl.pallas_call(
        _tc_combine_body,
        out_shape=jax.ShapeDtypeStruct((14,), jnp.float32),
    )(*args)


def kernel(hm, reg, wh, center_offset, tracking, boxes, hm_r, reg_r, wh_r,
           center_offset_r, tracking_r, tracking_mask_r, mask_r, reg_mask_r,
           wh_mask_r, center_offset_mask_r, boxes_r, boxes_mask_r, ind_r,
           cat_r):
    del cat_r
    hm_g, reg_g, wh_g, co_g, box_g = _get_sc_gather()(
        ind_r.reshape(B * M),
        hm.reshape(S * B * HW),
        reg.reshape(S * B * 2 * HW),
        wh.reshape(S * B * 2 * HW),
        center_offset.reshape(S * B * 2 * HW),
        boxes.transpose(0, 1, 3, 2).reshape(S * B * 4 * HW),
    )
    part = _tc_dense(
        hm.reshape(S, B, H, W),
        hm_r.reshape(B, H, W),
        tracking.reshape(S, B * 2, H, W),
        tracking_r.reshape(B * 2, H, W),
        tracking_mask_r.reshape(B * 2, H, W),
    )
    out = _tc_combine(
        part,
        hm_g,
        mask_r,
        reg_g,
        reg_r.transpose(0, 2, 1),
        reg_mask_r.transpose(0, 2, 1),
        wh_g,
        wh_r.transpose(0, 2, 1),
        wh_mask_r.transpose(0, 2, 1),
        co_g,
        center_offset_r.transpose(0, 2, 1),
        center_offset_mask_r.transpose(0, 2, 1),
        box_g,
        boxes_r.transpose(0, 2, 1),
        boxes_mask_r,
    )
    return out

# --- scband reference (transcript-rebuilt; emitter-appended) ---
"""Pipeline reference for scband-generic-loss-4020089389554 (READ-ONLY COPY).

The authoritative reference and input builder live on the scoring server;
editing this copy changes nothing except your own understanding.
"""

import jax, jax.numpy as jnp
import numpy as np

S, B, C, H, W = 2, 4, 1, 152, 272
M = 256
HW = H * W
NORM_FACTOR = 1.0


def _sigmoid(x):
    return jnp.clip(jax.nn.sigmoid(x), 1e-4, 1.0 - 1e-4)


def _transpose_and_gather_feat(feat, ind):
    b, c, h, w = feat.shape
    feat = feat.transpose(0, 2, 3, 1).reshape(b, h * w, c)
    idx = jnp.broadcast_to(ind[:, :, None], (b, ind.shape[1], c))
    return jnp.take_along_axis(feat, idx, axis=1)


def fast_focal_loss(out, target, ind, mask, cat):
    neg_loss = (jnp.log(1.0 - out) * jnp.power(out, 2) * jnp.power(1.0 - target, 4)).sum()
    pos_pred_pix = _transpose_and_gather_feat(out, ind)
    pos_pred = jnp.take_along_axis(pos_pred_pix, cat[:, :, None], axis=2)
    num_pos = mask.sum()
    pos_loss = (jnp.log(pos_pred) * jnp.power(1.0 - pos_pred, 2) * mask[:, :, None]).sum()
    return jnp.where(num_pos == 0, -neg_loss, -(pos_loss + neg_loss) / jnp.maximum(num_pos, 1.0))


def reg_weighted_l1(output, mask, ind, target):
    pred = _transpose_and_gather_feat(output, ind)
    loss = jnp.abs(pred * mask - target * mask).sum()
    return loss / (mask.sum() + 1e-4)


def sparse_reg_weighted_l1(output, mask, target):
    loss = jnp.abs(output * mask - target * mask).sum()
    return loss / (mask.sum() + 1e-4)


def box_cxcywh_to_xyxy(b):
    cx = b[..., 0]; cy = b[..., 1]; w = b[..., 2]; h = b[..., 3]
    return jnp.stack([cx - 0.5 * w, cy - 0.5 * h, cx + 0.5 * w, cy + 0.5 * h], axis=-1)


def giou_pairwise(b1, b2):
    area1 = (b1[..., 2] - b1[..., 0]) * (b1[..., 3] - b1[..., 1])
    area2 = (b2[..., 2] - b2[..., 0]) * (b2[..., 3] - b2[..., 1])
    lt = jnp.maximum(b1[..., :2], b2[..., :2])
    rb = jnp.minimum(b1[..., 2:], b2[..., 2:])
    wh = jnp.clip(rb - lt, 0.0)
    inter = wh[..., 0] * wh[..., 1]
    union = area1 + area2 - inter
    iou = inter / (union + 1e-7)
    lt_c = jnp.minimum(b1[..., :2], b2[..., :2])
    rb_c = jnp.maximum(b1[..., 2:], b2[..., 2:])
    wh_c = jnp.clip(rb_c - lt_c, 0.0)
    area_c = wh_c[..., 0] * wh_c[..., 1]
    return iou - (area_c - union) / (area_c + 1e-7)


def loss_boxes_fn(src_boxes, boxes_t, boxes_mask, ind):
    b, m = ind.shape
    pred = jnp.take_along_axis(src_boxes, jnp.broadcast_to(ind[:, :, None], (b, m, 4)), axis=1)
    num_boxes = boxes_mask.sum() + 1e-4
    l1 = (jnp.abs(pred - boxes_t) * boxes_mask[:, :, None]).sum() / num_boxes
    giou = giou_pairwise(box_cxcywh_to_xyxy(pred), box_cxcywh_to_xyxy(boxes_t))
    gl = ((1.0 - giou) * boxes_mask).sum() / num_boxes
    return l1, gl


def _forward(hm, reg, wh, center_offset, tracking, boxes, hm_r, reg_r, wh_r, center_offset_r, tracking_r, tracking_mask_r, mask_r, reg_mask_r, wh_mask_r, center_offset_mask_r, boxes_r, boxes_mask_r, ind_r, cat_r):
    hm_s = _sigmoid(hm)
    losses = []
    for s in range(S):
        losses.append(fast_focal_loss(hm_s[s], hm_r, ind_r, mask_r, cat_r) / NORM_FACTOR)
        losses.append(sparse_reg_weighted_l1(tracking[s], tracking_mask_r, tracking_r) / NORM_FACTOR)
        losses.append(reg_weighted_l1(reg[s], reg_mask_r, ind_r, reg_r) / NORM_FACTOR)
        losses.append(reg_weighted_l1(wh[s], wh_mask_r, ind_r, wh_r) / NORM_FACTOR)
        losses.append(reg_weighted_l1(center_offset[s], center_offset_mask_r, ind_r, center_offset_r) / NORM_FACTOR)
        lb, lg = loss_boxes_fn(boxes[s], boxes_r, boxes_mask_r, ind_r)
        losses.append(lb / NORM_FACTOR)
        losses.append(lg / NORM_FACTOR)
    return jnp.stack(losses)


def setup_inputs(seed: int = 0):
    key = jax.random.key(seed)
    ks = jax.random.split(key, 24)
    inp = {}
    inp['hm'] = jax.random.normal(ks[0], (S, B, C, H, W), dtype=jnp.float32)
    inp['reg'] = jax.random.normal(ks[1], (S, B, 2, H, W), dtype=jnp.float32)
    inp['wh'] = jax.random.normal(ks[2], (S, B, 2, H, W), dtype=jnp.float32)
    inp['center_offset'] = jax.random.normal(ks[3], (S, B, 2, H, W), dtype=jnp.float32)
    inp['tracking'] = jax.random.normal(ks[4], (S, B, 2, H, W), dtype=jnp.float32)
    inp['boxes'] = jax.random.uniform(ks[5], (S, B, HW, 4), dtype=jnp.float32)
    inp['hm_r'] = jax.random.uniform(ks[6], (B, C, H, W), dtype=jnp.float32)
    inp['reg_r'] = jax.random.uniform(ks[7], (B, M, 2), dtype=jnp.float32)
    inp['wh_r'] = jax.random.uniform(ks[8], (B, M, 2), dtype=jnp.float32)
    inp['center_offset_r'] = jax.random.uniform(ks[9], (B, M, 2), dtype=jnp.float32)
    inp['tracking_r'] = jax.random.uniform(ks[10], (B, 2, H, W), dtype=jnp.float32)
    inp['tracking_mask_r'] = (jax.random.uniform(ks[11], (B, 2, H, W)) < 0.01).astype(jnp.float32)
    inp['mask_r'] = (jax.random.uniform(ks[12], (B, M)) < 0.5).astype(jnp.float32)
    inp['reg_mask_r'] = (jax.random.uniform(ks[13], (B, M, 2)) < 0.5).astype(jnp.float32)
    inp['wh_mask_r'] = (jax.random.uniform(ks[14], (B, M, 2)) < 0.5).astype(jnp.float32)
    inp['center_offset_mask_r'] = (jax.random.uniform(ks[15], (B, M, 2)) < 0.5).astype(jnp.float32)
    inp['boxes_r'] = jax.random.uniform(ks[16], (B, M, 4), dtype=jnp.float32)
    inp['boxes_mask_r'] = (jax.random.uniform(ks[17], (B, M)) < 0.5).astype(jnp.float32)
    inp['ind_r'] = jax.random.randint(ks[18], (B, M), 0, HW, dtype=jnp.int32)
    inp['cat_r'] = jax.random.randint(ks[19], (B, M), 0, C, dtype=jnp.int32)
    return inp


def reference(hm, reg, wh, center_offset, tracking, boxes, hm_r, reg_r, wh_r, center_offset_r, tracking_r, tracking_mask_r, mask_r, reg_mask_r, wh_mask_r, center_offset_mask_r, boxes_r, boxes_mask_r, ind_r, cat_r):
    return _forward(hm, reg, wh, center_offset, tracking, boxes, hm_r, reg_r, wh_r, center_offset_r, tracking_r, tracking_mask_r, mask_r, reg_mask_r, wh_mask_r, center_offset_mask_r, boxes_r, boxes_mask_r, ind_r, cat_r)

if __name__ == "__main__":
    import jax
    _d = setup_inputs()
    print(jax.jit(kernel)(*tuple(_d.values())))

</pallas_src>

<mosaic_0001>
#map = affine_map<(d0, d1) -> (0)>
#map1 = affine_map<(d0, d1) -> (0, 0, 0)>
#map2 = affine_map<(d0, d1) -> (0, 0, 0, 0)>
module attributes {stable_mosaic.version = 14 : i64} {
  func.func @_sc_gather_body(%arg0: i32, %arg1: i32, %arg2: memref<1024xi32, #tpu.memory_space<hbm>>, %arg3: memref<330752xf32, #tpu.memory_space<hbm>>, %arg4: memref<661504xf32, #tpu.memory_space<hbm>>, %arg5: memref<661504xf32, #tpu.memory_space<hbm>>, %arg6: memref<661504xf32, #tpu.memory_space<hbm>>, %arg7: memref<1323008xf32, #tpu.memory_space<hbm>>, %arg8: memref<2x4x256xf32, #tpu.memory_space<hbm>>, %arg9: memref<2x4x2x256xf32, #tpu.memory_space<hbm>>, %arg10: memref<2x4x2x256xf32, #tpu.memory_space<hbm>>, %arg11: memref<2x4x2x256xf32, #tpu.memory_space<hbm>>, %arg12: memref<2x4x4x256xf32, #tpu.memory_space<hbm>>, %arg13: memref<64xi32, #tpu.memory_space<vmem>>, %arg14: memref<11x64xi32, #tpu.memory_space<vmem>>, %arg15: memref<11x64xf32, #tpu.memory_space<vmem>>, %arg16: memref<!tpu.dma_semaphore, #tpu.memory_space<semaphore_mem>>) attributes {dimension_semantics = [#tpu.dimension_semantics<core_parallel>, #tpu.dimension_semantics<subcore_parallel>], iteration_bounds = array<i64: 2, 16>, scalar_prefetch = 0 : i64, scratch_operands = 4 : i64, tpu.core_type = #tpu.core_type<sc_vector_subcore>, window_params = [{transform_indices = #map}, {transform_indices = #map}, {transform_indices = #map}, {transform_indices = #map}, {transform_indices = #map}, {transform_indices = #map}, {transform_indices = #map1}, {transform_indices = #map2}, {transform_indices = #map2}, {transform_indices = #map2}, {transform_indices = #map2}]} {
    %mul3A = arith.constant 2 : i32
    %mul3A_0 = arith.muli %arg1, %mul3A : i32
    %add3A = arith.addi %mul3A_0, %arg0 : i32
    %jit3A = arith.constant 16 : i32
    %div3A = arith.divsi %add3A, %jit3A : i32
    %sign3A = arith.constant 0 : i32
    %sign3A_1 = arith.cmpi sgt, %add3A, %sign3A : i32
    %sign3A_2 = arith.extui %sign3A_1 : i1 to i32
    %sign3A_3 = arith.constant 0 : i32
    %sign3A_4 = arith.cmpi slt, %add3A, %sign3A_3 : i32
    %sign3A_5 = arith.extui %sign3A_4 : i1 to i32
    %sign3A_6 = arith.subi %sign3A_2, %sign3A_5 : i32
    %sign3A_7 = arith.constant 0 : i32
    %sign3A_8 = arith.cmpi sgt, %jit3A, %sign3A_7 : i32
    %sign3A_9 = arith.extui %sign3A_8 : i1 to i32
    %sign3A_10 = arith.constant 0 : i32
    %sign3A_11 = arith.cmpi slt, %jit3A, %sign3A_10 : i32
    %sign3A_12 = arith.extui %sign3A_11 : i1 to i32
    %sign3A_13 = arith.subi %sign3A_9, %sign3A_12 : i32
    %ne3A = arith.cmpi ne, %sign3A_6, %sign3A_13 : i32
    %rem3A = arith.remsi %add3A, %jit3A : i32
    %ne3A_14 = arith.constant 0 : i32
    %ne3A_15 = arith.cmpi ne, %rem3A, %ne3A_14 : i32
    %and3A = arith.andi %ne3A, %ne3A_15 : i1
    %sub3A = arith.constant 1 : i32
    %sub3A_16 = arith.subi %div3A, %sub3A : i32
    %select_n3A = arith.select %and3A, %sub3A_16, %div3A : i32
    %mul3A_17 = arith.constant 16 : i32
    %mul3A_18 = arith.muli %select_n3A, %mul3A_17 : i32
    %sub3A_19 = arith.subi %add3A, %mul3A_18 : i32
    %jit3A_20 = arith.constant 4 : i32
    %div3A_21 = arith.divsi %sub3A_19, %jit3A_20 : i32
    %sign3A_22 = arith.constant 0 : i32
    %sign3A_23 = arith.cmpi sgt, %sub3A_19, %sign3A_22 : i32
    %sign3A_24 = arith.extui %sign3A_23 : i1 to i32
    %sign3A_25 = arith.constant 0 : i32
    %sign3A_26 = arith.cmpi slt, %sub3A_19, %sign3A_25 : i32
    %sign3A_27 = arith.extui %sign3A_26 : i1 to i32
    %sign3A_28 = arith.subi %sign3A_24, %sign3A_27 : i32
    %sign3A_29 = arith.constant 0 : i32
    %sign3A_30 = arith.cmpi sgt, %jit3A_20, %sign3A_29 : i32
    %sign3A_31 = arith.extui %sign3A_30 : i1 to i32
    %sign3A_32 = arith.constant 0 : i32
    %sign3A_33 = arith.cmpi slt, %jit3A_20, %sign3A_32 : i32
    %sign3A_34 = arith.extui %sign3A_33 : i1 to i32
    %sign3A_35 = arith.subi %sign3A_31, %sign3A_34 : i32
    %ne3A_36 = arith.cmpi ne, %sign3A_28, %sign3A_35 : i32
    %rem3A_37 = arith.remsi %sub3A_19, %jit3A_20 : i32
    %ne3A_38 = arith.constant 0 : i32
    %ne3A_39 = arith.cmpi ne, %rem3A_37, %ne3A_38 : i32
    %and3A_40 = arith.andi %ne3A_36, %ne3A_39 : i1
    %sub3A_41 = arith.constant 1 : i32
    %sub3A_42 = arith.subi %div3A_21, %sub3A_41 : i32
    %select_n3A_43 = arith.select %and3A_40, %sub3A_42, %div3A_21 : i32
    %mul3A_44 = arith.constant 4 : i32
    %mul3A_45 = arith.muli %select_n3A_43, %mul3A_44 : i32
    %sub3A_46 = arith.subi %sub3A_19, %mul3A_45 : i32
    %mul3A_47 = arith.constant 64 : i32
    %mul3A_48 = arith.muli %sub3A_46, %mul3A_47 : i32
    %mul3A_49 = arith.constant 256 : i32
    %mul3A_50 = arith.muli %select_n3A_43, %mul3A_49 : i32
    %add3A_51 = arith.addi %mul3A_50, %mul3A_48 : i32
    %multiple_of3A = tpu.assume_multiple %add3A_51, 64 : i32
    "tpu.region"() ({
      %run_scoped3A_837 = tpu.sem_alloc : memref<!tpu.dma_semaphore, #tpu.memory_space<semaphore_mem>>
      %dma_start3A_838 = tpu.memref_slice %arg2[%multiple_of3A] : memref<1024xi32, #tpu.memory_space<hbm>> -> memref<64xi32, #tpu.memory_space<hbm>>
      %dma_start3A_839 = tpu.memref_slice %arg2[%multiple_of3A] : memref<1024xi32, #tpu.memory_space<hbm>> -> memref<64xi32, #tpu.memory_space<hbm>>
      tpu.enqueue_dma source(%dma_start3A_839 : memref<64xi32, #tpu.memory_space<hbm>>) target(%arg13 : memref<64xi32, #tpu.memory_space<vmem>>) target_semaphore(%run_scoped3A_837 : memref<!tpu.dma_semaphore, #tpu.memory_space<semaphore_mem>>)
      %dma_wait3A_840 = tpu.memref_slice %arg2[%multiple_of3A] : memref<1024xi32, #tpu.memory_space<hbm>> -> memref<64xi32, #tpu.memory_space<hbm>>
      %dma_wait3A_841 = tpu.memref_slice %arg2[%multiple_of3A] : memref<1024xi32, #tpu.memory_space<hbm>> -> memref<64xi32, #tpu.memory_space<hbm>>
      tpu.wait_dma2 semaphore(%run_scoped3A_837 : memref<!tpu.dma_semaphore, #tpu.memory_space<semaphore_mem>>) src(%dma_wait3A_841 : memref<64xi32, #tpu.memory_space<hbm>>) dst(%arg13 : memref<64xi32, #tpu.memory_space<vmem>>)
      tpu.yield
    }) : () -> ()
    %mul3A_52 = arith.constant 4 : i32
    %mul3A_53 = arith.muli %select_n3A, %mul3A_52 : i32
    %add3A_54 = arith.addi %mul3A_53, %select_n3A_43 : i32
    %mul3A_55 = arith.constant 41344 : i32
    %mul3A_56 = arith.muli %add3A_54, %mul3A_55 : i32
    %mul3A_57 = arith.constant 2 : i32
    %mul3A_58 = arith.muli %add3A_54, %mul3A_57 : i32
    %add3A_59 = arith.constant 0 : i32
    %add3A_60 = arith.addi %mul3A_58, %add3A_59 : i32
    %mul3A_61 = arith.constant 41344 : i32
    %mul3A_62 = arith.muli %add3A_60, %mul3A_61 : i32
    %mul3A_63 = arith.constant 2 : i32
    %mul3A_64 = arith.muli %add3A_54, %mul3A_63 : i32
    %add3A_65 = arith.constant 1 : i32
    %add3A_66 = arith.addi %mul3A_64, %add3A_65 : i32
    %mul3A_67 = arith.constant 41344 : i32
    %mul3A_68 = arith.muli %add3A_66, %mul3A_67 : i32
    %mul3A_69 = arith.constant 2 : i32
    %mul3A_70 = arith.muli %add3A_54, %mul3A_69 : i32
    %add3A_71 = arith.constant 0 : i32
    %add3A_72 = arith.addi %mul3A_70, %add3A_71 : i32
    %mul3A_73 = arith.constant 41344 : i32
    %mul3A_74 = arith.muli %add3A_72, %mul3A_73 : i32
    %mul3A_75 = arith.constant 2 : i32
    %mul3A_76 = arith.muli %add3A_54, %mul3A_75 : i32
    %add3A_77 = arith.constant 1 : i32
    %add3A_78 = arith.addi %mul3A_76, %add3A_77 : i32
    %mul3A_79 = arith.constant 41344 : i32
    %mul3A_80 = arith.muli %add3A_78, %mul3A_79 : i32
    %mul3A_81 = arith.constant 2 : i32
    %mul3A_82 = arith.muli %add3A_54, %mul3A_81 : i32
    %add3A_83 = arith.constant 0 : i32
    %add3A_84 = arith.addi %mul3A_82, %add3A_83 : i32
    %mul3A_85 = arith.constant 41344 : i32
    %mul3A_86 = arith.muli %add3A_84, %mul3A_85 : i32
    %mul3A_87 = arith.constant 2 : i32
    %mul3A_88 = arith.muli %add3A_54, %mul3A_87 : i32
    %add3A_89 = arith.constant 1 : i32
    %add3A_90 = arith.addi %mul3A_88, %add3A_89 : i32
    %mul3A_91 = arith.constant 41344 : i32
    %mul3A_92 = arith.muli %add3A_90, %mul3A_91 : i32
    %mul3A_93 = arith.constant 4 : i32
    %mul3A_94 = arith.muli %add3A_54, %mul3A_93 : i32
    %add3A_95 = arith.constant 0 : i32
    %add3A_96 = arith.addi %mul3A_94, %add3A_95 : i32
    %mul3A_97 = arith.constant 41344 : i32
    %mul3A_98 = arith.muli %add3A_96, %mul3A_97 : i32
    %mul3A_99 = arith.constant 4 : i32
    %mul3A_100 = arith.muli %add3A_54, %mul3A_99 : i32
    %add3A_101 = arith.constant 1 : i32
    %add3A_102 = arith.addi %mul3A_100, %add3A_101 : i32
    %mul3A_103 = arith.constant 41344 : i32
    %mul3A_104 = arith.muli %add3A_102, %mul3A_103 : i32
    %mul3A_105 = arith.constant 4 : i32
    %mul3A_106 = arith.muli %add3A_54, %mul3A_105 : i32
    %add3A_107 = arith.constant 2 : i32
    %add3A_108 = arith.addi %mul3A_106, %add3A_107 : i32
    %mul3A_109 = arith.constant 41344 : i32
    %mul3A_110 = arith.muli %add3A_108, %mul3A_109 : i32
    %mul3A_111 = arith.constant 4 : i32
    %mul3A_112 = arith.muli %add3A_54, %mul3A_111 : i32
    %add3A_113 = arith.constant 3 : i32
    %add3A_114 = arith.addi %mul3A_112, %add3A_113 : i32
    %mul3A_115 = arith.constant 41344 : i32
    %mul3A_116 = arith.muli %add3A_114, %mul3A_115 : i32
    %get3A = arith.constant 0 : index
    %get3A_117 = tpu.vector_load %arg13[%get3A] {strides = array<i32>} : memref<64xi32, #tpu.memory_space<vmem>>, vector<16xi32>,
    %get3A_118 = vector.shape_cast %get3A_117 : vector<16xi32> to vector<16xi32>
    %add3A_119 = vector.broadcast %mul3A_56 : i32 to vector<16xi32>
    %add3A_120 = arith.addi %get3A_118, %add3A_119 : vector<16xi32>
    %swap3A = arith.constant 0 : i32
    %swap3A_121 = arith.index_cast %swap3A : i32 to index
    %swap3A_122 = arith.constant 0 : index
    %swap3A_123 = tpu.vector_load %arg14[%swap3A_121, %swap3A_122] {strides = array<i32>} : memref<11x64xi32, #tpu.memory_space<vmem>>, vector<1x16xi32>,
    %swap3A_124 = vector.shape_cast %swap3A_123 : vector<1x16xi32> to vector<16xi32>
    %swap3A_125 = vector.shape_cast %add3A_120 : vector<16xi32> to vector<1x16xi32>
    tpu.vector_store %arg14[%swap3A_121, %swap3A_122], %swap3A_125 {strides = array<i32>} : memref<11x64xi32, #tpu.memory_space<vmem>>, vector<1x16xi32>,
    %get3A_126 = arith.constant 16 : index
    %get3A_127 = tpu.vector_load %arg13[%get3A_126] {strides = array<i32>} : memref<64xi32, #tpu.memory_space<vmem>>, vector<16xi32>,
    %get3A_128 = vector.shape_cast %get3A_127 : vector<16xi32> to vector<16xi32>
    %add3A_129 = vector.broadcast %mul3A_56 : i32 to vector<16xi32>
    %add3A_130 = arith.addi %get3A_128, %add3A_129 : vector<16xi32>
    %swap3A_131 = arith.constant 0 : i32
    %swap3A_132 = arith.index_cast %swap3A_131 : i32 to index
    %swap3A_133 = arith.constant 16 : index
    %swap3A_134 = tpu.vector_load %arg14[%swap3A_132, %swap3A_133] {strides = array<i32>} : memref<11x64xi32, #tpu.memory_space<vmem>>, vector<1x16xi32>,
    %swap3A_135 = vector.shape_cast %swap3A_134 : vector<1x16xi32> to vector<16xi32>
    %swap3A_136 = vector.shape_cast %add3A_130 : vector<16xi32> to vector<1x16xi32>
    tpu.vector_store %arg14[%swap3A_132, %swap3A_133], %swap3A_136 {strides = array<i32>} : memref<11x64xi32, #tpu.memory_space<vmem>>, vector<1x16xi32>,
    %get3A_137 = arith.constant 32 : index
    %get3A_138 = tpu.vector_load %arg13[%get3A_137] {strides = array<i32>} : memref<64xi32, #tpu.memory_space<vmem>>, vector<16xi32>,
    %get3A_139 = vector.shape_cast %get3A_138 : vector<16xi32> to vector<16xi32>
    %add3A_140 = vector.broadcast %mul3A_56 : i32 to vector<16xi32>
    %add3A_141 = arith.addi %get3A_139, %add3A_140 : vector<16xi32>
    %swap3A_142 = arith.constant 0 : i32
    %swap3A_143 = arith.index_cast %swap3A_142 : i32 to index
    %swap3A_144 = arith.constant 32 : index
    %swap3A_145 = tpu.vector_load %arg14[%swap3A_143, %swap3A_144] {strides = array<i32>} : memref<11x64xi32, #tpu.memory_space<vmem>>, vector<1x16xi32>,
    %swap3A_146 = vector.shape_cast %swap3A_145 : vector<1x16xi32> to vector<16xi32>
    %swap3A_147 = vector.shape_cast %add3A_141 : vector<16xi32> to vector<1x16xi32>
    tpu.vector_store %arg14[%swap3A_143, %swap3A_144], %swap3A_147 {strides = array<i32>} : memref<11x64xi32, #tpu.memory_space<vmem>>, vector<1x16xi32>,
    %get3A_148 = arith.constant 48 : index
    %get3A_149 = tpu.vector_load %arg13[%get3A_148] {strides = array<i32>} : memref<64xi32, #tpu.memory_space<vmem>>, vector<16xi32>,
    %get3A_150 = vector.shape_cast %get3A_149 : vector<16xi32> to vector<16xi32>
    %add3A_151 = vector.broadcast %mul3A_56 : i32 to vector<16xi32>
    %add3A_152 = arith.addi %get3A_150, %add3A_151 : vector<16xi32>
    %swap3A_153 = arith.constant 0 : i32
    %swap3A_154 = arith.index_cast %swap3A_153 : i32 to index
    %swap3A_155 = arith.constant 48 : index
    %swap3A_156 = tpu.vector_load %arg14[%swap3A_154, %swap3A_155] {strides = array<i32>} : memref<11x64xi32, #tpu.memory_space<vmem>>, vector<1x16xi32>,
    %swap3A_157 = vector.shape_cast %swap3A_156 : vector<1x16xi32> to vector<16xi32>
    %swap3A_158 = vector.shape_cast %add3A_152 : vector<16xi32> to vector<1x16xi32>
    tpu.vector_store %arg14[%swap3A_154, %swap3A_155], %swap3A_158 {strides = array<i32>} : memref<11x64xi32, #tpu.memory_space<vmem>>, vector<1x16xi32>,
    %get3A_159 = arith.constant 0 : index
    %get3A_160 = tpu.vector_load %arg13[%get3A_159] {strides = array<i32>} : memref<64xi32, #tpu.memory_space<vmem>>, vector<16xi32>,
    %get3A_161 = vector.shape_cast %get3A_160 : vector<16xi32> to vector<16xi32>
    %add3A_162 = vector.broadcast %mul3A_62 : i32 to vector<16xi32>
    %add3A_163 = arith.addi %get3A_161, %add3A_162 : vector<16xi32>
    %swap3A_164 = arith.constant 1 : i32
    %swap3A_165 = arith.index_cast %swap3A_164 : i32 to index
    %swap3A_166 = arith.constant 0 : index
    %swap3A_167 = tpu.vector_load %arg14[%swap3A_165, %swap3A_166] {strides = array<i32>} : memref<11x64xi32, #tpu.memory_space<vmem>>, vector<1x16xi32>,
    %swap3A_168 = vector.shape_cast %swap3A_167 : vector<1x16xi32> to vector<16xi32>
    %swap3A_169 = vector.shape_cast %add3A_163 : vector<16xi32> to vector<1x16xi32>
    tpu.vector_store %arg14[%swap3A_165, %swap3A_166], %swap3A_169 {strides = array<i32>} : memref<11x64xi32, #tpu.memory_space<vmem>>, vector<1x16xi32>,
    %get3A_170 = arith.constant 16 : index
    %get3A_171 = tpu.vector_load %arg13[%get3A_170] {strides = array<i32>} : memref<64xi32, #tpu.memory_space<vmem>>, vector<16xi32>,
    %get3A_172 = vector.shape_cast %get3A_171 : vector<16xi32> to vector<16xi32>
    %add3A_173 = vector.broadcast %mul3A_62 : i32 to vector<16xi32>
    %add3A_174 = arith.addi %get3A_172, %add3A_173 : vector<16xi32>
    %swap3A_175 = arith.constant 1 : i32
    %swap3A_176 = arith.index_cast %swap3A_175 : i32 to index
    %swap3A_177 = arith.constant 16 : index
    %swap3A_178 = tpu.vector_load %arg14[%swap3A_176, %swap3A_177] {strides = array<i32>} : memref<11x64xi32, #tpu.memory_space<vmem>>, vector<1x16xi32>,
    %swap3A_179 = vector.shape_cast %swap3A_178 : vector<1x16xi32> to vector<16xi32>
    %swap3A_180 = vector.shape_cast %add3A_174 : vector<16xi32> to vector<1x16xi32>
    tpu.vector_store %arg14[%swap3A_176, %swap3A_177], %swap3A_180 {strides = array<i32>} : memref<11x64xi32, #tpu.memory_space<vmem>>, vector<1x16xi32>,
    %get3A_181 = arith.constant 32 : index
    %get3A_182 = tpu.vector_load %arg13[%get3A_181] {strides = array<i32>} : memref<64xi32, #tpu.memory_space<vmem>>, vector<16xi32>,
    %get3A_183 = vector.shape_cast %get3A_182 : vector<16xi32> to vector<16xi32>
    %add3A_184 = vector.broadcast %mul3A_62 : i32 to vector<16xi32>
    %add3A_185 = arith.addi %get3A_183, %add3A_184 : vector<16xi32>
    %swap3A_186 = arith.constant 1 : i32
    %swap3A_187 = arith.index_cast %swap3A_186 : i32 to index
    %swap3A_188 = arith.constant 32 : index
    %swap3A_189 = tpu.vector_load %arg14[%swap3A_187, %swap3A_188] {strides = array<i32>} : memref<11x64xi32, #tpu.memory_space<vmem>>, vector<1x16xi32>,
    %swap3A_190 = vector.shape_cast %swap3A_189 : vector<1x16xi32> to vector<16xi32>
    %swap3A_191 = vector.shape_cast %add3A_185 : vector<16xi32> to vector<1x16xi32>
    tpu.vector_store %arg14[%swap3A_187, %swap3A_188], %swap3A_191 {strides = array<i32>} : memref<11x64xi32, #tpu.memory_space<vmem>>, vector<1x16xi32>,
    %get3A_192 = arith.constant 48 : index
    %get3A_193 = tpu.vector_load %arg13[%get3A_192] {strides = array<i32>} : memref<64xi32, #tpu.memory_space<vmem>>, vector<16xi32>,
    %get3A_194 = vector.shape_cast %get3A_193 : vector<16xi32> to vector<16xi32>
    %add3A_195 = vector.broadcast %mul3A_62 : i32 to vector<16xi32>
    %add3A_196 = arith.addi %get3A_194, %add3A_195 : vector<16xi32>
    %swap3A_197 = arith.constant 1 : i32
    %swap3A_198 = arith.index_cast %swap3A_197 : i32 to index
    %swap3A_199 = arith.constant 48 : index
    %swap3A_200 = tpu.vector_load %arg14[%swap3A_198, %swap3A_199] {strides = array<i32>} : memref<11x64xi32, #tpu.memory_space<vmem>>, vector<1x16xi32>,
    %swap3A_201 = vector.shape_cast %swap3A_200 : vector<1x16xi32> to vector<16xi32>
    %swap3A_202 = vector.shape_cast %add3A_196 : vector<16xi32> to vector<1x16xi32>
    tpu.vector_store %arg14[%swap3A_198, %swap3A_199], %swap3A_202 {strides = array<i32>} : memref<11x64xi32, #tpu.memory_space<vmem>>, vector<1x16xi32>,
    %get3A_203 = arith.constant 0 : index
    %get3A_204 = tpu.vector_load %arg13[%get3A_203] {strides = array<i32>} : memref<64xi32, #tpu.memory_space<vmem>>, vector<16xi32>,
    %get3A_205 = vector.shape_cast %get3A_204 : vector<16xi32> to vector<16xi32>
    %add3A_206 = vector.broadcast %mul3A_68 : i32 to vector<16xi32>
    %add3A_207 = arith.addi %get3A_205, %add3A_206 : vector<16xi32>
    %swap3A_208 = arith.constant 2 : i32
    %swap3A_209 = arith.index_cast %swap3A_208 : i32 to index
    %swap3A_210 = arith.constant 0 : index
    %swap3A_211 = tpu.vector_load %arg14[%swap3A_209, %swap3A_210] {strides = array<i32>} : memref<11x64xi32, #tpu.memory_space<vmem>>, vector<1x16xi32>,
    %swap3A_212 = vector.shape_cast %swap3A_211 : vector<1x16xi32> to vector<16xi32>
    %swap3A_213 = vector.shape_cast %add3A_207 : vector<16xi32> to vector<1x16xi32>
    tpu.vector_store %arg14[%swap3A_209, %swap3A_210], %swap3A_213 {strides = array<i32>} : memref<11x64xi32, #tpu.memory_space<vmem>>, vector<1x16xi32>,
    %get3A_214 = arith.constant 16 : index
    %get3A_215 = tpu.vector_load %arg13[%get3A_214] {strides = array<i32>} : memref<64xi32, #tpu.memory_space<vmem>>, vector<16xi32>,
    %get3A_216 = vector.shape_cast %get3A_215 : vector<16xi32> to vector<16xi32>
    %add3A_217 = vector.broadcast %mul3A_68 : i32 to vector<16xi32>
    %add3A_218 = arith.addi %get3A_216, %add3A_217 : vector<16xi32>
    %swap3A_219 = arith.constant 2 : i32
    %swap3A_220 = arith.index_cast %swap3A_219 : i32 to index
    %swap3A_221 = arith.constant 16 : index
    %swap3A_222 = tpu.vector_load %arg14[%swap3A_220, %swap3A_221] {strides = array<i32>} : memref<11x64xi32, #tpu.memory_space<vmem>>, vector<1x16xi32>,
    %swap3A_223 = vector.shape_cast %swap3A_222 : vector<1x16xi32> to vector<16xi32>
    %swap3A_224 = vector.shape_cast %add3A_218 : vector<16xi32> to vector<1x16xi32>
    tpu.vector_store %arg14[%swap3A_220, %swap3A_221], %swap3A_224 {strides = array<i32>} : memref<11x64xi32, #tpu.memory_space<vmem>>, vector<1x16xi32>,
    %get3A_225 = arith.constant 32 : index
    %get3A_226 = tpu.vector_load %arg13[%get3A_225] {strides = array<i32>} : memref<64xi32, #tpu.memory_space<vmem>>, vector<16xi32>,
    %get3A_227 = vector.shape_cast %get3A_226 : vector<16xi32> to vector<16xi32>
    %add3A_228 = vector.broadcast %mul3A_68 : i32 to vector<16xi32>
    %add3A_229 = arith.addi %get3A_227, %add3A_228 : vector<16xi32>
    %swap3A_230 = arith.constant 2 : i32
    %swap3A_231 = arith.index_cast %swap3A_230 : i32 to index
    %swap3A_232 = arith.constant 32 : index
    %swap3A_233 = tpu.vector_load %arg14[%swap3A_231, %swap3A_232] {strides = array<i32>} : memref<11x64xi32, #tpu.memory_space<vmem>>, vector<1x16xi32>,
    %swap3A_234 = vector.shape_cast %swap3A_233 : vector<1x16xi32> to vector<16xi32>
    %swap3A_235 = vector.shape_cast %add3A_229 : vector<16xi32> to vector<1x16xi32>
    tpu.vector_store %arg14[%swap3A_231, %swap3A_232], %swap3A_235 {strides = array<i32>} : memref<11x64xi32, #tpu.memory_space<vmem>>, vector<1x16xi32>,
    %get3A_236 = arith.constant 48 : index
    %get3A_237 = tpu.vector_load %arg13[%get3A_236] {strides = array<i32>} : memref<64xi32, #tpu.memory_space<vmem>>, vector<16xi32>,
    %get3A_238 = vector.shape_cast %get3A_237 : vector<16xi32> to vector<16xi32>
    %add3A_239 = vector.broadcast %mul3A_68 : i32 to vector<16xi32>
    %add3A_240 = arith.addi %get3A_238, %add3A_239 : vector<16xi32>
    %swap3A_241 = arith.constant 2 : i32
    %swap3A_242 = arith.index_cast %swap3A_241 : i32 to index
    %swap3A_243 = arith.constant 48 : index
    %swap3A_244 = tpu.vector_load %arg14[%swap3A_242, %swap3A_243] {strides = array<i32>} : memref<11x64xi32, #tpu.memory_space<vmem>>, vector<1x16xi32>,
    %swap3A_245 = vector.shape_cast %swap3A_244 : vector<1x16xi32> to vector<16xi32>
    %swap3A_246 = vector.shape_cast %add3A_240 : vector<16xi32> to vector<1x16xi32>
    tpu.vector_store %arg14[%swap3A_242, %swap3A_243], %swap3A_246 {strides = array<i32>} : memref<11x64xi32, #tpu.memory_space<vmem>>, vector<1x16xi32>,
    %get3A_247 = arith.constant 0 : index
    %get3A_248 = tpu.vector_load %arg13[%get3A_247] {strides = array<i32>} : memref<64xi32, #tpu.memory_space<vmem>>, vector<16xi32>,
    %get3A_249 = vector.shape_cast %get3A_248 : vector<16xi32> to vector<16xi32>
    %add3A_250 = vector.broadcast %mul3A_74 : i32 to vector<16xi32>
    %add3A_251 = arith.addi %get3A_249, %add3A_250 : vector<16xi32>
    %swap3A_252 = arith.constant 3 : i32
    %swap3A_253 = arith.index_cast %swap3A_252 : i32 to index
    %swap3A_254 = arith.constant 0 : index
    %swap3A_255 = tpu.vector_load %arg14[%swap3A_253, %swap3A_254] {strides = array<i32>} : memref<11x64xi32, #tpu.memory_space<vmem>>, vector<1x16xi32>,
    %swap3A_256 = vector.shape_cast %swap3A_255 : vector<1x16xi32> to vector<16xi32>
    %swap3A_257 = vector.shape_cast %add3A_251 : vector<16xi32> to vector<1x16xi32>
    tpu.vector_store %arg14[%swap3A_253, %swap3A_254], %swap3A_257 {strides = array<i32>} : memref<11x64xi32, #tpu.memory_space<vmem>>, vector<1x16xi32>,
    %get3A_258 = arith.constant 16 : index
    %get3A_259 = tpu.vector_load %arg13[%get3A_258] {strides = array<i32>} : memref<64xi32, #tpu.memory_space<vmem>>, vector<16xi32>,
    %get3A_260 = vector.shape_cast %get3A_259 : vector<16xi32> to vector<16xi32>
    %add3A_261 = vector.broadcast %mul3A_74 : i32 to vector<16xi32>
    %add3A_262 = arith.addi %get3A_260, %add3A_261 : vector<16xi32>
    %swap3A_263 = arith.constant 3 : i32
    %swap3A_264 = arith.index_cast %swap3A_263 : i32 to index
    %swap3A_265 = arith.constant 16 : index
    %swap3A_266 = tpu.vector_load %arg14[%swap3A_264, %swap3A_265] {strides = array<i32>} : memref<11x64xi32, #tpu.memory_space<vmem>>, vector<1x16xi32>,
    %swap3A_267 = vector.shape_cast %swap3A_266 : vector<1x16xi32> to vector<16xi32>
    %swap3A_268 = vector.shape_cast %add3A_262 : vector<16xi32> to vector<1x16xi32>
    tpu.vector_store %arg14[%swap3A_264, %swap3A_265], %swap3A_268 {strides = array<i32>} : memref<11x64xi32, #tpu.memory_space<vmem>>, vector<1x16xi32>,
    %get3A_269 = arith.constant 32 : index
    %get3A_270 = tpu.vector_load %arg13[%get3A_269] {strides = array<i32>} : memref<64xi32, #tpu.memory_space<vmem>>, vector<16xi32>,
    %get3A_271 = vector.shape_cast %get3A_270 : vector<16xi32> to vector<16xi32>
    %add3A_272 = vector.broadcast %mul3A_74 : i32 to vector<16xi32>
    %add3A_273 = arith.addi %get3A_271, %add3A_272 : vector<16xi32>
    %swap3A_274 = arith.constant 3 : i32
    %swap3A_275 = arith.index_cast %swap3A_274 : i32 to index
    %swap3A_276 = arith.constant 32 : index
    %swap3A_277 = tpu.vector_load %arg14[%swap3A_275, %swap3A_276] {strides = array<i32>} : memref<11x64xi32, #tpu.memory_space<vmem>>, vector<1x16xi32>,
    %swap3A_278 = vector.shape_cast %swap3A_277 : vector<1x16xi32> to vector<16xi32>
    %swap3A_279 = vector.shape_cast %add3A_273 : vector<16xi32> to vector<1x16xi32>
    tpu.vector_store %arg14[%swap3A_275, %swap3A_276], %swap3A_279 {strides = array<i32>} : memref<11x64xi32, #tpu.memory_space<vmem>>, vector<1x16xi32>,
    %get3A_280 = arith.constant 48 : index
    %get3A_281 = tpu.vector_load %arg13[%get3A_280] {strides = array<i32>} : memref<64xi32, #tpu.memory_space<vmem>>, vector<16xi32>,
    %get3A_282 = vector.shape_cast %get3A_281 : vector<16xi32> to vector<16xi32>
    %add3A_283 = vector.broadcast %mul3A_74 : i32 to vector<16xi32>
    %add3A_284 = arith.addi %get3A_282, %add3A_283 : vector<16xi32>
    %swap3A_285 = arith.constant 3 : i32
    %swap3A_286 = arith.index_cast %swap3A_285 : i32 to index
    %swap3A_287 = arith.constant 48 : index
    %swap3A_288 = tpu.vector_load %arg14[%swap3A_286, %swap3A_287] {strides = array<i32>} : memref<11x64xi32, #tpu.memory_space<vmem>>, vector<1x16xi32>,
    %swap3A_289 = vector.shape_cast %swap3A_288 : vector<1x16xi32> to vector<16xi32>
    %swap3A_290 = vector.shape_cast %add3A_284 : vector<16xi32> to vector<1x16xi32>
    tpu.vector_store %arg14[%swap3A_286, %swap3A_287], %swap3A_290 {strides = array<i32>} : memref<11x64xi32, #tpu.memory_space<vmem>>, vector<1x16xi32>,
    %get3A_291 = arith.constant 0 : index
    %get3A_292 = tpu.vector_load %arg13[%get3A_291] {strides = array<i32>} : memref<64xi32, #tpu.memory_space<vmem>>, vector<16xi32>,
    %get3A_293 = vector.shape_cast %get3A_292 : vector<16xi32> to vector<16xi32>
    %add3A_294 = vector.broadcast %mul3A_80 : i32 to vector<16xi32>
    %add3A_295 = arith.addi %get3A_293, %add3A_294 : vector<16xi32>
    %swap3A_296 = arith.constant 4 : i32
    %swap3A_297 = arith.index_cast %swap3A_296 : i32 to index
    %swap3A_298 = arith.constant 0 : index
    %swap3A_299 = tpu.vector_load %arg14[%swap3A_297, %swap3A_298] {strides = array<i32>} : memref<11x64xi32, #tpu.memory_space<vmem>>, vector<1x16xi32>,
    %swap3A_300 = vector.shape_cast %swap3A_299 : vector<1x16xi32> to vector<16xi32>
    %swap3A_301 = vector.shape_cast %add3A_295 : vector<16xi32> to vector<1x16xi32>
    tpu.vector_store %arg14[%swap3A_297, %swap3A_298], %swap3A_301 {strides = array<i32>} : memref<11x64xi32, #tpu.memory_space<vmem>>, vector<1x16xi32>,
    %get3A_302 = arith.constant 16 : index
    %get3A_303 = tpu.vector_load %arg13[%get3A_302] {strides = array<i32>} : memref<64xi32, #tpu.memory_space<vmem>>, vector<16xi32>,
    %get3A_304 = vector.shape_cast %get3A_303 : vector<16xi32> to vector<16xi32>
    %add3A_305 = vector.broadcast %mul3A_80 : i32 to vector<16xi32>
    %add3A_306 = arith.addi %get3A_304, %add3A_305 : vector<16xi32>
    %swap3A_307 = arith.constant 4 : i32
    %swap3A_308 = arith.index_cast %swap3A_307 : i32 to index
    %swap3A_309 = arith.constant 16 : index
    %swap3A_310 = tpu.vector_load %arg14[%swap3A_308, %swap3A_309] {strides = array<i32>} : memref<11x64xi32, #tpu.memory_space<vmem>>, vector<1x16xi32>,
    %swap3A_311 = vector.shape_cast %swap3A_310 : vector<1x16xi32> to vector<16xi32>
    %swap3A_312 = vector.shape_cast %add3A_306 : vector<16xi32> to vector<1x16xi32>
    tpu.vector_store %arg14[%swap3A_308, %swap3A_309], %swap3A_312 {strides = array<i32>} : memref<11x64xi32, #tpu.memory_space<vmem>>, vector<1x16xi32>,
    %get3A_313 = arith.constant 32 : index
    %get3A_314 = tpu.vector_load %arg13[%get3A_313] {strides = array<i32>} : memref<64xi32, #tpu.memory_space<vmem>>, vector<16xi32>,
    %get3A_315 = vector.shape_cast %get3A_314 : vector<16xi32> to vector<16xi32>
    %add3A_316 = vector.broadcast %mul3A_80 : i32 to vector<16xi32>
    %add3A_317 = arith.addi %get3A_315, %add3A_316 : vector<16xi32>
    %swap3A_318 = arith.constant 4 : i32
    %swap3A_319 = arith.index_cast %swap3A_318 : i32 to index
    %swap3A_320 = arith.constant 32 : index
    %swap3A_321 = tpu.vector_load %arg14[%swap3A_319, %swap3A_320] {strides = array<i32>} : memref<11x64xi32, #tpu.memory_space<vmem>>, vector<1x16xi32>,
    %swap3A_322 = vector.shape_cast %swap3A_321 : vector<1x16xi32> to vector<16xi32>
    %swap3A_323 = vector.shape_cast %add3A_317 : vector<16xi32> to vector<1x16xi32>
    tpu.vector_store %arg14[%swap3A_319, %swap3A_320], %swap3A_323 {strides = array<i32>} : memref<11x64xi32, #tpu.memory_space<vmem>>, vector<1x16xi32>,
    %get3A_324 = arith.constant 48 : index
    %get3A_325 = tpu.vector_load %arg13[%get3A_324] {strides = array<i32>} : memref<64xi32, #tpu.memory_space<vmem>>, vector<16xi32>,
    %get3A_326 = vector.shape_cast %get3A_325 : vector<16xi32> to vector<16xi32>
    %add3A_327 = vector.broadcast %mul3A_80 : i32 to vector<16xi32>
    %add3A_328 = arith.addi %get3A_326, %add3A_327 : vector<16xi32>
    %swap3A_329 = arith.constant 4 : i32
    %swap3A_330 = arith.index_cast %swap3A_329 : i32 to index
    %swap3A_331 = arith.constant 48 : index
    %swap3A_332 = tpu.vector_load %arg14[%swap3A_330, %swap3A_331] {strides = array<i32>} : memref<11x64xi32, #tpu.memory_space<vmem>>, vector<1x16xi32>,
    %swap3A_333 = vector.shape_cast %swap3A_332 : vector<1x16xi32> to vector<16xi32>
    %swap3A_334 = vector.shape_cast %add3A_328 : vector<16xi32> to vector<1x16xi32>
    tpu.vector_store %arg14[%swap3A_330, %swap3A_331], %swap3A_334 {strides = array<i32>} : memref<11x64xi32, #tpu.memory_space<vmem>>, vector<1x16xi32>,
    %get3A_335 = arith.constant 0 : index
    %get3A_336 = tpu.vector_load %arg13[%get3A_335] {strides = array<i32>} : memref<64xi32, #tpu.memory_space<vmem>>, vector<16xi32>,
    %get3A_337 = vector.shape_cast %get3A_336 : vector<16xi32> to vector<16xi32>
    %add3A_338 = vector.broadcast %mul3A_86 : i32 to vector<16xi32>
    %add3A_339 = arith.addi %get3A_337, %add3A_338 : vector<16xi32>
    %swap3A_340 = arith.constant 5 : i32
    %swap3A_341 = arith.index_cast %swap3A_340 : i32 to index
    %swap3A_342 = arith.constant 0 : index
    %swap3A_343 = tpu.vector_load %arg14[%swap3A_341, %swap3A_342] {strides = array<i32>} : memref<11x64xi32, #tpu.memory_space<vmem>>, vector<1x16xi32>,
    %swap3A_344 = vector.shape_cast %swap3A_343 : vector<1x16xi32> to vector<16xi32>
    %swap3A_345 = vector.shape_cast %add3A_339 : vector<16xi32> to vector<1x16xi32>
    tpu.vector_store %arg14[%swap3A_341, %swap3A_342], %swap3A_345 {strides = array<i32>} : memref<11x64xi32, #tpu.memory_space<vmem>>, vector<1x16xi32>,
    %get3A_346 = arith.constant 16 : index
    %get3A_347 = tpu.vector_load %arg13[%get3A_346] {strides = array<i32>} : memref<64xi32, #tpu.memory_space<vmem>>, vector<16xi32>,
    %get3A_348 = vector.shape_cast %get3A_347 : vector<16xi32> to vector<16xi32>
    %add3A_349 = vector.broadcast %mul3A_86 : i32 to vector<16xi32>
    %add3A_350 = arith.addi %get3A_348, %add3A_349 : vector<16xi32>
    %swap3A_351 = arith.constant 5 : i32
    %swap3A_352 = arith.index_cast %swap3A_351 : i32 to index
    %swap3A_353 = arith.constant 16 : index
    %swap3A_354 = tpu.vector_load %arg14[%swap3A_352, %swap3A_353] {strides = array<i32>} : memref<11x64xi32, #tpu.memory_space<vmem>>, vector<1x16xi32>,
    %swap3A_355 = vector.shape_cast %swap3A_354 : vector<1x16xi32> to vector<16xi32>
    %swap3A_356 = vector.shape_cast %add3A_350 : vector<16xi32> to vector<1x16xi32>
    tpu.vector_store %arg14[%swap3A_352, %swap3A_353], %swap3A_356 {strides = array<i32>} : memref<11x64xi32, #tpu.memory_space<vmem>>, vector<1x16xi32>,
    %get3A_357 = arith.constant 32 : index
    %get3A_358 = tpu.vector_load %arg13[%get3A_357] {strides = array<i32>} : memref<64xi32, #tpu.memory_space<vmem>>, vector<16xi32>,
    %get3A_359 = vector.shape_cast %get3A_358 : vector<16xi32> to vector<16xi32>
    %add3A_360 = vector.broadcast %mul3A_86 : i32 to vector<16xi32>
    %add3A_361 = arith.addi %get3A_359, %add3A_360 : vector<16xi32>
    %swap3A_362 = arith.constant 5 : i32
    %swap3A_363 = arith.index_cast %swap3A_362 : i32 to index
    %swap3A_364 = arith.constant 32 : index
    %swap3A_365 = tpu.vector_load %arg14[%swap3A_363, %swap3A_364] {strides = array<i32>} : memref<11x64xi32, #tpu.memory_space<vmem>>, vector<1x16xi32>,
    %swap3A_366 = vector.shape_cast %swap3A_365 : vector<1x16xi32> to vector<16xi32>
    %swap3A_367 = vector.shape_cast %add3A_361 : vector<16xi32> to vector<1x16xi32>
    tpu.vector_store %arg14[%swap3A_363, %swap3A_364], %swap3A_367 {strides = array<i32>} : memref<11x64xi32, #tpu.memory_space<vmem>>, vector<1x16xi32>,
    %get3A_368 = arith.constant 48 : index
    %get3A_369 = tpu.vector_load %arg13[%get3A_368] {strides = array<i32>} : memref<64xi32, #tpu.memory_space<vmem>>, vector<16xi32>,
    %get3A_370 = vector.shape_cast %get3A_369 : vector<16xi32> to vector<16xi32>
    %add3A_371 = vector.broadcast %mul3A_86 : i32 to vector<16xi32>
    %add3A_372 = arith.addi %get3A_370, %add3A_371 : vector<16xi32>
    %swap3A_373 = arith.constant 5 : i32
    %swap3A_374 = arith.index_cast %swap3A_373 : i32 to index
    %swap3A_375 = arith.constant 48 : index
    %swap3A_376 = tpu.vector_load %arg14[%swap3A_374, %swap3A_375] {strides = array<i32>} : memref<11x64xi32, #tpu.memory_space<vmem>>, vector<1x16xi32>,
    %swap3A_377 = vector.shape_cast %swap3A_376 : vector<1x16xi32> to vector<16xi32>
    %swap3A_378 = vector.shape_cast %add3A_372 : vector<16xi32> to vector<1x16xi32>
    tpu.vector_store %arg14[%swap3A_374, %swap3A_375], %swap3A_378 {strides = array<i32>} : memref<11x64xi32, #tpu.memory_space<vmem>>, vector<1x16xi32>,
    %get3A_379 = arith.constant 0 : index
    %get3A_380 = tpu.vector_load %arg13[%get3A_379] {strides = array<i32>} : memref<64xi32, #tpu.memory_space<vmem>>, vector<16xi32>,
    %get3A_381 = vector.shape_cast %get3A_380 : vector<16xi32> to vector<16xi32>
    %add3A_382 = vector.broadcast %mul3A_92 : i32 to vector<16xi32>
    %add3A_383 = arith.addi %get3A_381, %add3A_382 : vector<16xi32>
    %swap3A_384 = arith.constant 6 : i32
    %swap3A_385 = arith.index_cast %swap3A_384 : i32 to index
    %swap3A_386 = arith.constant 0 : index
    %swap3A_387 = tpu.vector_load %arg14[%swap3A_385, %swap3A_386] {strides = array<i32>} : memref<11x64xi32, #tpu.memory_space<vmem>>, vector<1x16xi32>,
    %swap3A_388 = vector.shape_cast %swap3A_387 : vector<1x16xi32> to vector<16xi32>
    %swap3A_389 = vector.shape_cast %add3A_383 : vector<16xi32> to vector<1x16xi32>
    tpu.vector_store %arg14[%swap3A_385, %swap3A_386], %swap3A_389 {strides = array<i32>} : memref<11x64xi32, #tpu.memory_space<vmem>>, vector<1x16xi32>,
    %get3A_390 = arith.constant 16 : index
    %get3A_391 = tpu.vector_load %arg13[%get3A_390] {strides = array<i32>} : memref<64xi32, #tpu.memory_space<vmem>>, vector<16xi32>,
    %get3A_392 = vector.shape_cast %get3A_391 : vector<16xi32> to vector<16xi32>
    %add3A_393 = vector.broadcast %mul3A_92 : i32 to vector<16xi32>
    %add3A_394 = arith.addi %get3A_392, %add3A_393 : vector<16xi32>
    %swap3A_395 = arith.constant 6 : i32
    %swap3A_396 = arith.index_cast %swap3A_395 : i32 to index
    %swap3A_397 = arith.constant 16 : index
    %swap3A_398 = tpu.vector_load %arg14[%swap3A_396, %swap3A_397] {strides = array<i32>} : memref<11x64xi32, #tpu.memory_space<vmem>>, vector<1x16xi32>,
    %swap3A_399 = vector.shape_cast %swap3A_398 : vector<1x16xi32> to vector<16xi32>
    %swap3A_400 = vector.shape_cast %add3A_394 : vector<16xi32> to vector<1x16xi32>
    tpu.vector_store %arg14[%swap3A_396, %swap3A_397], %swap3A_400 {strides = array<i32>} : memref<11x64xi32, #tpu.memory_space<vmem>>, vector<1x16xi32>,
    %get3A_401 = arith.constant 32 : index
    %get3A_402 = tpu.vector_load %arg13[%get3A_401] {strides = array<i32>} : memref<64xi32, #tpu.memory_space<vmem>>, vector<16xi32>,
    %get3A_403 = vector.shape_cast %get3A_402 : vector<16xi32> to vector<16xi32>
    %add3A_404 = vector.broadcast %mul3A_92 : i32 to vector<16xi32>
    %add3A_405 = arith.addi %get3A_403, %add3A_404 : vector<16xi32>
    %swap3A_406 = arith.constant 6 : i32
    %swap3A_407 = arith.index_cast %swap3A_406 : i32 to index
    %swap3A_408 = arith.constant 32 : index
    %swap3A_409 = tpu.vector_load %arg14[%swap3A_407, %swap3A_408] {strides = array<i32>} : memref<11x64xi32, #tpu.memory_space<vmem>>, vector<1x16xi32>,
    %swap3A_410 = vector.shape_cast %swap3A_409 : vector<1x16xi32> to vector<16xi32>
    %swap3A_411 = vector.shape_cast %add3A_405 : vector<16xi32> to vector<1x16xi32>
    tpu.vector_store %arg14[%swap3A_407, %swap3A_408], %swap3A_411 {strides = array<i32>} : memref<11x64xi32, #tpu.memory_space<vmem>>, vector<1x16xi32>,
    %get3A_412 = arith.constant 48 : index
    %get3A_413 = tpu.vector_load %arg13[%get3A_412] {strides = array<i32>} : memref<64xi32, #tpu.memory_space<vmem>>, vector<16xi32>,
    %get3A_414 = vector.shape_cast %get3A_413 : vector<16xi32> to vector<16xi32>
    %add3A_415 = vector.broadcast %mul3A_92 : i32 to vector<16xi32>
    %add3A_416 = arith.addi %get3A_414, %add3A_415 : vector<16xi32>
    %swap3A_417 = arith.constant 6 : i32
    %swap3A_418 = arith.index_cast %swap3A_417 : i32 to index
    %swap3A_419 = arith.constant 48 : index
    %swap3A_420 = tpu.vector_load %arg14[%swap3A_418, %swap3A_419] {strides = array<i32>} : memref<11x64xi32, #tpu.memory_space<vmem>>, vector<1x16xi32>,
    %swap3A_421 = vector.shape_cast %swap3A_420 : vector<1x16xi32> to vector<16xi32>
    %swap3A_422 = vector.shape_cast %add3A_416 : vector<16xi32> to vector<1x16xi32>
    tpu.vector_store %arg14[%swap3A_418, %swap3A_419], %swap3A_422 {strides = array<i32>} : memref<11x64xi32, #tpu.memory_space<vmem>>, vector<1x16xi32>,
    %get3A_423 = arith.constant 0 : index
    %get3A_424 = tpu.vector_load %arg13[%get3A_423] {strides = array<i32>} : memref<64xi32, #tpu.memory_space<vmem>>, vector<16xi32>,
    %get3A_425 = vector.shape_cast %get3A_424 : vector<16xi32> to vector<16xi32>
    %add3A_426 = vector.broadcast %mul3A_98 : i32 to vector<16xi32>
    %add3A_427 = arith.addi %get3A_425, %add3A_426 : vector<16xi32>
    %swap3A_428 = arith.constant 7 : i32
    %swap3A_429 = arith.index_cast %swap3A_428 : i32 to index
    %swap3A_430 = arith.constant 0 : index
    %swap3A_431 = tpu.vector_load %arg14[%swap3A_429, %swap3A_430] {strides = array<i32>} : memref<11x64xi32, #tpu.memory_space<vmem>>, vector<1x16xi32>,
    %swap3A_432 = vector.shape_cast %swap3A_431 : vector<1x16xi32> to vector<16xi32>
    %swap3A_433 = vector.shape_cast %add3A_427 : vector<16xi32> to vector<1x16xi32>
    tpu.vector_store %arg14[%swap3A_429, %swap3A_430], %swap3A_433 {strides = array<i32>} : memref<11x64xi32, #tpu.memory_space<vmem>>, vector<1x16xi32>,
    %get3A_434 = arith.constant 16 : index
    %get3A_435 = tpu.vector_load %arg13[%get3A_434] {strides = array<i32>} : memref<64xi32, #tpu.memory_space<vmem>>, vector<16xi32>,
    %get3A_436 = vector.shape_cast %get3A_435 : vector<16xi32> to vector<16xi32>
    %add3A_437 = vector.broadcast %mul3A_98 : i32 to vector<16xi32>
    %add3A_438 = arith.addi %get3A_436, %add3A_437 : vector<16xi32>
    %swap3A_439 = arith.constant 7 : i32
    %swap3A_440 = arith.index_cast %swap3A_439 : i32 to index
    %swap3A_441 = arith.constant 16 : index
    %swap3A_442 = tpu.vector_load %arg14[%swap3A_440, %swap3A_441] {strides = array<i32>} : memref<11x64xi32, #tpu.memory_space<vmem>>, vector<1x16xi32>,
    %swap3A_443 = vector.shape_cast %swap3A_442 : vector<1x16xi32> to vector<16xi32>
    %swap3A_444 = vector.shape_cast %add3A_438 : vector<16xi32> to vector<1x16xi32>
    tpu.vector_store %arg14[%swap3A_440, %swap3A_441], %swap3A_444 {strides = array<i32>} : memref<11x64xi32, #tpu.memory_space<vmem>>, vector<1x16xi32>,
    %get3A_445 = arith.constant 32 : index
    %get3A_446 = tpu.vector_load %arg13[%get3A_445] {strides = array<i32>} : memref<64xi32, #tpu.memory_space<vmem>>, vector<16xi32>,
    %get3A_447 = vector.shape_cast %get3A_446 : vector<16xi32> to vector<16xi32>
    %add3A_448 = vector.broadcast %mul3A_98 : i32 to vector<16xi32>
    %add3A_449 = arith.addi %get3A_447, %add3A_448 : vector<16xi32>
    %swap3A_450 = arith.constant 7 : i32
    %swap3A_451 = arith.index_cast %swap3A_450 : i32 to index
    %swap3A_452 = arith.constant 32 : index
    %swap3A_453 = tpu.vector_load %arg14[%swap3A_451, %swap3A_452] {strides = array<i32>} : memref<11x64xi32, #tpu.memory_space<vmem>>, vector<1x16xi32>,
    %swap3A_454 = vector.shape_cast %swap3A_453 : vector<1x16xi32> to vector<16xi32>
    %swap3A_455 = vector.shape_cast %add3A_449 : vector<16xi32> to vector<1x16xi32>
    tpu.vector_store %arg14[%swap3A_451, %swap3A_452], %swap3A_455 {strides = array<i32>} : memref<11x64xi32, #tpu.memory_space<vmem>>, vector<1x16xi32>,
    %get3A_456 = arith.constant 48 : index
    %get3A_457 = tpu.vector_load %arg13[%get3A_456] {strides = array<i32>} : memref<64xi32, #tpu.memory_space<vmem>>, vector<16xi32>,
    %get3A_458 = vector.shape_cast %get3A_457 : vector<16xi32> to vector<16xi32>
    %add3A_459 = vector.broadcast %mul3A_98 : i32 to vector<16xi32>
    %add3A_460 = arith.addi %get3A_458, %add3A_459 : vector<16xi32>
    %swap3A_461 = arith.constant 7 : i32
    %swap3A_462 = arith.index_cast %swap3A_461 : i32 to index
    %swap3A_463 = arith.constant 48 : index
    %swap3A_464 = tpu.vector_load %arg14[%swap3A_462, %swap3A_463] {strides = array<i32>} : memref<11x64xi32, #tpu.memory_space<vmem>>, vector<1x16xi32>,
    %swap3A_465 = vector.shape_cast %swap3A_464 : vector<1x16xi32> to vector<16xi32>
    %swap3A_466 = vector.shape_cast %add3A_460 : vector<16xi32> to vector<1x16xi32>
    tpu.vector_store %arg14[%swap3A_462, %swap3A_463], %swap3A_466 {strides = array<i32>} : memref<11x64xi32, #tpu.memory_space<vmem>>, vector<1x16xi32>,
    %get3A_467 = arith.constant 0 : index
    %get3A_468 = tpu.vector_load %arg13[%get3A_467] {strides = array<i32>} : memref<64xi32, #tpu.memory_space<vmem>>, vector<16xi32>,
    %get3A_469 = vector.shape_cast %get3A_468 : vector<16xi32> to vector<16xi32>
    %add3A_470 = vector.broadcast %mul3A_104 : i32 to vector<16xi32>
    %add3A_471 = arith.addi %get3A_469, %add3A_470 : vector<16xi32>
    %swap3A_472 = arith.constant 8 : i32
    %swap3A_473 = arith.index_cast %swap3A_472 : i32 to index
    %swap3A_474 = arith.constant 0 : index
    %swap3A_475 = tpu.vector_load %arg14[%swap3A_473, %swap3A_474] {strides = array<i32>} : memref<11x64xi32, #tpu.memory_space<vmem>>, vector<1x16xi32>,
    %swap3A_476 = vector.shape_cast %swap3A_475 : vector<1x16xi32> to vector<16xi32>
    %swap3A_477 = vector.shape_cast %add3A_471 : vector<16xi32> to vector<1x16xi32>
    tpu.vector_store %arg14[%swap3A_473, %swap3A_474], %swap3A_477 {strides = array<i32>} : memref<11x64xi32, #tpu.memory_space<vmem>>, vector<1x16xi32>,
    %get3A_478 = arith.constant 16 : index
    %get3A_479 = tpu.vector_load %arg13[%get3A_478] {strides = array<i32>} : memref<64xi32, #tpu.memory_space<vmem>>, vector<16xi32>,
    %get3A_480 = vector.shape_cast %get3A_479 : vector<16xi32> to vector<16xi32>
    %add3A_481 = vector.broadcast %mul3A_104 : i32 to vector<16xi32>
    %add3A_482 = arith.addi %get3A_480, %add3A_481 : vector<16xi32>
    %swap3A_483 = arith.constant 8 : i32
    %swap3A_484 = arith.index_cast %swap3A_483 : i32 to index
    %swap3A_485 = arith.constant 16 : index
    %swap3A_486 = tpu.vector_load %arg14[%swap3A_484, %swap3A_485] {strides = array<i32>} : memref<11x64xi32, #tpu.memory_space<vmem>>, vector<1x16xi32>,
    %swap3A_487 = vector.shape_cast %swap3A_486 : vector<1x16xi32> to vector<16xi32>
    %swap3A_488 = vector.shape_cast %add3A_482 : vector<16xi32> to vector<1x16xi32>
    tpu.vector_store %arg14[%swap3A_484, %swap3A_485], %swap3A_488 {strides = array<i32>} : memref<11x64xi32, #tpu.memory_space<vmem>>, vector<1x16xi32>,
    %get3A_489 = arith.constant 32 : index
    %get3A_490 = tpu.vector_load %arg13[%get3A_489] {strides = array<i32>} : memref<64xi32, #tpu.memory_space<vmem>>, vector<16xi32>,
    %get3A_491 = vector.shape_cast %get3A_490 : vector<16xi32> to vector<16xi32>
    %add3A_492 = vector.broadcast %mul3A_104 : i32 to vector<16xi32>
    %add3A_493 = arith.addi %get3A_491, %add3A_492 : vector<16xi32>
    %swap3A_494 = arith.constant 8 : i32
    %swap3A_495 = arith.index_cast %swap3A_494 : i32 to index
    %swap3A_496 = arith.constant 32 : index
    %swap3A_497 = tpu.vector_load %arg14[%swap3A_495, %swap3A_496] {strides = array<i32>} : memref<11x64xi32, #tpu.memory_space<vmem>>, vector<1x16xi32>,
    %swap3A_498 = vector.shape_cast %swap3A_497 : vector<1x16xi32> to vector<16xi32>
    %swap3A_499 = vector.shape_cast %add3A_493 : vector<16xi32> to vector<1x16xi32>
    tpu.vector_store %arg14[%swap3A_495, %swap3A_496], %swap3A_499 {strides = array<i32>} : memref<11x64xi32, #tpu.memory_space<vmem>>, vector<1x16xi32>,
    %get3A_500 = arith.constant 48 : index
    %get3A_501 = tpu.vector_load %arg13[%get3A_500] {strides = array<i32>} : memref<64xi32, #tpu.memory_space<vmem>>, vector<16xi32>,
    %get3A_502 = vector.shape_cast %get3A_501 : vector<16xi32> to vector<16xi32>
    %add3A_503 = vector.broadcast %mul3A_104 : i32 to vector<16xi32>
    %add3A_504 = arith.addi %get3A_502, %add3A_503 : vector<16xi32>
    %swap3A_505 = arith.constant 8 : i32
    %swap3A_506 = arith.index_cast %swap3A_505 : i32 to index
    %swap3A_507 = arith.constant 48 : index
    %swap3A_508 = tpu.vector_load %arg14[%swap3A_506, %swap3A_507] {strides = array<i32>} : memref<11x64xi32, #tpu.memory_space<vmem>>, vector<1x16xi32>,
    %swap3A_509 = vector.shape_cast %swap3A_508 : vector<1x16xi32> to vector<16xi32>
    %swap3A_510 = vector.shape_cast %add3A_504 : vector<16xi32> to vector<1x16xi32>
    tpu.vector_store %arg14[%swap3A_506, %swap3A_507], %swap3A_510 {strides = array<i32>} : memref<11x64xi32, #tpu.memory_space<vmem>>, vector<1x16xi32>,
    %get3A_511 = arith.constant 0 : index
    %get3A_512 = tpu.vector_load %arg13[%get3A_511] {strides = array<i32>} : memref<64xi32, #tpu.memory_space<vmem>>, vector<16xi32>,
    %get3A_513 = vector.shape_cast %get3A_512 : vector<16xi32> to vector<16xi32>
    %add3A_514 = vector.broadcast %mul3A_110 : i32 to vector<16xi32>
    %add3A_515 = arith.addi %get3A_513, %add3A_514 : vector<16xi32>
    %swap3A_516 = arith.constant 9 : i32
    %swap3A_517 = arith.index_cast %swap3A_516 : i32 to index
    %swap3A_518 = arith.constant 0 : index
    %swap3A_519 = tpu.vector_load %arg14[%swap3A_517, %swap3A_518] {strides = array<i32>} : memref<11x64xi32, #tpu.memory_space<vmem>>, vector<1x16xi32>,
    %swap3A_520 = vector.shape_cast %swap3A_519 : vector<1x16xi32> to vector<16xi32>
    %swap3A_521 = vector.shape_cast %add3A_515 : vector<16xi32> to vector<1x16xi32>
    tpu.vector_store %arg14[%swap3A_517, %swap3A_518], %swap3A_521 {strides = array<i32>} : memref<11x64xi32, #tpu.memory_space<vmem>>, vector<1x16xi32>,
    %get3A_522 = arith.constant 16 : index
    %get3A_523 = tpu.vector_load %arg13[%get3A_522] {strides = array<i32>} : memref<64xi32, #tpu.memory_space<vmem>>, vector<16xi32>,
    %get3A_524 = vector.shape_cast %get3A_523 : vector<16xi32> to vector<16xi32>
    %add3A_525 = vector.broadcast %mul3A_110 : i32 to vector<16xi32>
    %add3A_526 = arith.addi %get3A_524, %add3A_525 : vector<16xi32>
    %swap3A_527 = arith.constant 9 : i32
    %swap3A_528 = arith.index_cast %swap3A_527 : i32 to index
    %swap3A_529 = arith.constant 16 : index
    %swap3A_530 = tpu.vector_load %arg14[%swap3A_528, %swap3A_529] {strides = array<i32>} : memref<11x64xi32, #tpu.memory_space<vmem>>, vector<1x16xi32>,
    %swap3A_531 = vector.shape_cast %swap3A_530 : vector<1x16xi32> to vector<16xi32>
    %swap3A_532 = vector.shape_cast %add3A_526 : vector<16xi32> to vector<1x16xi32>
    tpu.vector_store %arg14[%swap3A_528, %swap3A_529], %swap3A_532 {strides = array<i32>} : memref<11x64xi32, #tpu.memory_space<vmem>>, vector<1x16xi32>,
    %get3A_533 = arith.constant 32 : index
    %get3A_534 = tpu.vector_load %arg13[%get3A_533] {strides = array<i32>} : memref<64xi32, #tpu.memory_space<vmem>>, vector<16xi32>,
    %get3A_535 = vector.shape_cast %get3A_534 : vector<16xi32> to vector<16xi32>
    %add3A_536 = vector.broadcast %mul3A_110 : i32 to vector<16xi32>
    %add3A_537 = arith.addi %get3A_535, %add3A_536 : vector<16xi32>
    %swap3A_538 = arith.constant 9 : i32
    %swap3A_539 = arith.index_cast %swap3A_538 : i32 to index
    %swap3A_540 = arith.constant 32 : index
    %swap3A_541 = tpu.vector_load %arg14[%swap3A_539, %swap3A_540] {strides = array<i32>} : memref<11x64xi32, #tpu.memory_space<vmem>>, vector<1x16xi32>,
    %swap3A_542 = vector.shape_cast %swap3A_541 : vector<1x16xi32> to vector<16xi32>
    %swap3A_543 = vector.shape_cast %add3A_537 : vector<16xi32> to vector<1x16xi32>
    tpu.vector_store %arg14[%swap3A_539, %swap3A_540], %swap3A_543 {strides = array<i32>} : memref<11x64xi32, #tpu.memory_space<vmem>>, vector<1x16xi32>,
    %get3A_544 = arith.constant 48 : index
    %get3A_545 = tpu.vector_load %arg13[%get3A_544] {strides = array<i32>} : memref<64xi32, #tpu.memory_space<vmem>>, vector<16xi32>,
    %get3A_546 = vector.shape_cast %get3A_545 : vector<16xi32> to vector<16xi32>
    %add3A_547 = vector.broadcast %mul3A_110 : i32 to vector<16xi32>
    %add3A_548 = arith.addi %get3A_546, %add3A_547 : vector<16xi32>
    %swap3A_549 = arith.constant 9 : i32
    %swap3A_550 = arith.index_cast %swap3A_549 : i32 to index
    %swap3A_551 = arith.constant 48 : index
    %swap3A_552 = tpu.vector_load %arg14[%swap3A_550, %swap3A_551] {strides = array<i32>} : memref<11x64xi32, #tpu.memory_space<vmem>>, vector<1x16xi32>,
    %swap3A_553 = vector.shape_cast %swap3A_552 : vector<1x16xi32> to vector<16xi32>
    %swap3A_554 = vector.shape_cast %add3A_548 : vector<16xi32> to vector<1x16xi32>
    tpu.vector_store %arg14[%swap3A_550, %swap3A_551], %swap3A_554 {strides = array<i32>} : memref<11x64xi32, #tpu.memory_space<vmem>>, vector<1x16xi32>,
    %get3A_555 = arith.constant 0 : index
    %get3A_556 = tpu.vector_load %arg13[%get3A_555] {strides = array<i32>} : memref<64xi32, #tpu.memory_space<vmem>>, vector<16xi32>,
    %get3A_557 = vector.shape_cast %get3A_556 : vector<16xi32> to vector<16xi32>
    %add3A_558 = vector.broadcast %mul3A_116 : i32 to vector<16xi32>
    %add3A_559 = arith.addi %get3A_557, %add3A_558 : vector<16xi32>
    %swap3A_560 = arith.constant 10 : i32
    %swap3A_561 = arith.index_cast %swap3A_560 : i32 to index
    %swap3A_562 = arith.constant 0 : index
    %swap3A_563 = tpu.vector_load %arg14[%swap3A_561, %swap3A_562] {strides = array<i32>} : memref<11x64xi32, #tpu.memory_space<vmem>>, vector<1x16xi32>,
    %swap3A_564 = vector.shape_cast %swap3A_563 : vector<1x16xi32> to vector<16xi32>
    %swap3A_565 = vector.shape_cast %add3A_559 : vector<16xi32> to vector<1x16xi32>
    tpu.vector_store %arg14[%swap3A_561, %swap3A_562], %swap3A_565 {strides = array<i32>} : memref<11x64xi32, #tpu.memory_space<vmem>>, vector<1x16xi32>,
    %get3A_566 = arith.constant 16 : index
    %get3A_567 = tpu.vector_load %arg13[%get3A_566] {strides = array<i32>} : memref<64xi32, #tpu.memory_space<vmem>>, vector<16xi32>,
    %get3A_568 = vector.shape_cast %get3A_567 : vector<16xi32> to vector<16xi32>
    %add3A_569 = vector.broadcast %mul3A_116 : i32 to vector<16xi32>
    %add3A_570 = arith.addi %get3A_568, %add3A_569 : vector<16xi32>
    %swap3A_571 = arith.constant 10 : i32
    %swap3A_572 = arith.index_cast %swap3A_571 : i32 to index
    %swap3A_573 = arith.constant 16 : index
    %swap3A_574 = tpu.vector_load %arg14[%swap3A_572, %swap3A_573] {strides = array<i32>} : memref<11x64xi32, #tpu.memory_space<vmem>>, vector<1x16xi32>,
    %swap3A_575 = vector.shape_cast %swap3A_574 : vector<1x16xi32> to vector<16xi32>
    %swap3A_576 = vector.shape_cast %add3A_570 : vector<16xi32> to vector<1x16xi32>
    tpu.vector_store %arg14[%swap3A_572, %swap3A_573], %swap3A_576 {strides = array<i32>} : memref<11x64xi32, #tpu.memory_space<vmem>>, vector<1x16xi32>,
    %get3A_577 = arith.constant 32 : index
    %get3A_578 = tpu.vector_load %arg13[%get3A_577] {strides = array<i32>} : memref<64xi32, #tpu.memory_space<vmem>>, vector<16xi32>,
    %get3A_579 = vector.shape_cast %get3A_578 : vector<16xi32> to vector<16xi32>
    %add3A_580 = vector.broadcast %mul3A_116 : i32 to vector<16xi32>
    %add3A_581 = arith.addi %get3A_579, %add3A_580 : vector<16xi32>
    %swap3A_582 = arith.constant 10 : i32
    %swap3A_583 = arith.index_cast %swap3A_582 : i32 to index
    %swap3A_584 = arith.constant 32 : index
    %swap3A_585 = tpu.vector_load %arg14[%swap3A_583, %swap3A_584] {strides = array<i32>} : memref<11x64xi32, #tpu.memory_space<vmem>>, vector<1x16xi32>,
    %swap3A_586 = vector.shape_cast %swap3A_585 : vector<1x16xi32> to vector<16xi32>
    %swap3A_587 = vector.shape_cast %add3A_581 : vector<16xi32> to vector<1x16xi32>
    tpu.vector_store %arg14[%swap3A_583, %swap3A_584], %swap3A_587 {strides = array<i32>} : memref<11x64xi32, #tpu.memory_space<vmem>>, vector<1x16xi32>,
    %get3A_588 = arith.constant 48 : index
    %get3A_589 = tpu.vector_load %arg13[%get3A_588] {strides = array<i32>} : memref<64xi32, #tpu.memory_space<vmem>>, vector<16xi32>,
    %get3A_590 = vector.shape_cast %get3A_589 : vector<16xi32> to vector<16xi32>
    %add3A_591 = vector.broadcast %mul3A_116 : i32 to vector<16xi32>
    %add3A_592 = arith.addi %get3A_590, %add3A_591 : vector<16xi32>
    %swap3A_593 = arith.constant 10 : i32
    %swap3A_594 = arith.index_cast %swap3A_593 : i32 to index
    %swap3A_595 = arith.constant 48 : index
    %swap3A_596 = tpu.vector_load %arg14[%swap3A_594, %swap3A_595] {strides = array<i32>} : memref<11x64xi32, #tpu.memory_space<vmem>>, vector<1x16xi32>,
    %swap3A_597 = vector.shape_cast %swap3A_596 : vector<1x16xi32> to vector<16xi32>
    %swap3A_598 = vector.shape_cast %add3A_592 : vector<16xi32> to vector<1x16xi32>
    tpu.vector_store %arg14[%swap3A_594, %swap3A_595], %swap3A_598 {strides = array<i32>} : memref<11x64xi32, #tpu.memory_space<vmem>>, vector<1x16xi32>,
    %dma_start3A = arith.constant 0 : i32
    %dma_start3A_599 = arith.constant 0 : i32
    %dma_start3A_600 = arith.constant 0 : i32
    %dma_start3A_601 = tpu.memref_slice %arg15[%dma_start3A_599, %dma_start3A_600] : memref<11x64xf32, #tpu.memory_space<vmem>> -> memref<1x64xf32, #tpu.memory_space<vmem>>
    %dma_start3A_602 = tpu.memref_squeeze %dma_start3A_601 : memref<1x64xf32, #tpu.memory_space<vmem>> -> memref<64xf32, #tpu.memory_space<vmem>>
    %dma_start3A_603 = arith.constant 0 : i32
    %dma_start3A_604 = tpu.memref_slice %arg14[%dma_start3A, %dma_start3A_603] : memref<11x64xi32, #tpu.memory_space<vmem>> -> memref<1x64xi32, #tpu.memory_space<vmem>>
    %dma_start3A_605 = tpu.memref_squeeze %dma_start3A_604 : memref<1x64xi32, #tpu.memory_space<vmem>> -> memref<64xi32, #tpu.memory_space<vmem>>
    %dma_start3A_606 = arith.constant 0 : i32
    %dma_start3A_607 = tpu.memref_slice %arg3[%dma_start3A_606] : memref<330752xf32, #tpu.memory_space<hbm>> -> memref<330752xf32, #tpu.memory_space<hbm>>
    tpu.enqueue_indirect_dma source(%dma_start3A_607 : memref<330752xf32, #tpu.memory_space<hbm>>) target(%dma_start3A_602 : memref<64xf32, #tpu.memory_space<vmem>>) offsets(%dma_start3A_605 : memref<64xi32, #tpu.memory_space<vmem>>) semaphore(%arg16 : memref<!tpu.dma_semaphore, #tpu.memory_space<semaphore_mem>>)
    %dma_start3A_608 = arith.constant 1 : i32
    %dma_start3A_609 = arith.constant 1 : i32
    %dma_start3A_610 = arith.constant 0 : i32
    %dma_start3A_611 = tpu.memref_slice %arg15[%dma_start3A_609, %dma_start3A_610] : memref<11x64xf32, #tpu.memory_space<vmem>> -> memref<1x64xf32, #tpu.memory_space<vmem>>
    %dma_start3A_612 = tpu.memref_squeeze %dma_start3A_611 : memref<1x64xf32, #tpu.memory_space<vmem>> -> memref<64xf32, #tpu.memory_space<vmem>>
    %dma_start3A_613 = arith.constant 0 : i32
    %dma_start3A_614 = tpu.memref_slice %arg14[%dma_start3A_608, %dma_start3A_613] : memref<11x64xi32, #tpu.memory_space<vmem>> -> memref<1x64xi32, #tpu.memory_space<vmem>>
    %dma_start3A_615 = tpu.memref_squeeze %dma_start3A_614 : memref<1x64xi32, #tpu.memory_space<vmem>> -> memref<64xi32, #tpu.memory_space<vmem>>
    %dma_start3A_616 = arith.constant 0 : i32
    %dma_start3A_617 = tpu.memref_slice %arg4[%dma_start3A_616] : memref<661504xf32, #tpu.memory_space<hbm>> -> memref<661504xf32, #tpu.memory_space<hbm>>
    tpu.enqueue_indirect_dma source(%dma_start3A_617 : memref<661504xf32, #tpu.memory_space<hbm>>) target(%dma_start3A_612 : memref<64xf32, #tpu.memory_space<vmem>>) offsets(%dma_start3A_615 : memref<64xi32, #tpu.memory_space<vmem>>) semaphore(%arg16 : memref<!tpu.dma_semaphore, #tpu.memory_space<semaphore_mem>>)
    %dma_start3A_618 = arith.constant 2 : i32
    %dma_start3A_619 = arith.constant 2 : i32
    %dma_start3A_620 = arith.constant 0 : i32
    %dma_start3A_621 = tpu.memref_slice %arg15[%dma_start3A_619, %dma_start3A_620] : memref<11x64xf32, #tpu.memory_space<vmem>> -> memref<1x64xf32, #tpu.memory_space<vmem>>
    %dma_start3A_622 = tpu.memref_squeeze %dma_start3A_621 : memref<1x64xf32, #tpu.memory_space<vmem>> -> memref<64xf32, #tpu.memory_space<vmem>>
    %dma_start3A_623 = arith.constant 0 : i32
    %dma_start3A_624 = tpu.memref_slice %arg14[%dma_start3A_618, %dma_start3A_623] : memref<11x64xi32, #tpu.memory_space<vmem>> -> memref<1x64xi32, #tpu.memory_space<vmem>>
    %dma_start3A_625 = tpu.memref_squeeze %dma_start3A_624 : memref<1x64xi32, #tpu.memory_space<vmem>> -> memref<64xi32, #tpu.memory_space<vmem>>
    %dma_start3A_626 = arith.constant 0 : i32
    %dma_start3A_627 = tpu.memref_slice %arg4[%dma_start3A_626] : memref<661504xf32, #tpu.memory_space<hbm>> -> memref<661504xf32, #tpu.memory_space<hbm>>
    tpu.enqueue_indirect_dma source(%dma_start3A_627 : memref<661504xf32, #tpu.memory_space<hbm>>) target(%dma_start3A_622 : memref<64xf32, #tpu.memory_space<vmem>>) offsets(%dma_start3A_625 : memref<64xi32, #tpu.memory_space<vmem>>) semaphore(%arg16 : memref<!tpu.dma_semaphore, #tpu.memory_space<semaphore_mem>>)
    %dma_start3A_628 = arith.constant 3 : i32
    %dma_start3A_629 = arith.constant 3 : i32
    %dma_start3A_630 = arith.constant 0 : i32
    %dma_start3A_631 = tpu.memref_slice %arg15[%dma_start3A_629, %dma_start3A_630] : memref<11x64xf32, #tpu.memory_space<vmem>> -> memref<1x64xf32, #tpu.memory_space<vmem>>
    %dma_start3A_632 = tpu.memref_squeeze %dma_start3A_631 : memref<1x64xf32, #tpu.memory_space<vmem>> -> memref<64xf32, #tpu.memory_space<vmem>>
    %dma_start3A_633 = arith.constant 0 : i32
    %dma_start3A_634 = tpu.memref_slice %arg14[%dma_start3A_628, %dma_start3A_633] : memref<11x64xi32, #tpu.memory_space<vmem>> -> memref<1x64xi32, #tpu.memory_space<vmem>>
    %dma_start3A_635 = tpu.memref_squeeze %dma_start3A_634 : memref<1x64xi32, #tpu.memory_space<vmem>> -> memref<64xi32, #tpu.memory_space<vmem>>
    %dma_start3A_636 = arith.constant 0 : i32
    %dma_start3A_637 = tpu.memref_slice %arg5[%dma_start3A_636] : memref<661504xf32, #tpu.memory_space<hbm>> -> memref<661504xf32, #tpu.memory_space<hbm>>
    tpu.enqueue_indirect_dma source(%dma_start3A_637 : memref<661504xf32, #tpu.memory_space<hbm>>) target(%dma_start3A_632 : memref<64xf32, #tpu.memory_space<vmem>>) offsets(%dma_start3A_635 : memref<64xi32, #tpu.memory_space<vmem>>) semaphore(%arg16 : memref<!tpu.dma_semaphore, #tpu.memory_space<semaphore_mem>>)
    %dma_start3A_638 = arith.constant 4 : i32
    %dma_start3A_639 = arith.constant 4 : i32
    %dma_start3A_640 = arith.constant 0 : i32
    %dma_start3A_641 = tpu.memref_slice %arg15[%dma_start3A_639, %dma_start3A_640] : memref<11x64xf32, #tpu.memory_space<vmem>> -> memref<1x64xf32, #tpu.memory_space<vmem>>
    %dma_start3A_642 = tpu.memref_squeeze %dma_start3A_641 : memref<1x64xf32, #tpu.memory_space<vmem>> -> memref<64xf32, #tpu.memory_space<vmem>>
    %dma_start3A_643 = arith.constant 0 : i32
    %dma_start3A_644 = tpu.memref_slice %arg14[%dma_start3A_638, %dma_start3A_643] : memref<11x64xi32, #tpu.memory_space<vmem>> -> memref<1x64xi32, #tpu.memory_space<vmem>>
    %dma_start3A_645 = tpu.memref_squeeze %dma_start3A_644 : memref<1x64xi32, #tpu.memory_space<vmem>> -> memref<64xi32, #tpu.memory_space<vmem>>
    %dma_start3A_646 = arith.constant 0 : i32
    %dma_start3A_647 = tpu.memref_slice %arg5[%dma_start3A_646] : memref<661504xf32, #tpu.memory_space<hbm>> -> memref<661504xf32, #tpu.memory_space<hbm>>
    tpu.enqueue_indirect_dma source(%dma_start3A_647 : memref<661504xf32, #tpu.memory_space<hbm>>) target(%dma_start3A_642 : memref<64xf32, #tpu.memory_space<vmem>>) offsets(%dma_start3A_645 : memref<64xi32, #tpu.memory_space<vmem>>) semaphore(%arg16 : memref<!tpu.dma_semaphore, #tpu.memory_space<semaphore_mem>>)
    %dma_start3A_648 = arith.constant 5 : i32
    %dma_start3A_649 = arith.constant 5 : i32
    %dma_start3A_650 = arith.constant 0 : i32
    %dma_start3A_651 = tpu.memref_slice %arg15[%dma_start3A_649, %dma_start3A_650] : memref<11x64xf32, #tpu.memory_space<vmem>> -> memref<1x64xf32, #tpu.memory_space<vmem>>
    %dma_start3A_652 = tpu.memref_squeeze %dma_start3A_651 : memref<1x64xf32, #tpu.memory_space<vmem>> -> memref<64xf32, #tpu.memory_space<vmem>>
    %dma_start3A_653 = arith.constant 0 : i32
    %dma_start3A_654 = tpu.memref_slice %arg14[%dma_start3A_648, %dma_start3A_653] : memref<11x64xi32, #tpu.memory_space<vmem>> -> memref<1x64xi32, #tpu.memory_space<vmem>>
    %dma_start3A_655 = tpu.memref_squeeze %dma_start3A_654 : memref<1x64xi32, #tpu.memory_space<vmem>> -> memref<64xi32, #tpu.memory_space<vmem>>
    %dma_start3A_656 = arith.constant 0 : i32
    %dma_start3A_657 = tpu.memref_slice %arg6[%dma_start3A_656] : memref<661504xf32, #tpu.memory_space<hbm>> -> memref<661504xf32, #tpu.memory_space<hbm>>
    tpu.enqueue_indirect_dma source(%dma_start3A_657 : memref<661504xf32, #tpu.memory_space<hbm>>) target(%dma_start3A_652 : memref<64xf32, #tpu.memory_space<vmem>>) offsets(%dma_start3A_655 : memref<64xi32, #tpu.memory_space<vmem>>) semaphore(%arg16 : memref<!tpu.dma_semaphore, #tpu.memory_space<semaphore_mem>>)
    %dma_start3A_658 = arith.constant 6 : i32
    %dma_start3A_659 = arith.constant 6 : i32
    %dma_start3A_660 = arith.constant 0 : i32
    %dma_start3A_661 = tpu.memref_slice %arg15[%dma_start3A_659, %dma_start3A_660] : memref<11x64xf32, #tpu.memory_space<vmem>> -> memref<1x64xf32, #tpu.memory_space<vmem>>
    %dma_start3A_662 = tpu.memref_squeeze %dma_start3A_661 : memref<1x64xf32, #tpu.memory_space<vmem>> -> memref<64xf32, #tpu.memory_space<vmem>>
    %dma_start3A_663 = arith.constant 0 : i32
    %dma_start3A_664 = tpu.memref_slice %arg14[%dma_start3A_658, %dma_start3A_663] : memref<11x64xi32, #tpu.memory_space<vmem>> -> memref<1x64xi32, #tpu.memory_space<vmem>>
    %dma_start3A_665 = tpu.memref_squeeze %dma_start3A_664 : memref<1x64xi32, #tpu.memory_space<vmem>> -> memref<64xi32, #tpu.memory_space<vmem>>
    %dma_start3A_666 = arith.constant 0 : i32
    %dma_start3A_667 = tpu.memref_slice %arg6[%dma_start3A_666] : memref<661504xf32, #tpu.memory_space<hbm>> -> memref<661504xf32, #tpu.memory_space<hbm>>
    tpu.enqueue_indirect_dma source(%dma_start3A_667 : memref<661504xf32, #tpu.memory_space<hbm>>) target(%dma_start3A_662 : memref<64xf32, #tpu.memory_space<vmem>>) offsets(%dma_start3A_665 : memref<64xi32, #tpu.memory_space<vmem>>) semaphore(%arg16 : memref<!tpu.dma_semaphore, #tpu.memory_space<semaphore_mem>>)
    %dma_start3A_668 = arith.constant 7 : i32
    %dma_start3A_669 = arith.constant 7 : i32
    %dma_start3A_670 = arith.constant 0 : i32
    %dma_start3A_671 = tpu.memref_slice %arg15[%dma_start3A_669, %dma_start3A_670] : memref<11x64xf32, #tpu.memory_space<vmem>> -> memref<1x64xf32, #tpu.memory_space<vmem>>
    %dma_start3A_672 = tpu.memref_squeeze %dma_start3A_671 : memref<1x64xf32, #tpu.memory_space<vmem>> -> memref<64xf32, #tpu.memory_space<vmem>>
    %dma_start3A_673 = arith.constant 0 : i32
    %dma_start3A_674 = tpu.memref_slice %arg14[%dma_start3A_668, %dma_start3A_673] : memref<11x64xi32, #tpu.memory_space<vmem>> -> memref<1x64xi32, #tpu.memory_space<vmem>>
    %dma_start3A_675 = tpu.memref_squeeze %dma_start3A_674 : memref<1x64xi32, #tpu.memory_space<vmem>> -> memref<64xi32, #tpu.memory_space<vmem>>
    %dma_start3A_676 = arith.constant 0 : i32
    %dma_start3A_677 = tpu.memref_slice %arg7[%dma_start3A_676] : memref<1323008xf32, #tpu.memory_space<hbm>> -> memref<1323008xf32, #tpu.memory_space<hbm>>
    tpu.enqueue_indirect_dma source(%dma_start3A_677 : memref<1323008xf32, #tpu.memory_space<hbm>>) target(%dma_start3A_672 : memref<64xf32, #tpu.memory_space<vmem>>) offsets(%dma_start3A_675 : memref<64xi32, #tpu.memory_space<vmem>>) semaphore(%arg16 : memref<!tpu.dma_semaphore, #tpu.memory_space<semaphore_mem>>)
    %dma_start3A_678 = arith.constant 8 : i32
    %dma_start3A_679 = arith.constant 8 : i32
    %dma_start3A_680 = arith.constant 0 : i32
    %dma_start3A_681 = tpu.memref_slice %arg15[%dma_start3A_679, %dma_start3A_680] : memref<11x64xf32, #tpu.memory_space<vmem>> -> memref<1x64xf32, #tpu.memory_space<vmem>>
    %dma_start3A_682 = tpu.memref_squeeze %dma_start3A_681 : memref<1x64xf32, #tpu.memory_space<vmem>> -> memref<64xf32, #tpu.memory_space<vmem>>
    %dma_start3A_683 = arith.constant 0 : i32
    %dma_start3A_684 = tpu.memref_slice %arg14[%dma_start3A_678, %dma_start3A_683] : memref<11x64xi32, #tpu.memory_space<vmem>> -> memref<1x64xi32, #tpu.memory_space<vmem>>
    %dma_start3A_685 = tpu.memref_squeeze %dma_start3A_684 : memref<1x64xi32, #tpu.memory_space<vmem>> -> memref<64xi32, #tpu.memory_space<vmem>>
    %dma_start3A_686 = arith.constant 0 : i32
    %dma_start3A_687 = tpu.memref_slice %arg7[%dma_start3A_686] : memref<1323008xf32, #tpu.memory_space<hbm>> -> memref<1323008xf32, #tpu.memory_space<hbm>>
    tpu.enqueue_indirect_dma source(%dma_start3A_687 : memref<1323008xf32, #tpu.memory_space<hbm>>) target(%dma_start3A_682 : memref<64xf32, #tpu.memory_space<vmem>>) offsets(%dma_start3A_685 : memref<64xi32, #tpu.memory_space<vmem>>) semaphore(%arg16 : memref<!tpu.dma_semaphore, #tpu.memory_space<semaphore_mem>>)
    %dma_start3A_688 = arith.constant 9 : i32
    %dma_start3A_689 = arith.constant 9 : i32
    %dma_start3A_690 = arith.constant 0 : i32
    %dma_start3A_691 = tpu.memref_slice %arg15[%dma_start3A_689, %dma_start3A_690] : memref<11x64xf32, #tpu.memory_space<vmem>> -> memref<1x64xf32, #tpu.memory_space<vmem>>
    %dma_start3A_692 = tpu.memref_squeeze %dma_start3A_691 : memref<1x64xf32, #tpu.memory_space<vmem>> -> memref<64xf32, #tpu.memory_space<vmem>>
    %dma_start3A_693 = arith.constant 0 : i32
    %dma_start3A_694 = tpu.memref_slice %arg14[%dma_start3A_688, %dma_start3A_693] : memref<11x64xi32, #tpu.memory_space<vmem>> -> memref<1x64xi32, #tpu.memory_space<vmem>>
    %dma_start3A_695 = tpu.memref_squeeze %dma_start3A_694 : memref<1x64xi32, #tpu.memory_space<vmem>> -> memref<64xi32, #tpu.memory_space<vmem>>
    %dma_start3A_696 = arith.constant 0 : i32
    %dma_start3A_697 = tpu.memref_slice %arg7[%dma_start3A_696] : memref<1323008xf32, #tpu.memory_space<hbm>> -> memref<1323008xf32, #tpu.memory_space<hbm>>
    tpu.enqueue_indirect_dma source(%dma_start3A_697 : memref<1323008xf32, #tpu.memory_space<hbm>>) target(%dma_start3A_692 : memref<64xf32, #tpu.memory_space<vmem>>) offsets(%dma_start3A_695 : memref<64xi32, #tpu.memory_space<vmem>>) semaphore(%arg16 : memref<!tpu.dma_semaphore, #tpu.memory_space<semaphore_mem>>)
    %dma_start3A_698 = arith.constant 10 : i32
    %dma_start3A_699 = arith.constant 10 : i32
    %dma_start3A_700 = arith.constant 0 : i32
    %dma_start3A_701 = tpu.memref_slice %arg15[%dma_start3A_699, %dma_start3A_700] : memref<11x64xf32, #tpu.memory_space<vmem>> -> memref<1x64xf32, #tpu.memory_space<vmem>>
    %dma_start3A_702 = tpu.memref_squeeze %dma_start3A_701 : memref<1x64xf32, #tpu.memory_space<vmem>> -> memref<64xf32, #tpu.memory_space<vmem>>
    %dma_start3A_703 = arith.constant 0 : i32
    %dma_start3A_704 = tpu.memref_slice %arg14[%dma_start3A_698, %dma_start3A_703] : memref<11x64xi32, #tpu.memory_space<vmem>> -> memref<1x64xi32, #tpu.memory_space<vmem>>
    %dma_start3A_705 = tpu.memref_squeeze %dma_start3A_704 : memref<1x64xi32, #tpu.memory_space<vmem>> -> memref<64xi32, #tpu.memory_space<vmem>>
    %dma_start3A_706 = arith.constant 0 : i32
    %dma_start3A_707 = tpu.memref_slice %arg7[%dma_start3A_706] : memref<1323008xf32, #tpu.memory_space<hbm>> -> memref<1323008xf32, #tpu.memory_space<hbm>>
    tpu.enqueue_indirect_dma source(%dma_start3A_707 : memref<1323008xf32, #tpu.memory_space<hbm>>) target(%dma_start3A_702 : memref<64xf32, #tpu.memory_space<vmem>>) offsets(%dma_start3A_705 : memref<64xi32, #tpu.memory_space<vmem>>) semaphore(%arg16 : memref<!tpu.dma_semaphore, #tpu.memory_space<semaphore_mem>>)
    %dma_wait3A = arith.constant 0 : i32
    %dma_wait3A_708 = arith.constant 0 : i32
    %dma_wait3A_709 = arith.constant 0 : i32
    %dma_wait3A_710 = tpu.memref_slice %arg15[%dma_wait3A_708, %dma_wait3A_709] : memref<11x64xf32, #tpu.memory_space<vmem>> -> memref<1x64xf32, #tpu.memory_space<vmem>>
    %dma_wait3A_711 = tpu.memref_squeeze %dma_wait3A_710 : memref<1x64xf32, #tpu.memory_space<vmem>> -> memref<64xf32, #tpu.memory_space<vmem>>
    %dma_wait3A_712 = arith.constant 0 : i32
    %dma_wait3A_713 = tpu.memref_slice %arg14[%dma_wait3A, %dma_wait3A_712] : memref<11x64xi32, #tpu.memory_space<vmem>> -> memref<1x64xi32, #tpu.memory_space<vmem>>
    %dma_wait3A_714 = tpu.memref_squeeze %dma_wait3A_713 : memref<1x64xi32, #tpu.memory_space<vmem>> -> memref<64xi32, #tpu.memory_space<vmem>>
    %dma_wait3A_715 = arith.constant 0 : i32
    %dma_wait3A_716 = tpu.memref_slice %arg3[%dma_wait3A_715] : memref<330752xf32, #tpu.memory_space<hbm>> -> memref<330752xf32, #tpu.memory_space<hbm>>
    tpu.wait_indirect_dma semaphore(%arg16 : memref<!tpu.dma_semaphore, #tpu.memory_space<semaphore_mem>>) src(%dma_wait3A_716 : memref<330752xf32, #tpu.memory_space<hbm>>) dst(%dma_wait3A_711 : memref<64xf32, #tpu.memory_space<vmem>>)
    %dma_wait3A_717 = arith.constant 1 : i32
    %dma_wait3A_718 = arith.constant 1 : i32
    %dma_wait3A_719 = arith.constant 0 : i32
    %dma_wait3A_720 = tpu.memref_slice %arg15[%dma_wait3A_718, %dma_wait3A_719] : memref<11x64xf32, #tpu.memory_space<vmem>> -> memref<1x64xf32, #tpu.memory_space<vmem>>
    %dma_wait3A_721 = tpu.memref_squeeze %dma_wait3A_720 : memref<1x64xf32, #tpu.memory_space<vmem>> -> memref<64xf32, #tpu.memory_space<vmem>>
    %dma_wait3A_722 = arith.constant 0 : i32
    %dma_wait3A_723 = tpu.memref_slice %arg14[%dma_wait3A_717, %dma_wait3A_722] : memref<11x64xi32, #tpu.memory_space<vmem>> -> memref<1x64xi32, #tpu.memory_space<vmem>>
    %dma_wait3A_724 = tpu.memref_squeeze %dma_wait3A_723 : memref<1x64xi32, #tpu.memory_space<vmem>> -> memref<64xi32, #tpu.memory_space<vmem>>
    %dma_wait3A_725 = arith.constant 0 : i32
    %dma_wait3A_726 = tpu.memref_slice %arg4[%dma_wait3A_725] : memref<661504xf32, #tpu.memory_space<hbm>> -> memref<661504xf32, #tpu.memory_space<hbm>>
    tpu.wait_indirect_dma semaphore(%arg16 : memref<!tpu.dma_semaphore, #tpu.memory_space<semaphore_mem>>) src(%dma_wait3A_726 : memref<661504xf32, #tpu.memory_space<hbm>>) dst(%dma_wait3A_721 : memref<64xf32, #tpu.memory_space<vmem>>)
    %dma_wait3A_727 = arith.constant 2 : i32
    %dma_wait3A_728 = arith.constant 2 : i32
    %dma_wait3A_729 = arith.constant 0 : i32
    %dma_wait3A_730 = tpu.memref_slice %arg15[%dma_wait3A_728, %dma_wait3A_729] : memref<11x64xf32, #tpu.memory_space<vmem>> -> memref<1x64xf32, #tpu.memory_space<vmem>>
    %dma_wait3A_731 = tpu.memref_squeeze %dma_wait3A_730 : memref<1x64xf32, #tpu.memory_space<vmem>> -> memref<64xf32, #tpu.memory_space<vmem>>
    %dma_wait3A_732 = arith.constant 0 : i32
    %dma_wait3A_733 = tpu.memref_slice %arg14[%dma_wait3A_727, %dma_wait3A_732] : memref<11x64xi32, #tpu.memory_space<vmem>> -> memref<1x64xi32, #tpu.memory_space<vmem>>
    %dma_wait3A_734 = tpu.memref_squeeze %dma_wait3A_733 : memref<1x64xi32, #tpu.memory_space<vmem>> -> memref<64xi32, #tpu.memory_space<vmem>>
    %dma_wait3A_735 = arith.constant 0 : i32
    %dma_wait3A_736 = tpu.memref_slice %arg4[%dma_wait3A_735] : memref<661504xf32, #tpu.memory_space<hbm>> -> memref<661504xf32, #tpu.memory_space<hbm>>
    tpu.wait_indirect_dma semaphore(%arg16 : memref<!tpu.dma_semaphore, #tpu.memory_space<semaphore_mem>>) src(%dma_wait3A_736 : memref<661504xf32, #tpu.memory_space<hbm>>) dst(%dma_wait3A_731 : memref<64xf32, #tpu.memory_space<vmem>>)
    %dma_wait3A_737 = arith.constant 3 : i32
    %dma_wait3A_738 = arith.constant 3 : i32
    %dma_wait3A_739 = arith.constant 0 : i32
    %dma_wait3A_740 = tpu.memref_slice %arg15[%dma_wait3A_738, %dma_wait3A_739] : memref<11x64xf32, #tpu.memory_space<vmem>> -> memref<1x64xf32, #tpu.memory_space<vmem>>
    %dma_wait3A_741 = tpu.memref_squeeze %dma_wait3A_740 : memref<1x64xf32, #tpu.memory_space<vmem>> -> memref<64xf32, #tpu.memory_space<vmem>>
    %dma_wait3A_742 = arith.constant 0 : i32
    %dma_wait3A_743 = tpu.memref_slice %arg14[%dma_wait3A_737, %dma_wait3A_742] : memref<11x64xi32, #tpu.memory_space<vmem>> -> memref<1x64xi32, #tpu.memory_space<vmem>>
    %dma_wait3A_744 = tpu.memref_squeeze %dma_wait3A_743 : memref<1x64xi32, #tpu.memory_space<vmem>> -> memref<64xi32, #tpu.memory_space<vmem>>
    %dma_wait3A_745 = arith.constant 0 : i32
    %dma_wait3A_746 = tpu.memref_slice %arg5[%dma_wait3A_745] : memref<661504xf32, #tpu.memory_space<hbm>> -> memref<661504xf32, #tpu.memory_space<hbm>>
    tpu.wait_indirect_dma semaphore(%arg16 : memref<!tpu.dma_semaphore, #tpu.memory_space<semaphore_mem>>) src(%dma_wait3A_746 : memref<661504xf32, #tpu.memory_space<hbm>>) dst(%dma_wait3A_741 : memref<64xf32, #tpu.memory_space<vmem>>)
    %dma_wait3A_747 = arith.constant 4 : i32
    %dma_wait3A_748 = arith.constant 4 : i32
    %dma_wait3A_749 = arith.constant 0 : i32
    %dma_wait3A_750 = tpu.memref_slice %arg15[%dma_wait3A_748, %dma_wait3A_749] : memref<11x64xf32, #tpu.memory_space<vmem>> -> memref<1x64xf32, #tpu.memory_space<vmem>>
    %dma_wait3A_751 = tpu.memref_squeeze %dma_wait3A_750 : memref<1x64xf32, #tpu.memory_space<vmem>> -> memref<64xf32, #tpu.memory_space<vmem>>
    %dma_wait3A_752 = arith.constant 0 : i32
    %dma_wait3A_753 = tpu.memref_slice %arg14[%dma_wait3A_747, %dma_wait3A_752] : memref<11x64xi32, #tpu.memory_space<vmem>> -> memref<1x64xi32, #tpu.memory_space<vmem>>
    %dma_wait3A_754 = tpu.memref_squeeze %dma_wait3A_753 : memref<1x64xi32, #tpu.memory_space<vmem>> -> memref<64xi32, #tpu.memory_space<vmem>>
    %dma_wait3A_755 = arith.constant 0 : i32
    %dma_wait3A_756 = tpu.memref_slice %arg5[%dma_wait3A_755] : memref<661504xf32, #tpu.memory_space<hbm>> -> memref<661504xf32, #tpu.memory_space<hbm>>
    tpu.wait_indirect_dma semaphore(%arg16 : memref<!tpu.dma_semaphore, #tpu.memory_space<semaphore_mem>>) src(%dma_wait3A_756 : memref<661504xf32, #tpu.memory_space<hbm>>) dst(%dma_wait3A_751 : memref<64xf32, #tpu.memory_space<vmem>>)
    %dma_wait3A_757 = arith.constant 5 : i32
    %dma_wait3A_758 = arith.constant 5 : i32
    %dma_wait3A_759 = arith.constant 0 : i32
    %dma_wait3A_760 = tpu.memref_slice %arg15[%dma_wait3A_758, %dma_wait3A_759] : memref<11x64xf32, #tpu.memory_space<vmem>> -> memref<1x64xf32, #tpu.memory_space<vmem>>
    %dma_wait3A_761 = tpu.memref_squeeze %dma_wait3A_760 : memref<1x64xf32, #tpu.memory_space<vmem>> -> memref<64xf32, #tpu.memory_space<vmem>>
    %dma_wait3A_762 = arith.constant 0 : i32
    %dma_wait3A_763 = tpu.memref_slice %arg14[%dma_wait3A_757, %dma_wait3A_762] : memref<11x64xi32, #tpu.memory_space<vmem>> -> memref<1x64xi32, #tpu.memory_space<vmem>>
    %dma_wait3A_764 = tpu.memref_squeeze %dma_wait3A_763 : memref<1x64xi32, #tpu.memory_space<vmem>> -> memref<64xi32, #tpu.memory_space<vmem>>
    %dma_wait3A_765 = arith.constant 0 : i32
    %dma_wait3A_766 = tpu.memref_slice %arg6[%dma_wait3A_765] : memref<661504xf32, #tpu.memory_space<hbm>> -> memref<661504xf32, #tpu.memory_space<hbm>>
    tpu.wait_indirect_dma semaphore(%arg16 : memref<!tpu.dma_semaphore, #tpu.memory_space<semaphore_mem>>) src(%dma_wait3A_766 : memref<661504xf32, #tpu.memory_space<hbm>>) dst(%dma_wait3A_761 : memref<64xf32, #tpu.memory_space<vmem>>)
    %dma_wait3A_767 = arith.constant 6 : i32
    %dma_wait3A_768 = arith.constant 6 : i32
    %dma_wait3A_769 = arith.constant 0 : i32
    %dma_wait3A_770 = tpu.memref_slice %arg15[%dma_wait3A_768, %dma_wait3A_769] : memref<11x64xf32, #tpu.memory_space<vmem>> -> memref<1x64xf32, #tpu.memory_space<vmem>>
    %dma_wait3A_771 = tpu.memref_squeeze %dma_wait3A_770 : memref<1x64xf32, #tpu.memory_space<vmem>> -> memref<64xf32, #tpu.memory_space<vmem>>
    %dma_wait3A_772 = arith.constant 0 : i32
    %dma_wait3A_773 = tpu.memref_slice %arg14[%dma_wait3A_767, %dma_wait3A_772] : memref<11x64xi32, #tpu.memory_space<vmem>> -> memref<1x64xi32, #tpu.memory_space<vmem>>
    %dma_wait3A_774 = tpu.memref_squeeze %dma_wait3A_773 : memref<1x64xi32, #tpu.memory_space<vmem>> -> memref<64xi32, #tpu.memory_space<vmem>>
    %dma_wait3A_775 = arith.constant 0 : i32
    %dma_wait3A_776 = tpu.memref_slice %arg6[%dma_wait3A_775] : memref<661504xf32, #tpu.memory_space<hbm>> -> memref<661504xf32, #tpu.memory_space<hbm>>
    tpu.wait_indirect_dma semaphore(%arg16 : memref<!tpu.dma_semaphore, #tpu.memory_space<semaphore_mem>>) src(%dma_wait3A_776 : memref<661504xf32, #tpu.memory_space<hbm>>) dst(%dma_wait3A_771 : memref<64xf32, #tpu.memory_space<vmem>>)
    %dma_wait3A_777 = arith.constant 7 : i32
    %dma_wait3A_778 = arith.constant 7 : i32
    %dma_wait3A_779 = arith.constant 0 : i32
    %dma_wait3A_780 = tpu.memref_slice %arg15[%dma_wait3A_778, %dma_wait3A_779] : memref<11x64xf32, #tpu.memory_space<vmem>> -> memref<1x64xf32, #tpu.memory_space<vmem>>
    %dma_wait3A_781 = tpu.memref_squeeze %dma_wait3A_780 : memref<1x64xf32, #tpu.memory_space<vmem>> -> memref<64xf32, #tpu.memory_space<vmem>>
    %dma_wait3A_782 = arith.constant 0 : i32
    %dma_wait3A_783 = tpu.memref_slice %arg14[%dma_wait3A_777, %dma_wait3A_782] : memref<11x64xi32, #tpu.memory_space<vmem>> -> memref<1x64xi32, #tpu.memory_space<vmem>>
    %dma_wait3A_784 = tpu.memref_squeeze %dma_wait3A_783 : memref<1x64xi32, #tpu.memory_space<vmem>> -> memref<64xi32, #tpu.memory_space<vmem>>
    %dma_wait3A_785 = arith.constant 0 : i32
    %dma_wait3A_786 = tpu.memref_slice %arg7[%dma_wait3A_785] : memref<1323008xf32, #tpu.memory_space<hbm>> -> memref<1323008xf32, #tpu.memory_space<hbm>>
    tpu.wait_indirect_dma semaphore(%arg16 : memref<!tpu.dma_semaphore, #tpu.memory_space<semaphore_mem>>) src(%dma_wait3A_786 : memref<1323008xf32, #tpu.memory_space<hbm>>) dst(%dma_wait3A_781 : memref<64xf32, #tpu.memory_space<vmem>>)
    %dma_wait3A_787 = arith.constant 8 : i32
    %dma_wait3A_788 = arith.constant 8 : i32
    %dma_wait3A_789 = arith.constant 0 : i32
    %dma_wait3A_790 = tpu.memref_slice %arg15[%dma_wait3A_788, %dma_wait3A_789] : memref<11x64xf32, #tpu.memory_space<vmem>> -> memref<1x64xf32, #tpu.memory_space<vmem>>
    %dma_wait3A_791 = tpu.memref_squeeze %dma_wait3A_790 : memref<1x64xf32, #tpu.memory_space<vmem>> -> memref<64xf32, #tpu.memory_space<vmem>>
    %dma_wait3A_792 = arith.constant 0 : i32
    %dma_wait3A_793 = tpu.memref_slice %arg14[%dma_wait3A_787, %dma_wait3A_792] : memref<11x64xi32, #tpu.memory_space<vmem>> -> memref<1x64xi32, #tpu.memory_space<vmem>>
    %dma_wait3A_794 = tpu.memref_squeeze %dma_wait3A_793 : memref<1x64xi32, #tpu.memory_space<vmem>> -> memref<64xi32, #tpu.memory_space<vmem>>
    %dma_wait3A_795 = arith.constant 0 : i32
    %dma_wait3A_796 = tpu.memref_slice %arg7[%dma_wait3A_795] : memref<1323008xf32, #tpu.memory_space<hbm>> -> memref<1323008xf32, #tpu.memory_space<hbm>>
    tpu.wait_indirect_dma semaphore(%arg16 : memref<!tpu.dma_semaphore, #tpu.memory_space<semaphore_mem>>) src(%dma_wait3A_796 : memref<1323008xf32, #tpu.memory_space<hbm>>) dst(%dma_wait3A_791 : memref<64xf32, #tpu.memory_space<vmem>>)
    %dma_wait3A_797 = arith.constant 9 : i32
    %dma_wait3A_798 = arith.constant 9 : i32
    %dma_wait3A_799 = arith.constant 0 : i32
    %dma_wait3A_800 = tpu.memref_slice %arg15[%dma_wait3A_798, %dma_wait3A_799] : memref<11x64xf32, #tpu.memory_space<vmem>> -> memref<1x64xf32, #tpu.memory_space<vmem>>
    %dma_wait3A_801 = tpu.memref_squeeze %dma_wait3A_800 : memref<1x64xf32, #tpu.memory_space<vmem>> -> memref<64xf32, #tpu.memory_space<vmem>>
    %dma_wait3A_802 = arith.constant 0 : i32
    %dma_wait3A_803 = tpu.memref_slice %arg14[%dma_wait3A_797, %dma_wait3A_802] : memref<11x64xi32, #tpu.memory_space<vmem>> -> memref<1x64xi32, #tpu.memory_space<vmem>>
    %dma_wait3A_804 = tpu.memref_squeeze %dma_wait3A_803 : memref<1x64xi32, #tpu.memory_space<vmem>> -> memref<64xi32, #tpu.memory_space<vmem>>
    %dma_wait3A_805 = arith.constant 0 : i32
    %dma_wait3A_806 = tpu.memref_slice %arg7[%dma_wait3A_805] : memref<1323008xf32, #tpu.memory_space<hbm>> -> memref<1323008xf32, #tpu.memory_space<hbm>>
    tpu.wait_indirect_dma semaphore(%arg16 : memref<!tpu.dma_semaphore, #tpu.memory_space<semaphore_mem>>) src(%dma_wait3A_806 : memref<1323008xf32, #tpu.memory_space<hbm>>) dst(%dma_wait3A_801 : memref<64xf32, #tpu.memory_space<vmem>>)
    %dma_wait3A_807 = arith.constant 10 : i32
    %dma_wait3A_808 = arith.constant 10 : i32
    %dma_wait3A_809 = arith.constant 0 : i32
    %dma_wait3A_810 = tpu.memref_slice %arg15[%dma_wait3A_808, %dma_wait3A_809] : memref<11x64xf32, #tpu.memory_space<vmem>> -> memref<1x64xf32, #tpu.memory_space<vmem>>
    %dma_wait3A_811 = tpu.memref_squeeze %dma_wait3A_810 : memref<1x64xf32, #tpu.memory_space<vmem>> -> memref<64xf32, #tpu.memory_space<vmem>>
    %dma_wait3A_812 = arith.constant 0 : i32
    %dma_wait3A_813 = tpu.memref_slice %arg14[%dma_wait3A_807, %dma_wait3A_812] : memref<11x64xi32, #tpu.memory_space<vmem>> -> memref<1x64xi32, #tpu.memory_space<vmem>>
    %dma_wait3A_814 = tpu.memref_squeeze %dma_wait3A_813 : memref<1x64xi32, #tpu.memory_space<vmem>> -> memref<64xi32, #tpu.memory_space<vmem>>
    %dma_wait3A_815 = arith.constant 0 : i32
    %dma_wait3A_816 = tpu.memref_slice %arg7[%dma_wait3A_815] : memref<1323008xf32, #tpu.memory_space<hbm>> -> memref<1323008xf32, #tpu.memory_space<hbm>>
    tpu.wait_indirect_dma semaphore(%arg16 : memref<!tpu.dma_semaphore, #tpu.memory_space<semaphore_mem>>) src(%dma_wait3A_816 : memref<1323008xf32, #tpu.memory_space<hbm>>) dst(%dma_wait3A_811 : memref<64xf32, #tpu.memory_space<vmem>>)
    %run_scoped3A = arith.constant 0 : i32
    "tpu.region"() ({
      %run_scoped3A_837 = tpu.sem_alloc : memref<!tpu.dma_semaphore, #tpu.memory_space<semaphore_mem>>
      %dma_start3A_838 = arith.constant 0 : i32
      %dma_start3A_839 = tpu.memref_slice %arg15[%run_scoped3A, %dma_start3A_838] : memref<11x64xf32, #tpu.memory_space<vmem>> -> memref<1x64xf32, #tpu.memory_space<vmem>>
      %dma_start3A_840 = tpu.memref_squeeze %dma_start3A_839 : memref<1x64xf32, #tpu.memory_space<vmem>> -> memref<64xf32, #tpu.memory_space<vmem>>
      %dma_start3A_841 = tpu.memref_slice %arg8[%select_n3A, %select_n3A_43, %mul3A_48] : memref<2x4x256xf32, #tpu.memory_space<hbm>> -> memref<1x1x64xf32, #tpu.memory_space<hbm>>
      %dma_start3A_842 = tpu.memref_squeeze %dma_start3A_841 : memref<1x1x64xf32, #tpu.memory_space<hbm>> -> memref<64xf32, #tpu.memory_space<hbm>>
      %dma_start3A_843 = tpu.memref_slice %arg8[%select_n3A, %select_n3A_43, %mul3A_48] : memref<2x4x256xf32, #tpu.memory_space<hbm>> -> memref<1x1x64xf32, #tpu.memory_space<hbm>>
      %dma_start3A_844 = tpu.memref_squeeze %dma_start3A_843 : memref<1x1x64xf32, #tpu.memory_space<hbm>> -> memref<64xf32, #tpu.memory_space<hbm>>
      %dma_start3A_845 = arith.constant 0 : i32
      %dma_start3A_846 = tpu.memref_slice %arg15[%run_scoped3A, %dma_start3A_845] : memref<11x64xf32, #tpu.memory_space<vmem>> -> memref<1x64xf32, #tpu.memory_space<vmem>>
      %dma_start3A_847 = tpu.memref_squeeze %dma_start3A_846 : memref<1x64xf32, #tpu.memory_space<vmem>> -> memref<64xf32, #tpu.memory_space<vmem>>
      tpu.enqueue_dma source(%dma_start3A_847 : memref<64xf32, #tpu.memory_space<vmem>>) target(%dma_start3A_844 : memref<64xf32, #tpu.memory_space<hbm>>) target_semaphore(%run_scoped3A_837 : memref<!tpu.dma_semaphore, #tpu.memory_space<semaphore_mem>>)
      %dma_wait3A_848 = arith.constant 0 : i32
      %dma_wait3A_849 = tpu.memref_slice %arg15[%run_scoped3A, %dma_wait3A_848] : memref<11x64xf32, #tpu.memory_space<vmem>> -> memref<1x64xf32, #tpu.memory_space<vmem>>
      %dma_wait3A_850 = tpu.memref_squeeze %dma_wait3A_849 : memref<1x64xf32, #tpu.memory_space<vmem>> -> memref<64xf32, #tpu.memory_space<vmem>>
      %dma_wait3A_851 = tpu.memref_slice %arg8[%select_n3A, %select_n3A_43, %mul3A_48] : memref<2x4x256xf32, #tpu.memory_space<hbm>> -> memref<1x1x64xf32, #tpu.memory_space<hbm>>
      %dma_wait3A_852 = tpu.memref_squeeze %dma_wait3A_851 : memref<1x1x64xf32, #tpu.memory_space<hbm>> -> memref<64xf32, #tpu.memory_space<hbm>>
      %dma_wait3A_853 = tpu.memref_slice %arg8[%select_n3A, %select_n3A_43, %mul3A_48] : memref<2x4x256xf32, #tpu.memory_space<hbm>> -> memref<1x1x64xf32, #tpu.memory_space<hbm>>
      %dma_wait3A_854 = tpu.memref_squeeze %dma_wait3A_853 : memref<1x1x64xf32, #tpu.memory_space<hbm>> -> memref<64xf32, #tpu.memory_space<hbm>>
      %dma_wait3A_855 = arith.constant 0 : i32
      %dma_wait3A_856 = tpu.memref_slice %arg15[%run_scoped3A, %dma_wait3A_855] : memref<11x64xf32, #tpu.memory_space<vmem>> -> memref<1x64xf32, #tpu.memory_space<vmem>>
      %dma_wait3A_857 = tpu.memref_squeeze %dma_wait3A_856 : memref<1x64xf32, #tpu.memory_space<vmem>> -> memref<64xf32, #tpu.memory_space<vmem>>
      tpu.wait_dma2 semaphore(%run_scoped3A_837 : memref<!tpu.dma_semaphore, #tpu.memory_space<semaphore_mem>>) src(%dma_wait3A_857 : memref<64xf32, #tpu.memory_space<vmem>>) dst(%dma_wait3A_854 : memref<64xf32, #tpu.memory_space<hbm>>)
      tpu.yield
    }) : () -> ()
    %run_scoped3A_817 = arith.constant 1 : i32
    %run_scoped3A_818 = arith.constant 0 : i32
    "tpu.region"() ({
      %run_scoped3A_837 = tpu.sem_alloc : memref<!tpu.dma_semaphore, #tpu.memory_space<semaphore_mem>>
      %dma_start3A_838 = arith.constant 0 : i32
      %dma_start3A_839 = tpu.memref_slice %arg15[%run_scoped3A_817, %dma_start3A_838] : memref<11x64xf32, #tpu.memory_space<vmem>> -> memref<1x64xf32, #tpu.memory_space<vmem>>
      %dma_start3A_840 = tpu.memref_squeeze %dma_start3A_839 : memref<1x64xf32, #tpu.memory_space<vmem>> -> memref<64xf32, #tpu.memory_space<vmem>>
      %dma_start3A_841 = tpu.memref_slice %arg9[%select_n3A, %select_n3A_43, %run_scoped3A_818, %mul3A_48] : memref<2x4x2x256xf32, #tpu.memory_space<hbm>> -> memref<1x1x1x64xf32, #tpu.memory_space<hbm>>
      %dma_start3A_842 = tpu.memref_squeeze %dma_start3A_841 : memref<1x1x1x64xf32, #tpu.memory_space<hbm>> -> memref<64xf32, #tpu.memory_space<hbm>>
      %dma_start3A_843 = tpu.memref_slice %arg9[%select_n3A, %select_n3A_43, %run_scoped3A_818, %mul3A_48] : memref<2x4x2x256xf32, #tpu.memory_space<hbm>> -> memref<1x1x1x64xf32, #tpu.memory_space<hbm>>
      %dma_start3A_844 = tpu.memref_squeeze %dma_start3A_843 : memref<1x1x1x64xf32, #tpu.memory_space<hbm>> -> memref<64xf32, #tpu.memory_space<hbm>>
      %dma_start3A_845 = arith.constant 0 : i32
      %dma_start3A_846 = tpu.memref_slice %arg15[%run_scoped3A_817, %dma_start3A_845] : memref<11x64xf32, #tpu.memory_space<vmem>> -> memref<1x64xf32, #tpu.memory_space<vmem>>
      %dma_start3A_847 = tpu.memref_squeeze %dma_start3A_846 : memref<1x64xf32, #tpu.memory_space<vmem>> -> memref<64xf32, #tpu.memory_space<vmem>>
      tpu.enqueue_dma source(%dma_start3A_847 : memref<64xf32, #tpu.memory_space<vmem>>) target(%dma_start3A_844 : memref<64xf32, #tpu.memory_space<hbm>>) target_semaphore(%run_scoped3A_837 : memref<!tpu.dma_semaphore, #tpu.memory_space<semaphore_mem>>)
      %dma_wait3A_848 = arith.constant 0 : i32
      %dma_wait3A_849 = tpu.memref_slice %arg15[%run_scoped3A_817, %dma_wait3A_848] : memref<11x64xf32, #tpu.memory_space<vmem>> -> memref<1x64xf32, #tpu.memory_space<vmem>>
      %dma_wait3A_850 = tpu.memref_squeeze %dma_wait3A_849 : memref<1x64xf32, #tpu.memory_space<vmem>> -> memref<64xf32, #tpu.memory_space<vmem>>
      %dma_wait3A_851 = tpu.memref_slice %arg9[%select_n3A, %select_n3A_43, %run_scoped3A_818, %mul3A_48] : memref<2x4x2x256xf32, #tpu.memory_space<hbm>> -> memref<1x1x1x64xf32, #tpu.memory_space<hbm>>
      %dma_wait3A_852 = tpu.memref_squeeze %dma_wait3A_851 : memref<1x1x1x64xf32, #tpu.memory_space<hbm>> -> memref<64xf32, #tpu.memory_space<hbm>>
      %dma_wait3A_853 = tpu.memref_slice %arg9[%select_n3A, %select_n3A_43, %run_scoped3A_818, %mul3A_48] : memref<2x4x2x256xf32, #tpu.memory_space<hbm>> -> memref<1x1x1x64xf32, #tpu.memory_space<hbm>>
      %dma_wait3A_854 = tpu.memref_squeeze %dma_wait3A_853 : memref<1x1x1x64xf32, #tpu.memory_space<hbm>> -> memref<64xf32, #tpu.memory_space<hbm>>
      %dma_wait3A_855 = arith.constant 0 : i32
      %dma_wait3A_856 = tpu.memref_slice %arg15[%run_scoped3A_817, %dma_wait3A_855] : memref<11x64xf32, #tpu.memory_space<vmem>> -> memref<1x64xf32, #tpu.memory_space<vmem>>
      %dma_wait3A_857 = tpu.memref_squeeze %dma_wait3A_856 : memref<1x64xf32, #tpu.memory_space<vmem>> -> memref<64xf32, #tpu.memory_space<vmem>>
      tpu.wait_dma2 semaphore(%run_scoped3A_837 : memref<!tpu.dma_semaphore, #tpu.memory_space<semaphore_mem>>) src(%dma_wait3A_857 : memref<64xf32, #tpu.memory_space<vmem>>) dst(%dma_wait3A_854 : memref<64xf32, #tpu.memory_space<hbm>>)
      tpu.yield
    }) : () -> ()
    %run_scoped3A_819 = arith.constant 2 : i32
    %run_scoped3A_820 = arith.constant 1 : i32
    "tpu.region"() ({
      %run_scoped3A_837 = tpu.sem_alloc : memref<!tpu.dma_semaphore, #tpu.memory_space<semaphore_mem>>
      %dma_start3A_838 = arith.constant 0 : i32
      %dma_start3A_839 = tpu.memref_slice %arg15[%run_scoped3A_819, %dma_start3A_838] : memref<11x64xf32, #tpu.memory_space<vmem>> -> memref<1x64xf32, #tpu.memory_space<vmem>>
      %dma_start3A_840 = tpu.memref_squeeze %dma_start3A_839 : memref<1x64xf32, #tpu.memory_space<vmem>> -> memref<64xf32, #tpu.memory_space<vmem>>
      %dma_start3A_841 = tpu.memref_slice %arg9[%select_n3A, %select_n3A_43, %run_scoped3A_820, %mul3A_48] : memref<2x4x2x256xf32, #tpu.memory_space<hbm>> -> memref<1x1x1x64xf32, #tpu.memory_space<hbm>>
      %dma_start3A_842 = tpu.memref_squeeze %dma_start3A_841 : memref<1x1x1x64xf32, #tpu.memory_space<hbm>> -> memref<64xf32, #tpu.memory_space<hbm>>
      %dma_start3A_843 = tpu.memref_slice %arg9[%select_n3A, %select_n3A_43, %run_scoped3A_820, %mul3A_48] : memref<2x4x2x256xf32, #tpu.memory_space<hbm>> -> memref<1x1x1x64xf32, #tpu.memory_space<hbm>>
      %dma_start3A_844 = tpu.memref_squeeze %dma_start3A_843 : memref<1x1x1x64xf32, #tpu.memory_space<hbm>> -> memref<64xf32, #tpu.memory_space<hbm>>
      %dma_start3A_845 = arith.constant 0 : i32
      %dma_start3A_846 = tpu.memref_slice %arg15[%run_scoped3A_819, %dma_start3A_845] : memref<11x64xf32, #tpu.memory_space<vmem>> -> memref<1x64xf32, #tpu.memory_space<vmem>>
      %dma_start3A_847 = tpu.memref_squeeze %dma_start3A_846 : memref<1x64xf32, #tpu.memory_space<vmem>> -> memref<64xf32, #tpu.memory_space<vmem>>
      tpu.enqueue_dma source(%dma_start3A_847 : memref<64xf32, #tpu.memory_space<vmem>>) target(%dma_start3A_844 : memref<64xf32, #tpu.memory_space<hbm>>) target_semaphore(%run_scoped3A_837 : memref<!tpu.dma_semaphore, #tpu.memory_space<semaphore_mem>>)
      %dma_wait3A_848 = arith.constant 0 : i32
      %dma_wait3A_849 = tpu.memref_slice %arg15[%run_scoped3A_819, %dma_wait3A_848] : memref<11x64xf32, #tpu.memory_space<vmem>> -> memref<1x64xf32, #tpu.memory_space<vmem>>
      %dma_wait3A_850 = tpu.memref_squeeze %dma_wait3A_849 : memref<1x64xf32, #tpu.memory_space<vmem>> -> memref<64xf32, #tpu.memory_space<vmem>>
      %dma_wait3A_851 = tpu.memref_slice %arg9[%select_n3A, %select_n3A_43, %run_scoped3A_820, %mul3A_48] : memref<2x4x2x256xf32, #tpu.memory_space<hbm>> -> memref<1x1x1x64xf32, #tpu.memory_space<hbm>>
      %dma_wait3A_852 = tpu.memref_squeeze %dma_wait3A_851 : memref<1x1x1x64xf32, #tpu.memory_space<hbm>> -> memref<64xf32, #tpu.memory_space<hbm>>
      %dma_wait3A_853 = tpu.memref_slice %arg9[%select_n3A, %select_n3A_43, %run_scoped3A_820, %mul3A_48] : memref<2x4x2x256xf32, #tpu.memory_space<hbm>> -> memref<1x1x1x64xf32, #tpu.memory_space<hbm>>
      %dma_wait3A_854 = tpu.memref_squeeze %dma_wait3A_853 : memref<1x1x1x64xf32, #tpu.memory_space<hbm>> -> memref<64xf32, #tpu.memory_space<hbm>>
      %dma_wait3A_855 = arith.constant 0 : i32
      %dma_wait3A_856 = tpu.memref_slice %arg15[%run_scoped3A_819, %dma_wait3A_855] : memref<11x64xf32, #tpu.memory_space<vmem>> -> memref<1x64xf32, #tpu.memory_space<vmem>>
      %dma_wait3A_857 = tpu.memref_squeeze %dma_wait3A_856 : memref<1x64xf32, #tpu.memory_space<vmem>> -> memref<64xf32, #tpu.memory_space<vmem>>
      tpu.wait_dma2 semaphore(%run_scoped3A_837 : memref<!tpu.dma_semaphore, #tpu.memory_space<semaphore_mem>>) src(%dma_wait3A_857 : memref<64xf32, #tpu.memory_space<vmem>>) dst(%dma_wait3A_854 : memref<64xf32, #tpu.memory_space<hbm>>)
      tpu.yield
    }) : () -> ()
    %run_scoped3A_821 = arith.constant 3 : i32
    %run_scoped3A_822 = arith.constant 0 : i32
    "tpu.region"() ({
      %run_scoped3A_837 = tpu.sem_alloc : memref<!tpu.dma_semaphore, #tpu.memory_space<semaphore_mem>>
      %dma_start3A_838 = arith.constant 0 : i32
      %dma_start3A_839 = tpu.memref_slice %arg15[%run_scoped3A_821, %dma_start3A_838] : memref<11x64xf32, #tpu.memory_space<vmem>> -> memref<1x64xf32, #tpu.memory_space<vmem>>
      %dma_start3A_840 = tpu.memref_squeeze %dma_start3A_839 : memref<1x64xf32, #tpu.memory_space<vmem>> -> memref<64xf32, #tpu.memory_space<vmem>>
      %dma_start3A_841 = tpu.memref_slice %arg10[%select_n3A, %select_n3A_43, %run_scoped3A_822, %mul3A_48] : memref<2x4x2x256xf32, #tpu.memory_space<hbm>> -> memref<1x1x1x64xf32, #tpu.memory_space<hbm>>
      %dma_start3A_842 = tpu.memref_squeeze %dma_start3A_841 : memref<1x1x1x64xf32, #tpu.memory_space<hbm>> -> memref<64xf32, #tpu.memory_space<hbm>>
      %dma_start3A_843 = tpu.memref_slice %arg10[%select_n3A, %select_n3A_43, %run_scoped3A_822, %mul3A_48] : memref<2x4x2x256xf32, #tpu.memory_space<hbm>> -> memref<1x1x1x64xf32, #tpu.memory_space<hbm>>
      %dma_start3A_844 = tpu.memref_squeeze %dma_start3A_843 : memref<1x1x1x64xf32, #tpu.memory_space<hbm>> -> memref<64xf32, #tpu.memory_space<hbm>>
      %dma_start3A_845 = arith.constant 0 : i32
      %dma_start3A_846 = tpu.memref_slice %arg15[%run_scoped3A_821, %dma_start3A_845] : memref<11x64xf32, #tpu.memory_space<vmem>> -> memref<1x64xf32, #tpu.memory_space<vmem>>
      %dma_start3A_847 = tpu.memref_squeeze %dma_start3A_846 : memref<1x64xf32, #tpu.memory_space<vmem>> -> memref<64xf32, #tpu.memory_space<vmem>>
      tpu.enqueue_dma source(%dma_start3A_847 : memref<64xf32, #tpu.memory_space<vmem>>) target(%dma_start3A_844 : memref<64xf32, #tpu.memory_space<hbm>>) target_semaphore(%run_scoped3A_837 : memref<!tpu.dma_semaphore, #tpu.memory_space<semaphore_mem>>)
      %dma_wait3A_848 = arith.constant 0 : i32
      %dma_wait3A_849 = tpu.memref_slice %arg15[%run_scoped3A_821, %dma_wait3A_848] : memref<11x64xf32, #tpu.memory_space<vmem>> -> memref<1x64xf32, #tpu.memory_space<vmem>>
      %dma_wait3A_850 = tpu.memref_squeeze %dma_wait3A_849 : memref<1x64xf32, #tpu.memory_space<vmem>> -> memref<64xf32, #tpu.memory_space<vmem>>
      %dma_wait3A_851 = tpu.memref_slice %arg10[%select_n3A, %select_n3A_43, %run_scoped3A_822, %mul3A_48] : memref<2x4x2x256xf32, #tpu.memory_space<hbm>> -> memref<1x1x1x64xf32, #tpu.memory_space<hbm>>
      %dma_wait3A_852 = tpu.memref_squeeze %dma_wait3A_851 : memref<1x1x1x64xf32, #tpu.memory_space<hbm>> -> memref<64xf32, #tpu.memory_space<hbm>>
      %dma_wait3A_853 = tpu.memref_slice %arg10[%select_n3A, %select_n3A_43, %run_scoped3A_822, %mul3A_48] : memref<2x4x2x256xf32, #tpu.memory_space<hbm>> -> memref<1x1x1x64xf32, #tpu.memory_space<hbm>>
      %dma_wait3A_854 = tpu.memref_squeeze %dma_wait3A_853 : memref<1x1x1x64xf32, #tpu.memory_space<hbm>> -> memref<64xf32, #tpu.memory_space<hbm>>
      %dma_wait3A_855 = arith.constant 0 : i32
      %dma_wait3A_856 = tpu.memref_slice %arg15[%run_scoped3A_821, %dma_wait3A_855] : memref<11x64xf32, #tpu.memory_space<vmem>> -> memref<1x64xf32, #tpu.memory_space<vmem>>
      %dma_wait3A_857 = tpu.memref_squeeze %dma_wait3A_856 : memref<1x64xf32, #tpu.memory_space<vmem>> -> memref<64xf32, #tpu.memory_space<vmem>>
      tpu.wait_dma2 semaphore(%run_scoped3A_837 : memref<!tpu.dma_semaphore, #tpu.memory_space<semaphore_mem>>) src(%dma_wait3A_857 : memref<64xf32, #tpu.memory_space<vmem>>) dst(%dma_wait3A_854 : memref<64xf32, #tpu.memory_space<hbm>>)
      tpu.yield
    }) : () -> ()
    %run_scoped3A_823 = arith.constant 4 : i32
    %run_scoped3A_824 = arith.constant 1 : i32
    "tpu.region"() ({
      %run_scoped3A_837 = tpu.sem_alloc : memref<!tpu.dma_semaphore, #tpu.memory_space<semaphore_mem>>
      %dma_start3A_838 = arith.constant 0 : i32
      %dma_start3A_839 = tpu.memref_slice %arg15[%run_scoped3A_823, %dma_start3A_838] : memref<11x64xf32, #tpu.memory_space<vmem>> -> memref<1x64xf32, #tpu.memory_space<vmem>>
      %dma_start3A_840 = tpu.memref_squeeze %dma_start3A_839 : memref<1x64xf32, #tpu.memory_space<vmem>> -> memref<64xf32, #tpu.memory_space<vmem>>
      %dma_start3A_841 = tpu.memref_slice %arg10[%select_n3A, %select_n3A_43, %run_scoped3A_824, %mul3A_48] : memref<2x4x2x256xf32, #tpu.memory_space<hbm>> -> memref<1x1x1x64xf32, #tpu.memory_space<hbm>>
      %dma_start3A_842 = tpu.memref_squeeze %dma_start3A_841 : memref<1x1x1x64xf32, #tpu.memory_space<hbm>> -> memref<64xf32, #tpu.memory_space<hbm>>
      %dma_start3A_843 = tpu.memref_slice %arg10[%select_n3A, %select_n3A_43, %run_scoped3A_824, %mul3A_48] : memref<2x4x2x256xf32, #tpu.memory_space<hbm>> -> memref<1x1x1x64xf32, #tpu.memory_space<hbm>>
      %dma_start3A_844 = tpu.memref_squeeze %dma_start3A_843 : memref<1x1x1x64xf32, #tpu.memory_space<hbm>> -> memref<64xf32, #tpu.memory_space<hbm>>
      %dma_start3A_845 = arith.constant 0 : i32
      %dma_start3A_846 = tpu.memref_slice %arg15[%run_scoped3A_823, %dma_start3A_845] : memref<11x64xf32, #tpu.memory_space<vmem>> -> memref<1x64xf32, #tpu.memory_space<vmem>>
      %dma_start3A_847 = tpu.memref_squeeze %dma_start3A_846 : memref<1x64xf32, #tpu.memory_space<vmem>> -> memref<64xf32, #tpu.memory_space<vmem>>
      tpu.enqueue_dma source(%dma_start3A_847 : memref<64xf32, #tpu.memory_space<vmem>>) target(%dma_start3A_844 : memref<64xf32, #tpu.memory_space<hbm>>) target_semaphore(%run_scoped3A_837 : memref<!tpu.dma_semaphore, #tpu.memory_space<semaphore_mem>>)
      %dma_wait3A_848 = arith.constant 0 : i32
      %dma_wait3A_849 = tpu.memref_slice %arg15[%run_scoped3A_823, %dma_wait3A_848] : memref<11x64xf32, #tpu.memory_space<vmem>> -> memref<1x64xf32, #tpu.memory_space<vmem>>
      %dma_wait3A_850 = tpu.memref_squeeze %dma_wait3A_849 : memref<1x64xf32, #tpu.memory_space<vmem>> -> memref<64xf32, #tpu.memory_space<vmem>>
      %dma_wait3A_851 = tpu.memref_slice %arg10[%select_n3A, %select_n3A_43, %run_scoped3A_824, %mul3A_48] : memref<2x4x2x256xf32, #tpu.memory_space<hbm>> -> memref<1x1x1x64xf32, #tpu.memory_space<hbm>>
      %dma_wait3A_852 = tpu.memref_squeeze %dma_wait3A_851 : memref<1x1x1x64xf32, #tpu.memory_space<hbm>> -> memref<64xf32, #tpu.memory_space<hbm>>
      %dma_wait3A_853 = tpu.memref_slice %arg10[%select_n3A, %select_n3A_43, %run_scoped3A_824, %mul3A_48] : memref<2x4x2x256xf32, #tpu.memory_space<hbm>> -> memref<1x1x1x64xf32, #tpu.memory_space<hbm>>
      %dma_wait3A_854 = tpu.memref_squeeze %dma_wait3A_853 : memref<1x1x1x64xf32, #tpu.memory_space<hbm>> -> memref<64xf32, #tpu.memory_space<hbm>>
      %dma_wait3A_855 = arith.constant 0 : i32
      %dma_wait3A_856 = tpu.memref_slice %arg15[%run_scoped3A_823, %dma_wait3A_855] : memref<11x64xf32, #tpu.memory_space<vmem>> -> memref<1x64xf32, #tpu.memory_space<vmem>>
      %dma_wait3A_857 = tpu.memref_squeeze %dma_wait3A_856 : memref<1x64xf32, #tpu.memory_space<vmem>> -> memref<64xf32, #tpu.memory_space<vmem>>
      tpu.wait_dma2 semaphore(%run_scoped3A_837 : memref<!tpu.dma_semaphore, #tpu.memory_space<semaphore_mem>>) src(%dma_wait3A_857 : memref<64xf32, #tpu.memory_space<vmem>>) dst(%dma_wait3A_854 : memref<64xf32, #tpu.memory_space<hbm>>)
      tpu.yield
    }) : () -> ()
    %run_scoped3A_825 = arith.constant 5 : i32
    %run_scoped3A_826 = arith.constant 0 : i32
    "tpu.region"() ({
      %run_scoped3A_837 = tpu.sem_alloc : memref<!tpu.dma_semaphore, #tpu.memory_space<semaphore_mem>>
      %dma_start3A_838 = arith.constant 0 : i32
      %dma_start3A_839 = tpu.memref_slice %arg15[%run_scoped3A_825, %dma_start3A_838] : memref<11x64xf32, #tpu.memory_space<vmem>> -> memref<1x64xf32, #tpu.memory_space<vmem>>
      %dma_start3A_840 = tpu.memref_squeeze %dma_start3A_839 : memref<1x64xf32, #tpu.memory_space<vmem>> -> memref<64xf32, #tpu.memory_space<vmem>>
      %dma_start3A_841 = tpu.memref_slice %arg11[%select_n3A, %select_n3A_43, %run_scoped3A_826, %mul3A_48] : memref<2x4x2x256xf32, #tpu.memory_space<hbm>> -> memref<1x1x1x64xf32, #tpu.memory_space<hbm>>
      %dma_start3A_842 = tpu.memref_squeeze %dma_start3A_841 : memref<1x1x1x64xf32, #tpu.memory_space<hbm>> -> memref<64xf32, #tpu.memory_space<hbm>>
      %dma_start3A_843 = tpu.memref_slice %arg11[%select_n3A, %select_n3A_43, %run_scoped3A_826, %mul3A_48] : memref<2x4x2x256xf32, #tpu.memory_space<hbm>> -> memref<1x1x1x64xf32, #tpu.memory_space<hbm>>
      %dma_start3A_844 = tpu.memref_squeeze %dma_start3A_843 : memref<1x1x1x64xf32, #tpu.memory_space<hbm>> -> memref<64xf32, #tpu.memory_space<hbm>>
      %dma_start3A_845 = arith.constant 0 : i32
      %dma_start3A_846 = tpu.memref_slice %arg15[%run_scoped3A_825, %dma_start3A_845] : memref<11x64xf32, #tpu.memory_space<vmem>> -> memref<1x64xf32, #tpu.memory_space<vmem>>
      %dma_start3A_847 = tpu.memref_squeeze %dma_start3A_846 : memref<1x64xf32, #tpu.memory_space<vmem>> -> memref<64xf32, #tpu.memory_space<vmem>>
      tpu.enqueue_dma source(%dma_start3A_847 : memref<64xf32, #tpu.memory_space<vmem>>) target(%dma_start3A_844 : memref<64xf32, #tpu.memory_space<hbm>>) target_semaphore(%run_scoped3A_837 : memref<!tpu.dma_semaphore, #tpu.memory_space<semaphore_mem>>)
      %dma_wait3A_848 = arith.constant 0 : i32
      %dma_wait3A_849 = tpu.memref_slice %arg15[%run_scoped3A_825, %dma_wait3A_848] : memref<11x64xf32, #tpu.memory_space<vmem>> -> memref<1x64xf32, #tpu.memory_space<vmem>>
      %dma_wait3A_850 = tpu.memref_squeeze %dma_wait3A_849 : memref<1x64xf32, #tpu.memory_space<vmem>> -> memref<64xf32, #tpu.memory_space<vmem>>
      %dma_wait3A_851 = tpu.memref_slice %arg11[%select_n3A, %select_n3A_43, %run_scoped3A_826, %mul3A_48] : memref<2x4x2x256xf32, #tpu.memory_space<hbm>> -> memref<1x1x1x64xf32, #tpu.memory_space<hbm>>
      %dma_wait3A_852 = tpu.memref_squeeze %dma_wait3A_851 : memref<1x1x1x64xf32, #tpu.memory_space<hbm>> -> memref<64xf32, #tpu.memory_space<hbm>>
      %dma_wait3A_853 = tpu.memref_slice %arg11[%select_n3A, %select_n3A_43, %run_scoped3A_826, %mul3A_48] : memref<2x4x2x256xf32, #tpu.memory_space<hbm>> -> memref<1x1x1x64xf32, #tpu.memory_space<hbm>>
      %dma_wait3A_854 = tpu.memref_squeeze %dma_wait3A_853 : memref<1x1x1x64xf32, #tpu.memory_space<hbm>> -> memref<64xf32, #tpu.memory_space<hbm>>
      %dma_wait3A_855 = arith.constant 0 : i32
      %dma_wait3A_856 = tpu.memref_slice %arg15[%run_scoped3A_825, %dma_wait3A_855] : memref<11x64xf32, #tpu.memory_space<vmem>> -> memref<1x64xf32, #tpu.memory_space<vmem>>
      %dma_wait3A_857 = tpu.memref_squeeze %dma_wait3A_856 : memref<1x64xf32, #tpu.memory_space<vmem>> -> memref<64xf32, #tpu.memory_space<vmem>>
      tpu.wait_dma2 semaphore(%run_scoped3A_837 : memref<!tpu.dma_semaphore, #tpu.memory_space<semaphore_mem>>) src(%dma_wait3A_857 : memref<64xf32, #tpu.memory_space<vmem>>) dst(%dma_wait3A_854 : memref<64xf32, #tpu.memory_space<hbm>>)
      tpu.yield
    }) : () -> ()
    %run_scoped3A_827 = arith.constant 6 : i32
    %run_scoped3A_828 = arith.constant 1 : i32
    "tpu.region"() ({
      %run_scoped3A_837 = tpu.sem_alloc : memref<!tpu.dma_semaphore, #tpu.memory_space<semaphore_mem>>
      %dma_start3A_838 = arith.constant 0 : i32
      %dma_start3A_839 = tpu.memref_slice %arg15[%run_scoped3A_827, %dma_start3A_838] : memref<11x64xf32, #tpu.memory_space<vmem>> -> memref<1x64xf32, #tpu.memory_space<vmem>>
      %dma_start3A_840 = tpu.memref_squeeze %dma_start3A_839 : memref<1x64xf32, #tpu.memory_space<vmem>> -> memref<64xf32, #tpu.memory_space<vmem>>
      %dma_start3A_841 = tpu.memref_slice %arg11[%select_n3A, %select_n3A_43, %run_scoped3A_828, %mul3A_48] : memref<2x4x2x256xf32, #tpu.memory_space<hbm>> -> memref<1x1x1x64xf32, #tpu.memory_space<hbm>>
      %dma_start3A_842 = tpu.memref_squeeze %dma_start3A_841 : memref<1x1x1x64xf32, #tpu.memory_space<hbm>> -> memref<64xf32, #tpu.memory_space<hbm>>
      %dma_start3A_843 = tpu.memref_slice %arg11[%select_n3A, %select_n3A_43, %run_scoped3A_828, %mul3A_48] : memref<2x4x2x256xf32, #tpu.memory_space<hbm>> -> memref<1x1x1x64xf32, #tpu.memory_space<hbm>>
      %dma_start3A_844 = tpu.memref_squeeze %dma_start3A_843 : memref<1x1x1x64xf32, #tpu.memory_space<hbm>> -> memref<64xf32, #tpu.memory_space<hbm>>
      %dma_start3A_845 = arith.constant 0 : i32
      %dma_start3A_846 = tpu.memref_slice %arg15[%run_scoped3A_827, %dma_start3A_845] : memref<11x64xf32, #tpu.memory_space<vmem>> -> memref<1x64xf32, #tpu.memory_space<vmem>>
      %dma_start3A_847 = tpu.memref_squeeze %dma_start3A_846 : memref<1x64xf32, #tpu.memory_space<vmem>> -> memref<64xf32, #tpu.memory_space<vmem>>
      tpu.enqueue_dma source(%dma_start3A_847 : memref<64xf32, #tpu.memory_space<vmem>>) target(%dma_start3A_844 : memref<64xf32, #tpu.memory_space<hbm>>) target_semaphore(%run_scoped3A_837 : memref<!tpu.dma_semaphore, #tpu.memory_space<semaphore_mem>>)
      %dma_wait3A_848 = arith.constant 0 : i32
      %dma_wait3A_849 = tpu.memref_slice %arg15[%run_scoped3A_827, %dma_wait3A_848] : memref<11x64xf32, #tpu.memory_space<vmem>> -> memref<1x64xf32, #tpu.memory_space<vmem>>
      %dma_wait3A_850 = tpu.memref_squeeze %dma_wait3A_849 : memref<1x64xf32, #tpu.memory_space<vmem>> -> memref<64xf32, #tpu.memory_space<vmem>>
      %dma_wait3A_851 = tpu.memref_slice %arg11[%select_n3A, %select_n3A_43, %run_scoped3A_828, %mul3A_48] : memref<2x4x2x256xf32, #tpu.memory_space<hbm>> -> memref<1x1x1x64xf32, #tpu.memory_space<hbm>>
      %dma_wait3A_852 = tpu.memref_squeeze %dma_wait3A_851 : memref<1x1x1x64xf32, #tpu.memory_space<hbm>> -> memref<64xf32, #tpu.memory_space<hbm>>
      %dma_wait3A_853 = tpu.memref_slice %arg11[%select_n3A, %select_n3A_43, %run_scoped3A_828, %mul3A_48] : memref<2x4x2x256xf32, #tpu.memory_space<hbm>> -> memref<1x1x1x64xf32, #tpu.memory_space<hbm>>
      %dma_wait3A_854 = tpu.memref_squeeze %dma_wait3A_853 : memref<1x1x1x64xf32, #tpu.memory_space<hbm>> -> memref<64xf32, #tpu.memory_space<hbm>>
      %dma_wait3A_855 = arith.constant 0 : i32
      %dma_wait3A_856 = tpu.memref_slice %arg15[%run_scoped3A_827, %dma_wait3A_855] : memref<11x64xf32, #tpu.memory_space<vmem>> -> memref<1x64xf32, #tpu.memory_space<vmem>>
      %dma_wait3A_857 = tpu.memref_squeeze %dma_wait3A_856 : memref<1x64xf32, #tpu.memory_space<vmem>> -> memref<64xf32, #tpu.memory_space<vmem>>
      tpu.wait_dma2 semaphore(%run_scoped3A_837 : memref<!tpu.dma_semaphore, #tpu.memory_space<semaphore_mem>>) src(%dma_wait3A_857 : memref<64xf32, #tpu.memory_space<vmem>>) dst(%dma_wait3A_854 : memref<64xf32, #tpu.memory_space<hbm>>)
      tpu.yield
    }) : () -> ()
    %run_scoped3A_829 = arith.constant 7 : i32
    %run_scoped3A_830 = arith.constant 0 : i32
    "tpu.region"() ({
      %run_scoped3A_837 = tpu.sem_alloc : memref<!tpu.dma_semaphore, #tpu.memory_space<semaphore_mem>>
      %dma_start3A_838 = arith.constant 0 : i32
      %dma_start3A_839 = tpu.memref_slice %arg15[%run_scoped3A_829, %dma_start3A_838] : memref<11x64xf32, #tpu.memory_space<vmem>> -> memref<1x64xf32, #tpu.memory_space<vmem>>
      %dma_start3A_840 = tpu.memref_squeeze %dma_start3A_839 : memref<1x64xf32, #tpu.memory_space<vmem>> -> memref<64xf32, #tpu.memory_space<vmem>>
      %dma_start3A_841 = tpu.memref_slice %arg12[%select_n3A, %select_n3A_43, %run_scoped3A_830, %mul3A_48] : memref<2x4x4x256xf32, #tpu.memory_space<hbm>> -> memref<1x1x1x64xf32, #tpu.memory_space<hbm>>
      %dma_start3A_842 = tpu.memref_squeeze %dma_start3A_841 : memref<1x1x1x64xf32, #tpu.memory_space<hbm>> -> memref<64xf32, #tpu.memory_space<hbm>>
      %dma_start3A_843 = tpu.memref_slice %arg12[%select_n3A, %select_n3A_43, %run_scoped3A_830, %mul3A_48] : memref<2x4x4x256xf32, #tpu.memory_space<hbm>> -> memref<1x1x1x64xf32, #tpu.memory_space<hbm>>
      %dma_start3A_844 = tpu.memref_squeeze %dma_start3A_843 : memref<1x1x1x64xf32, #tpu.memory_space<hbm>> -> memref<64xf32, #tpu.memory_space<hbm>>
      %dma_start3A_845 = arith.constant 0 : i32
      %dma_start3A_846 = tpu.memref_slice %arg15[%run_scoped3A_829, %dma_start3A_845] : memref<11x64xf32, #tpu.memory_space<vmem>> -> memref<1x64xf32, #tpu.memory_space<vmem>>
      %dma_start3A_847 = tpu.memref_squeeze %dma_start3A_846 : memref<1x64xf32, #tpu.memory_space<vmem>> -> memref<64xf32, #tpu.memory_space<vmem>>
      tpu.enqueue_dma source(%dma_start3A_847 : memref<64xf32, #tpu.memory_space<vmem>>) target(%dma_start3A_844 : memref<64xf32, #tpu.memory_space<hbm>>) target_semaphore(%run_scoped3A_837 : memref<!tpu.dma_semaphore, #tpu.memory_space<semaphore_mem>>)
      %dma_wait3A_848 = arith.constant 0 : i32
      %dma_wait3A_849 = tpu.memref_slice %arg15[%run_scoped3A_829, %dma_wait3A_848] : memref<11x64xf32, #tpu.memory_space<vmem>> -> memref<1x64xf32, #tpu.memory_space<vmem>>
      %dma_wait3A_850 = tpu.memref_squeeze %dma_wait3A_849 : memref<1x64xf32, #tpu.memory_space<vmem>> -> memref<64xf32, #tpu.memory_space<vmem>>
      %dma_wait3A_851 = tpu.memref_slice %arg12[%select_n3A, %select_n3A_43, %run_scoped3A_830, %mul3A_48] : memref<2x4x4x256xf32, #tpu.memory_space<hbm>> -> memref<1x1x1x64xf32, #tpu.memory_space<hbm>>
      %dma_wait3A_852 = tpu.memref_squeeze %dma_wait3A_851 : memref<1x1x1x64xf32, #tpu.memory_space<hbm>> -> memref<64xf32, #tpu.memory_space<hbm>>
      %dma_wait3A_853 = tpu.memref_slice %arg12[%select_n3A, %select_n3A_43, %run_scoped3A_830, %mul3A_48] : memref<2x4x4x256xf32, #tpu.memory_space<hbm>> -> memref<1x1x1x64xf32, #tpu.memory_space<hbm>>
      %dma_wait3A_854 = tpu.memref_squeeze %dma_wait3A_853 : memref<1x1x1x64xf32, #tpu.memory_space<hbm>> -> memref<64xf32, #tpu.memory_space<hbm>>
      %dma_wait3A_855 = arith.constant 0 : i32
      %dma_wait3A_856 = tpu.memref_slice %arg15[%run_scoped3A_829, %dma_wait3A_855] : memref<11x64xf32, #tpu.memory_space<vmem>> -> memref<1x64xf32, #tpu.memory_space<vmem>>
      %dma_wait3A_857 = tpu.memref_squeeze %dma_wait3A_856 : memref<1x64xf32, #tpu.memory_space<vmem>> -> memref<64xf32, #tpu.memory_space<vmem>>
      tpu.wait_dma2 semaphore(%run_scoped3A_837 : memref<!tpu.dma_semaphore, #tpu.memory_space<semaphore_mem>>) src(%dma_wait3A_857 : memref<64xf32, #tpu.memory_space<vmem>>) dst(%dma_wait3A_854 : memref<64xf32, #tpu.memory_space<hbm>>)
      tpu.yield
    }) : () -> ()
    %run_scoped3A_831 = arith.constant 8 : i32
    %run_scoped3A_832 = arith.constant 1 : i32
    "tpu.region"() ({
      %run_scoped3A_837 = tpu.sem_alloc : memref<!tpu.dma_semaphore, #tpu.memory_space<semaphore_mem>>
      %dma_start3A_838 = arith.constant 0 : i32
      %dma_start3A_839 = tpu.memref_slice %arg15[%run_scoped3A_831, %dma_start3A_838] : memref<11x64xf32, #tpu.memory_space<vmem>> -> memref<1x64xf32, #tpu.memory_space<vmem>>
      %dma_start3A_840 = tpu.memref_squeeze %dma_start3A_839 : memref<1x64xf32, #tpu.memory_space<vmem>> -> memref<64xf32, #tpu.memory_space<vmem>>
      %dma_start3A_841 = tpu.memref_slice %arg12[%select_n3A, %select_n3A_43, %run_scoped3A_832, %mul3A_48] : memref<2x4x4x256xf32, #tpu.memory_space<hbm>> -> memref<1x1x1x64xf32, #tpu.memory_space<hbm>>
      %dma_start3A_842 = tpu.memref_squeeze %dma_start3A_841 : memref<1x1x1x64xf32, #tpu.memory_space<hbm>> -> memref<64xf32, #tpu.memory_space<hbm>>
      %dma_start3A_843 = tpu.memref_slice %arg12[%select_n3A, %select_n3A_43, %run_scoped3A_832, %mul3A_48] : memref<2x4x4x256xf32, #tpu.memory_space<hbm>> -> memref<1x1x1x64xf32, #tpu.memory_space<hbm>>
      %dma_start3A_844 = tpu.memref_squeeze %dma_start3A_843 : memref<1x1x1x64xf32, #tpu.memory_space<hbm>> -> memref<64xf32, #tpu.memory_space<hbm>>
      %dma_start3A_845 = arith.constant 0 : i32
      %dma_start3A_846 = tpu.memref_slice %arg15[%run_scoped3A_831, %dma_start3A_845] : memref<11x64xf32, #tpu.memory_space<vmem>> -> memref<1x64xf32, #tpu.memory_space<vmem>>
      %dma_start3A_847 = tpu.memref_squeeze %dma_start3A_846 : memref<1x64xf32, #tpu.memory_space<vmem>> -> memref<64xf32, #tpu.memory_space<vmem>>
      tpu.enqueue_dma source(%dma_start3A_847 : memref<64xf32, #tpu.memory_space<vmem>>) target(%dma_start3A_844 : memref<64xf32, #tpu.memory_space<hbm>>) target_semaphore(%run_scoped3A_837 : memref<!tpu.dma_semaphore, #tpu.memory_space<semaphore_mem>>)
      %dma_wait3A_848 = arith.constant 0 : i32
      %dma_wait3A_849 = tpu.memref_slice %arg15[%run_scoped3A_831, %dma_wait3A_848] : memref<11x64xf32, #tpu.memory_space<vmem>> -> memref<1x64xf32, #tpu.memory_space<vmem>>
      %dma_wait3A_850 = tpu.memref_squeeze %dma_wait3A_849 : memref<1x64xf32, #tpu.memory_space<vmem>> -> memref<64xf32, #tpu.memory_space<vmem>>
      %dma_wait3A_851 = tpu.memref_slice %arg12[%select_n3A, %select_n3A_43, %run_scoped3A_832, %mul3A_48] : memref<2x4x4x256xf32, #tpu.memory_space<hbm>> -> memref<1x1x1x64xf32, #tpu.memory_space<hbm>>
      %dma_wait3A_852 = tpu.memref_squeeze %dma_wait3A_851 : memref<1x1x1x64xf32, #tpu.memory_space<hbm>> -> memref<64xf32, #tpu.memory_space<hbm>>
      %dma_wait3A_853 = tpu.memref_slice %arg12[%select_n3A, %select_n3A_43, %run_scoped3A_832, %mul3A_48] : memref<2x4x4x256xf32, #tpu.memory_space<hbm>> -> memref<1x1x1x64xf32, #tpu.memory_space<hbm>>
      %dma_wait3A_854 = tpu.memref_squeeze %dma_wait3A_853 : memref<1x1x1x64xf32, #tpu.memory_space<hbm>> -> memref<64xf32, #tpu.memory_space<hbm>>
      %dma_wait3A_855 = arith.constant 0 : i32
      %dma_wait3A_856 = tpu.memref_slice %arg15[%run_scoped3A_831, %dma_wait3A_855] : memref<11x64xf32, #tpu.memory_space<vmem>> -> memref<1x64xf32, #tpu.memory_space<vmem>>
      %dma_wait3A_857 = tpu.memref_squeeze %dma_wait3A_856 : memref<1x64xf32, #tpu.memory_space<vmem>> -> memref<64xf32, #tpu.memory_space<vmem>>
      tpu.wait_dma2 semaphore(%run_scoped3A_837 : memref<!tpu.dma_semaphore, #tpu.memory_space<semaphore_mem>>) src(%dma_wait3A_857 : memref<64xf32, #tpu.memory_space<vmem>>) dst(%dma_wait3A_854 : memref<64xf32, #tpu.memory_space<hbm>>)
      tpu.yield
    }) : () -> ()
    %run_scoped3A_833 = arith.constant 9 : i32
    %run_scoped3A_834 = arith.constant 2 : i32
    "tpu.region"() ({
      %run_scoped3A_837 = tpu.sem_alloc : memref<!tpu.dma_semaphore, #tpu.memory_space<semaphore_mem>>
      %dma_start3A_838 = arith.constant 0 : i32
      %dma_start3A_839 = tpu.memref_slice %arg15[%run_scoped3A_833, %dma_start3A_838] : memref<11x64xf32, #tpu.memory_space<vmem>> -> memref<1x64xf32, #tpu.memory_space<vmem>>
      %dma_start3A_840 = tpu.memref_squeeze %dma_start3A_839 : memref<1x64xf32, #tpu.memory_space<vmem>> -> memref<64xf32, #tpu.memory_space<vmem>>
      %dma_start3A_841 = tpu.memref_slice %arg12[%select_n3A, %select_n3A_43, %run_scoped3A_834, %mul3A_48] : memref<2x4x4x256xf32, #tpu.memory_space<hbm>> -> memref<1x1x1x64xf32, #tpu.memory_space<hbm>>
      %dma_start3A_842 = tpu.memref_squeeze %dma_start3A_841 : memref<1x1x1x64xf32, #tpu.memory_space<hbm>> -> memref<64xf32, #tpu.memory_space<hbm>>
      %dma_start3A_843 = tpu.memref_slice %arg12[%select_n3A, %select_n3A_43, %run_scoped3A_834, %mul3A_48] : memref<2x4x4x256xf32, #tpu.memory_space<hbm>> -> memref<1x1x1x64xf32, #tpu.memory_space<hbm>>
      %dma_start3A_844 = tpu.memref_squeeze %dma_start3A_843 : memref<1x1x1x64xf32, #tpu.memory_space<hbm>> -> memref<64xf32, #tpu.memory_space<hbm>>
      %dma_start3A_845 = arith.constant 0 : i32
      %dma_start3A_846 = tpu.memref_slice %arg15[%run_scoped3A_833, %dma_start3A_845] : memref<11x64xf32, #tpu.memory_space<vmem>> -> memref<1x64xf32, #tpu.memory_space<vmem>>
      %dma_start3A_847 = tpu.memref_squeeze %dma_start3A_846 : memref<1x64xf32, #tpu.memory_space<vmem>> -> memref<64xf32, #tpu.memory_space<vmem>>
      tpu.enqueue_dma source(%dma_start3A_847 : memref<64xf32, #tpu.memory_space<vmem>>) target(%dma_start3A_844 : memref<64xf32, #tpu.memory_space<hbm>>) target_semaphore(%run_scoped3A_837 : memref<!tpu.dma_semaphore, #tpu.memory_space<semaphore_mem>>)
      %dma_wait3A_848 = arith.constant 0 : i32
      %dma_wait3A_849 = tpu.memref_slice %arg15[%run_scoped3A_833, %dma_wait3A_848] : memref<11x64xf32, #tpu.memory_space<vmem>> -> memref<1x64xf32, #tpu.memory_space<vmem>>
      %dma_wait3A_850 = tpu.memref_squeeze %dma_wait3A_849 : memref<1x64xf32, #tpu.memory_space<vmem>> -> memref<64xf32, #tpu.memory_space<vmem>>
      %dma_wait3A_851 = tpu.memref_slice %arg12[%select_n3A, %select_n3A_43, %run_scoped3A_834, %mul3A_48] : memref<2x4x4x256xf32, #tpu.memory_space<hbm>> -> memref<1x1x1x64xf32, #tpu.memory_space<hbm>>
      %dma_wait3A_852 = tpu.memref_squeeze %dma_wait3A_851 : memref<1x1x1x64xf32, #tpu.memory_space<hbm>> -> memref<64xf32, #tpu.memory_space<hbm>>
      %dma_wait3A_853 = tpu.memref_slice %arg12[%select_n3A, %select_n3A_43, %run_scoped3A_834, %mul3A_48] : memref<2x4x4x256xf32, #tpu.memory_space<hbm>> -> memref<1x1x1x64xf32, #tpu.memory_space<hbm>>
      %dma_wait3A_854 = tpu.memref_squeeze %dma_wait3A_853 : memref<1x1x1x64xf32, #tpu.memory_space<hbm>> -> memref<64xf32, #tpu.memory_space<hbm>>
      %dma_wait3A_855 = arith.constant 0 : i32
      %dma_wait3A_856 = tpu.memref_slice %arg15[%run_scoped3A_833, %dma_wait3A_855] : memref<11x64xf32, #tpu.memory_space<vmem>> -> memref<1x64xf32, #tpu.memory_space<vmem>>
      %dma_wait3A_857 = tpu.memref_squeeze %dma_wait3A_856 : memref<1x64xf32, #tpu.memory_space<vmem>> -> memref<64xf32, #tpu.memory_space<vmem>>
      tpu.wait_dma2 semaphore(%run_scoped3A_837 : memref<!tpu.dma_semaphore, #tpu.memory_space<semaphore_mem>>) src(%dma_wait3A_857 : memref<64xf32, #tpu.memory_space<vmem>>) dst(%dma_wait3A_854 : memref<64xf32, #tpu.memory_space<hbm>>)
      tpu.yield
    }) : () -> ()
    %run_scoped3A_835 = arith.constant 10 : i32
    %run_scoped3A_836 = arith.constant 3 : i32
    "tpu.region"() ({
      %run_scoped3A_837 = tpu.sem_alloc : memref<!tpu.dma_semaphore, #tpu.memory_space<semaphore_mem>>
      %dma_start3A_838 = arith.constant 0 : i32
      %dma_start3A_839 = tpu.memref_slice %arg15[%run_scoped3A_835, %dma_start3A_838] : memref<11x64xf32, #tpu.memory_space<vmem>> -> memref<1x64xf32, #tpu.memory_space<vmem>>
      %dma_start3A_840 = tpu.memref_squeeze %dma_start3A_839 : memref<1x64xf32, #tpu.memory_space<vmem>> -> memref<64xf32, #tpu.memory_space<vmem>>
      %dma_start3A_841 = tpu.memref_slice %arg12[%select_n3A, %select_n3A_43, %run_scoped3A_836, %mul3A_48] : memref<2x4x4x256xf32, #tpu.memory_space<hbm>> -> memref<1x1x1x64xf32, #tpu.memory_space<hbm>>
      %dma_start3A_842 = tpu.memref_squeeze %dma_start3A_841 : memref<1x1x1x64xf32, #tpu.memory_space<hbm>> -> memref<64xf32, #tpu.memory_space<hbm>>
      %dma_start3A_843 = tpu.memref_slice %arg12[%select_n3A, %select_n3A_43, %run_scoped3A_836, %mul3A_48] : memref<2x4x4x256xf32, #tpu.memory_space<hbm>> -> memref<1x1x1x64xf32, #tpu.memory_space<hbm>>
      %dma_start3A_844 = tpu.memref_squeeze %dma_start3A_843 : memref<1x1x1x64xf32, #tpu.memory_space<hbm>> -> memref<64xf32, #tpu.memory_space<hbm>>
      %dma_start3A_845 = arith.constant 0 : i32
      %dma_start3A_846 = tpu.memref_slice %arg15[%run_scoped3A_835, %dma_start3A_845] : memref<11x64xf32, #tpu.memory_space<vmem>> -> memref<1x64xf32, #tpu.memory_space<vmem>>
      %dma_start3A_847 = tpu.memref_squeeze %dma_start3A_846 : memref<1x64xf32, #tpu.memory_space<vmem>> -> memref<64xf32, #tpu.memory_space<vmem>>
      tpu.enqueue_dma source(%dma_start3A_847 : memref<64xf32, #tpu.memory_space<vmem>>) target(%dma_start3A_844 : memref<64xf32, #tpu.memory_space<hbm>>) target_semaphore(%run_scoped3A_837 : memref<!tpu.dma_semaphore, #tpu.memory_space<semaphore_mem>>)
      %dma_wait3A_848 = arith.constant 0 : i32
      %dma_wait3A_849 = tpu.memref_slice %arg15[%run_scoped3A_835, %dma_wait3A_848] : memref<11x64xf32, #tpu.memory_space<vmem>> -> memref<1x64xf32, #tpu.memory_space<vmem>>
      %dma_wait3A_850 = tpu.memref_squeeze %dma_wait3A_849 : memref<1x64xf32, #tpu.memory_space<vmem>> -> memref<64xf32, #tpu.memory_space<vmem>>
      %dma_wait3A_851 = tpu.memref_slice %arg12[%select_n3A, %select_n3A_43, %run_scoped3A_836, %mul3A_48] : memref<2x4x4x256xf32, #tpu.memory_space<hbm>> -> memref<1x1x1x64xf32, #tpu.memory_space<hbm>>
      %dma_wait3A_852 = tpu.memref_squeeze %dma_wait3A_851 : memref<1x1x1x64xf32, #tpu.memory_space<hbm>> -> memref<64xf32, #tpu.memory_space<hbm>>
      %dma_wait3A_853 = tpu.memref_slice %arg12[%select_n3A, %select_n3A_43, %run_scoped3A_836, %mul3A_48] : memref<2x4x4x256xf32, #tpu.memory_space<hbm>> -> memref<1x1x1x64xf32, #tpu.memory_space<hbm>>
      %dma_wait3A_854 = tpu.memref_squeeze %dma_wait3A_853 : memref<1x1x1x64xf32, #tpu.memory_space<hbm>> -> memref<64xf32, #tpu.memory_space<hbm>>
      %dma_wait3A_855 = arith.constant 0 : i32
      %dma_wait3A_856 = tpu.memref_slice %arg15[%run_scoped3A_835, %dma_wait3A_855] : memref<11x64xf32, #tpu.memory_space<vmem>> -> memref<1x64xf32, #tpu.memory_space<vmem>>
      %dma_wait3A_857 = tpu.memref_squeeze %dma_wait3A_856 : memref<1x64xf32, #tpu.memory_space<vmem>> -> memref<64xf32, #tpu.memory_space<vmem>>
      tpu.wait_dma2 semaphore(%run_scoped3A_837 : memref<!tpu.dma_semaphore, #tpu.memory_space<semaphore_mem>>) src(%dma_wait3A_857 : memref<64xf32, #tpu.memory_space<vmem>>) dst(%dma_wait3A_854 : memref<64xf32, #tpu.memory_space<hbm>>)
      tpu.yield
    }) : () -> ()
    return
  }
}

module attributes {stable_mosaic.version = 14 : i64} {
  func.func @_tc_dense_body(%arg0: memref<2x4x152x272xf32, #tpu.memory_space<vmem>>, %arg1: memref<4x152x272xf32, #tpu.memory_space<vmem>>, %arg2: memref<2x8x152x272xf32, #tpu.memory_space<vmem>>, %arg3: memref<8x152x272xf32, #tpu.memory_space<vmem>>, %arg4: memref<8x152x272xf32, #tpu.memory_space<vmem>>, %arg5: memref<8x128xf32, #tpu.memory_space<vmem>>) attributes {dimension_semantics = [], scalar_prefetch = 0 : i64, scratch_operands = 0 : i64, tpu.core_type = #tpu.core_type<tc>} {
    %get3A = arith.constant 0 : index
    %get3A_0 = arith.constant 0 : index
    %get3A_1 = arith.constant 0 : index
    %get3A_2 = vector.load %arg4[%get3A, %get3A_0, %get3A_1] : memref<8x152x272xf32, #tpu.memory_space<vmem>>, vector<8x152x272xf32>
    %get3A_3 = arith.constant 0 : index
    %get3A_4 = arith.constant 0 : index
    %get3A_5 = arith.constant 0 : index
    %get3A_6 = vector.load %arg3[%get3A_3, %get3A_4, %get3A_5] : memref<8x152x272xf32, #tpu.memory_space<vmem>>, vector<8x152x272xf32>
    %get3A_7 = arith.constant 0 : index
    %get3A_8 = arith.constant 0 : index
    %get3A_9 = arith.constant 0 : index
    %get3A_10 = vector.load %arg1[%get3A_7, %get3A_8, %get3A_9] : memref<4x152x272xf32, #tpu.memory_space<vmem>>, vector<4x152x272xf32>
    %sub3A = arith.constant 1.000000e+00 : f32
    %sub3A_11 = vector.broadcast %sub3A : f32 to vector<4x152x272xf32>
    %sub3A_12 = arith.subf %sub3A_11, %get3A_10 : vector<4x152x272xf32>
    %mul3A = arith.mulf %sub3A_12, %sub3A_12 : vector<4x152x272xf32>
    %mul3A_13 = arith.mulf %mul3A, %mul3A : vector<4x152x272xf32>
    %get3A_14 = arith.constant 0 : index
    %get3A_15 = arith.constant 0 : index
    %get3A_16 = arith.constant 0 : index
    %get3A_17 = arith.constant 0 : index
    %get3A_18 = vector.load %arg0[%get3A_14, %get3A_15, %get3A_16, %get3A_17] : memref<2x4x152x272xf32, #tpu.memory_space<vmem>>, vector<1x4x152x272xf32>
    %get3A_19 = vector.shape_cast %get3A_18 : vector<1x4x152x272xf32> to vector<4x152x272xf32>
    %neg3A = arith.constant 0.000000e+00 : f32
    %neg3A_20 = vector.broadcast %neg3A : f32 to vector<4x152x272xf32>
    %neg3A_21 = arith.subf %neg3A_20, %get3A_19 : vector<4x152x272xf32>
    %exp3A = math.exp %neg3A_21 : vector<4x152x272xf32>
    %add3A = arith.constant 1.000000e+00 : f32
    %add3A_22 = vector.broadcast %add3A : f32 to vector<4x152x272xf32>
    %add3A_23 = arith.addf %add3A_22, %exp3A : vector<4x152x272xf32>
    %div3A = arith.constant 1.000000e+00 : f32
    %div3A_24 = vector.broadcast %div3A : f32 to vector<4x152x272xf32>
    %div3A_25 = arith.divf %div3A_24, %add3A_23 : vector<4x152x272xf32>
    %jit3A = arith.constant 9.99999974E-5 : f32
    %jit3A_26 = arith.constant 0.999899983 : f32
    %max3A = vector.broadcast %jit3A : f32 to vector<4x152x272xf32>
    %max3A_27 = arith.maximumf %max3A, %div3A_25 : vector<4x152x272xf32>
    %min3A = vector.broadcast %jit3A_26 : f32 to vector<4x152x272xf32>
    %min3A_28 = arith.minimumf %min3A, %max3A_27 : vector<4x152x272xf32>
    %sub3A_29 = arith.constant 1.000000e+00 : f32
    %sub3A_30 = vector.broadcast %sub3A_29 : f32 to vector<4x152x272xf32>
    %sub3A_31 = arith.subf %sub3A_30, %min3A_28 : vector<4x152x272xf32>
    %log3A = math.log %sub3A_31 : vector<4x152x272xf32>
    %mul3A_32 = arith.mulf %log3A, %min3A_28 : vector<4x152x272xf32>
    %mul3A_33 = arith.mulf %mul3A_32, %min3A_28 : vector<4x152x272xf32>
    %mul3A_34 = arith.mulf %mul3A_33, %mul3A_13 : vector<4x152x272xf32>
    %reduce_sum3A = vector.shape_cast %mul3A_34 : vector<4x152x272xf32> to vector<1x4x152x272xf32>
    %reduce_sum3A_35 = arith.constant dense<0.000000e+00> : vector<1xf32>
    %reduce_sum3A_36 = vector.multi_reduction <add>, %reduce_sum3A, %reduce_sum3A_35 [1, 2, 3] : vector<1x4x152x272xf32> to vector<1xf32>
    %reduce_sum3A_37 = vector.shape_cast %reduce_sum3A_36 : vector<1xf32> to vector<1x1x1x1xf32>
    %reduce_sum3A_38 = vector.extract %reduce_sum3A_37[0, 0, 0, 0] : f32 from vector<1x1x1x1xf32>
    %get3A_39 = arith.constant 1 : index
    %get3A_40 = arith.constant 0 : index
    %get3A_41 = arith.constant 0 : index
    %get3A_42 = arith.constant 0 : index
    %get3A_43 = vector.load %arg0[%get3A_39, %get3A_40, %get3A_41, %get3A_42] : memref<2x4x152x272xf32, #tpu.memory_space<vmem>>, vector<1x4x152x272xf32>
    %get3A_44 = vector.shape_cast %get3A_43 : vector<1x4x152x272xf32> to vector<4x152x272xf32>
    %neg3A_45 = arith.constant 0.000000e+00 : f32
    %neg3A_46 = vector.broadcast %neg3A_45 : f32 to vector<4x152x272xf32>
    %neg3A_47 = arith.subf %neg3A_46, %get3A_44 : vector<4x152x272xf32>
    %exp3A_48 = math.exp %neg3A_47 : vector<4x152x272xf32>
    %add3A_49 = arith.constant 1.000000e+00 : f32
    %add3A_50 = vector.broadcast %add3A_49 : f32 to vector<4x152x272xf32>
    %add3A_51 = arith.addf %add3A_50, %exp3A_48 : vector<4x152x272xf32>
    %div3A_52 = arith.constant 1.000000e+00 : f32
    %div3A_53 = vector.broadcast %div3A_52 : f32 to vector<4x152x272xf32>
    %div3A_54 = arith.divf %div3A_53, %add3A_51 : vector<4x152x272xf32>
    %jit3A_55 = arith.constant 9.99999974E-5 : f32
    %jit3A_56 = arith.constant 0.999899983 : f32
    %max3A_57 = vector.broadcast %jit3A_55 : f32 to vector<4x152x272xf32>
    %max3A_58 = arith.maximumf %max3A_57, %div3A_54 : vector<4x152x272xf32>
    %min3A_59 = vector.broadcast %jit3A_56 : f32 to vector<4x152x272xf32>
    %min3A_60 = arith.minimumf %min3A_59, %max3A_58 : vector<4x152x272xf32>
    %sub3A_61 = arith.constant 1.000000e+00 : f32
    %sub3A_62 = vector.broadcast %sub3A_61 : f32 to vector<4x152x272xf32>
    %sub3A_63 = arith.subf %sub3A_62, %min3A_60 : vector<4x152x272xf32>
    %log3A_64 = math.log %sub3A_63 : vector<4x152x272xf32>
    %mul3A_65 = arith.mulf %log3A_64, %min3A_60 : vector<4x152x272xf32>
    %mul3A_66 = arith.mulf %mul3A_65, %min3A_60 : vector<4x152x272xf32>
    %mul3A_67 = arith.mulf %mul3A_66, %mul3A_13 : vector<4x152x272xf32>
    %reduce_sum3A_68 = vector.shape_cast %mul3A_67 : vector<4x152x272xf32> to vector<1x4x152x272xf32>
    %reduce_sum3A_69 = arith.constant dense<0.000000e+00> : vector<1xf32>
    %reduce_sum3A_70 = vector.multi_reduction <add>, %reduce_sum3A_68, %reduce_sum3A_69 [1, 2, 3] : vector<1x4x152x272xf32> to vector<1xf32>
    %reduce_sum3A_71 = vector.shape_cast %reduce_sum3A_70 : vector<1xf32> to vector<1x1x1x1xf32>
    %reduce_sum3A_72 = vector.extract %reduce_sum3A_71[0, 0, 0, 0] : f32 from vector<1x1x1x1xf32>
    %get3A_73 = arith.constant 0 : index
    %get3A_74 = arith.constant 0 : index
    %get3A_75 = arith.constant 0 : index
    %get3A_76 = arith.constant 0 : index
    %get3A_77 = vector.load %arg2[%get3A_73, %get3A_74, %get3A_75, %get3A_76] : memref<2x8x152x272xf32, #tpu.memory_space<vmem>>, vector<1x8x152x272xf32>
    %get3A_78 = vector.shape_cast %get3A_77 : vector<1x8x152x272xf32> to vector<8x152x272xf32>
    %mul3A_79 = arith.mulf %get3A_78, %get3A_2 : vector<8x152x272xf32>
    %mul3A_80 = arith.mulf %get3A_6, %get3A_2 : vector<8x152x272xf32>
    %sub3A_81 = arith.subf %mul3A_79, %mul3A_80 : vector<8x152x272xf32>
    %abs3A = math.absf %sub3A_81 : vector<8x152x272xf32>
    %reduce_sum3A_82 = vector.shape_cast %abs3A : vector<8x152x272xf32> to vector<1x8x152x272xf32>
    %reduce_sum3A_83 = arith.constant dense<0.000000e+00> : vector<1xf32>
    %reduce_sum3A_84 = vector.multi_reduction <add>, %reduce_sum3A_82, %reduce_sum3A_83 [1, 2, 3] : vector<1x8x152x272xf32> to vector<1xf32>
    %reduce_sum3A_85 = vector.shape_cast %reduce_sum3A_84 : vector<1xf32> to vector<1x1x1x1xf32>
    %reduce_sum3A_86 = vector.extract %reduce_sum3A_85[0, 0, 0, 0] : f32 from vector<1x1x1x1xf32>
    %get3A_87 = arith.constant 1 : index
    %get3A_88 = arith.constant 0 : index
    %get3A_89 = arith.constant 0 : index
    %get3A_90 = arith.constant 0 : index
    %get3A_91 = vector.load %arg2[%get3A_87, %get3A_88, %get3A_89, %get3A_90] : memref<2x8x152x272xf32, #tpu.memory_space<vmem>>, vector<1x8x152x272xf32>
    %get3A_92 = vector.shape_cast %get3A_91 : vector<1x8x152x272xf32> to vector<8x152x272xf32>
    %mul3A_93 = arith.mulf %get3A_92, %get3A_2 : vector<8x152x272xf32>
    %mul3A_94 = arith.mulf %get3A_6, %get3A_2 : vector<8x152x272xf32>
    %sub3A_95 = arith.subf %mul3A_93, %mul3A_94 : vector<8x152x272xf32>
    %abs3A_96 = math.absf %sub3A_95 : vector<8x152x272xf32>
    %reduce_sum3A_97 = vector.shape_cast %abs3A_96 : vector<8x152x272xf32> to vector<1x8x152x272xf32>
    %reduce_sum3A_98 = arith.constant dense<0.000000e+00> : vector<1xf32>
    %reduce_sum3A_99 = vector.multi_reduction <add>, %reduce_sum3A_97, %reduce_sum3A_98 [1, 2, 3] : vector<1x8x152x272xf32> to vector<1xf32>
    %reduce_sum3A_100 = vector.shape_cast %reduce_sum3A_99 : vector<1xf32> to vector<1x1x1x1xf32>
    %reduce_sum3A_101 = vector.extract %reduce_sum3A_100[0, 0, 0, 0] : f32 from vector<1x1x1x1xf32>
    %reduce_sum3A_102 = vector.shape_cast %get3A_2 : vector<8x152x272xf32> to vector<1x8x152x272xf32>
    %reduce_sum3A_103 = arith.constant dense<0.000000e+00> : vector<1xf32>
    %reduce_sum3A_104 = vector.multi_reduction <add>, %reduce_sum3A_102, %reduce_sum3A_103 [1, 2, 3] : vector<1x8x152x272xf32> to vector<1xf32>
    %reduce_sum3A_105 = vector.shape_cast %reduce_sum3A_104 : vector<1xf32> to vector<1x1x1x1xf32>
    %reduce_sum3A_106 = vector.extract %reduce_sum3A_105[0, 0, 0, 0] : f32 from vector<1x1x1x1xf32>
    %iota3A = tpu.iota {dimensions = array<i32: 0>} : vector<8x128xi32>
    %iota3A_107 = tpu.iota {dimensions = array<i32: 1>} : vector<8x128xi32>
    %broadcast_in_dim3A = arith.constant 0.000000e+00 : f32
    %broadcast_in_dim3A_108 = vector.broadcast %broadcast_in_dim3A : f32 to vector<8x128xf32>
    %eq3A = arith.constant 0 : i32
    %eq3A_109 = vector.broadcast %eq3A : i32 to vector<8x128xi32>
    %eq3A_110 = arith.cmpi eq, %iota3A, %eq3A_109 : vector<8x128xi32>
    %eq3A_111 = arith.constant 0 : i32
    %eq3A_112 = vector.broadcast %eq3A_111 : i32 to vector<8x128xi32>
    %eq3A_113 = arith.cmpi eq, %iota3A_107, %eq3A_112 : vector<8x128xi32>
    %and3A = arith.andi %eq3A_110, %eq3A_113 : vector<8x128xi1>
    %jit3A_114 = arith.constant 0.000000e+00 : f32
    %broadcast_in_dim3A_115 = vector.broadcast %reduce_sum3A_38 : f32 to vector<8x128xf32>
    %broadcast_in_dim3A_116 = vector.broadcast %jit3A_114 : f32 to vector<8x128xf32>
    %select_n3A = arith.select %and3A, %broadcast_in_dim3A_115, %broadcast_in_dim3A_116 : vector<8x128xi1>, vector<8x128xf32>
    %add3A_117 = arith.addf %broadcast_in_dim3A_108, %select_n3A : vector<8x128xf32>
    %eq3A_118 = arith.constant 0 : i32
    %eq3A_119 = vector.broadcast %eq3A_118 : i32 to vector<8x128xi32>
    %eq3A_120 = arith.cmpi eq, %iota3A, %eq3A_119 : vector<8x128xi32>
    %eq3A_121 = arith.constant 1 : i32
    %eq3A_122 = vector.broadcast %eq3A_121 : i32 to vector<8x128xi32>
    %eq3A_123 = arith.cmpi eq, %iota3A_107, %eq3A_122 : vector<8x128xi32>
    %and3A_124 = arith.andi %eq3A_120, %eq3A_123 : vector<8x128xi1>
    %jit3A_125 = arith.constant 0.000000e+00 : f32
    %broadcast_in_dim3A_126 = vector.broadcast %reduce_sum3A_72 : f32 to vector<8x128xf32>
    %broadcast_in_dim3A_127 = vector.broadcast %jit3A_125 : f32 to vector<8x128xf32>
    %select_n3A_128 = arith.select %and3A_124, %broadcast_in_dim3A_126, %broadcast_in_dim3A_127 : vector<8x128xi1>, vector<8x128xf32>
    %add3A_129 = arith.addf %add3A_117, %select_n3A_128 : vector<8x128xf32>
    %eq3A_130 = arith.constant 0 : i32
    %eq3A_131 = vector.broadcast %eq3A_130 : i32 to vector<8x128xi32>
    %eq3A_132 = arith.cmpi eq, %iota3A, %eq3A_131 : vector<8x128xi32>
    %eq3A_133 = arith.constant 2 : i32
    %eq3A_134 = vector.broadcast %eq3A_133 : i32 to vector<8x128xi32>
    %eq3A_135 = arith.cmpi eq, %iota3A_107, %eq3A_134 : vector<8x128xi32>
    %and3A_136 = arith.andi %eq3A_132, %eq3A_135 : vector<8x128xi1>
    %jit3A_137 = arith.constant 0.000000e+00 : f32
    %broadcast_in_dim3A_138 = vector.broadcast %reduce_sum3A_86 : f32 to vector<8x128xf32>
    %broadcast_in_dim3A_139 = vector.broadcast %jit3A_137 : f32 to vector<8x128xf32>
    %select_n3A_140 = arith.select %and3A_136, %broadcast_in_dim3A_138, %broadcast_in_dim3A_139 : vector<8x128xi1>, vector<8x128xf32>
    %add3A_141 = arith.addf %add3A_129, %select_n3A_140 : vector<8x128xf32>
    %eq3A_142 = arith.constant 0 : i32
    %eq3A_143 = vector.broadcast %eq3A_142 : i32 to vector<8x128xi32>
    %eq3A_144 = arith.cmpi eq, %iota3A, %eq3A_143 : vector<8x128xi32>
    %eq3A_145 = arith.constant 3 : i32
    %eq3A_146 = vector.broadcast %eq3A_145 : i32 to vector<8x128xi32>
    %eq3A_147 = arith.cmpi eq, %iota3A_107, %eq3A_146 : vector<8x128xi32>
    %and3A_148 = arith.andi %eq3A_144, %eq3A_147 : vector<8x128xi1>
    %jit3A_149 = arith.constant 0.000000e+00 : f32
    %broadcast_in_dim3A_150 = vector.broadcast %reduce_sum3A_101 : f32 to vector<8x128xf32>
    %broadcast_in_dim3A_151 = vector.broadcast %jit3A_149 : f32 to vector<8x128xf32>
    %select_n3A_152 = arith.select %and3A_148, %broadcast_in_dim3A_150, %broadcast_in_dim3A_151 : vector<8x128xi1>, vector<8x128xf32>
    %add3A_153 = arith.addf %add3A_141, %select_n3A_152 : vector<8x128xf32>
    %eq3A_154 = arith.constant 0 : i32
    %eq3A_155 = vector.broadcast %eq3A_154 : i32 to vector<8x128xi32>
    %eq3A_156 = arith.cmpi eq, %iota3A, %eq3A_155 : vector<8x128xi32>
    %eq3A_157 = arith.constant 4 : i32
    %eq3A_158 = vector.broadcast %eq3A_157 : i32 to vector<8x128xi32>
    %eq3A_159 = arith.cmpi eq, %iota3A_107, %eq3A_158 : vector<8x128xi32>
    %and3A_160 = arith.andi %eq3A_156, %eq3A_159 : vector<8x128xi1>
    %jit3A_161 = arith.constant 0.000000e+00 : f32
    %broadcast_in_dim3A_162 = vector.broadcast %reduce_sum3A_106 : f32 to vector<8x128xf32>
    %broadcast_in_dim3A_163 = vector.broadcast %jit3A_161 : f32 to vector<8x128xf32>
    %select_n3A_164 = arith.select %and3A_160, %broadcast_in_dim3A_162, %broadcast_in_dim3A_163 : vector<8x128xi1>, vector<8x128xf32>
    %add3A_165 = arith.addf %add3A_153, %select_n3A_164 : vector<8x128xf32>
    %swap3A = arith.constant 0 : index
    %swap3A_166 = arith.constant 0 : index
    %swap3A_167 = vector.load %arg5[%swap3A, %swap3A_166] : memref<8x128xf32, #tpu.memory_space<vmem>>, vector<8x128xf32>
    tpu.vector_store %arg5[%swap3A, %swap3A_166], %add3A_165 {strides = array<i32>} : memref<8x128xf32, #tpu.memory_space<vmem>>, vector<8x128xf32>,
    return
  }
}

module attributes {stable_mosaic.version = 14 : i64} {
  func.func @_tc_combine_body(%arg0: memref<8x128xf32, #tpu.memory_space<vmem>>, %arg1: memref<2x4x256xf32, #tpu.memory_space<vmem>>, %arg2: memref<4x256xf32, #tpu.memory_space<vmem>>, %arg3: memref<2x4x2x256xf32, #tpu.memory_space<vmem>>, %arg4: memref<4x2x256xf32, #tpu.memory_space<vmem>>, %arg5: memref<4x2x256xf32, #tpu.memory_space<vmem>>, %arg6: memref<2x4x2x256xf32, #tpu.memory_space<vmem>>, %arg7: memref<4x2x256xf32, #tpu.memory_space<vmem>>, %arg8: memref<4x2x256xf32, #tpu.memory_space<vmem>>, %arg9: memref<2x4x2x256xf32, #tpu.memory_space<vmem>>, %arg10: memref<4x2x256xf32, #tpu.memory_space<vmem>>, %arg11: memref<4x2x256xf32, #tpu.memory_space<vmem>>, %arg12: memref<2x4x4x256xf32, #tpu.memory_space<vmem>>, %arg13: memref<4x4x256xf32, #tpu.memory_space<vmem>>, %arg14: memref<4x256xf32, #tpu.memory_space<vmem>>, %arg15: memref<14xf32, #tpu.memory_space<vmem>>) attributes {dimension_semantics = [], scalar_prefetch = 0 : i64, scratch_operands = 0 : i64, tpu.core_type = #tpu.core_type<tc>} {
    %iota3A = tpu.iota {dimensions = array<i32: 1>} : vector<1x128xi32>
    %get3A = arith.constant 0 : index
    %get3A_0 = arith.constant 0 : index
    %get3A_1 = vector.load %arg0[%get3A, %get3A_0] : memref<8x128xf32, #tpu.memory_space<vmem>>, vector<1x128xf32>
    %get3A_2 = arith.constant 0 : index
    %get3A_3 = arith.constant 0 : index
    %get3A_4 = vector.load %arg2[%get3A_2, %get3A_3] : memref<4x256xf32, #tpu.memory_space<vmem>>, vector<4x256xf32>
    %reduce_sum3A = vector.shape_cast %get3A_4 : vector<4x256xf32> to vector<1x4x256xf32>
    %reduce_sum3A_5 = arith.constant dense<0.000000e+00> : vector<1xf32>
    %reduce_sum3A_6 = vector.multi_reduction <add>, %reduce_sum3A, %reduce_sum3A_5 [1, 2] : vector<1x4x256xf32> to vector<1xf32>
    %reduce_sum3A_7 = vector.shape_cast %reduce_sum3A_6 : vector<1xf32> to vector<1x1x1xf32>
    %reduce_sum3A_8 = vector.extract %reduce_sum3A_7[0, 0, 0] : f32 from vector<1x1x1xf32>
    %max3A = arith.constant 1.000000e+00 : f32
    %max3A_9 = arith.maximumf %reduce_sum3A_8, %max3A : f32
    %eq3A = arith.constant 4 : i32
    %eq3A_10 = vector.broadcast %eq3A : i32 to vector<1x128xi32>
    %eq3A_11 = arith.cmpi eq, %iota3A, %eq3A_10 : vector<1x128xi32>
    %jit3A = arith.constant 0.000000e+00 : f32
    %broadcast_in_dim3A = vector.broadcast %jit3A : f32 to vector<1x128xf32>
    %select_n3A = arith.select %eq3A_11, %get3A_1, %broadcast_in_dim3A : vector<1x128xi1>, vector<1x128xf32>
    %reduce_sum3A_12 = vector.shape_cast %select_n3A : vector<1x128xf32> to vector<1x1x128xf32>
    %reduce_sum3A_13 = arith.constant dense<0.000000e+00> : vector<1xf32>
    %reduce_sum3A_14 = vector.multi_reduction <add>, %reduce_sum3A_12, %reduce_sum3A_13 [1, 2] : vector<1x1x128xf32> to vector<1xf32>
    %reduce_sum3A_15 = vector.shape_cast %reduce_sum3A_14 : vector<1xf32> to vector<1x1x1xf32>
    %reduce_sum3A_16 = vector.extract %reduce_sum3A_15[0, 0, 0] : f32 from vector<1x1x1xf32>
    %add3A = arith.constant 9.99999974E-5 : f32
    %add3A_17 = arith.addf %reduce_sum3A_16, %add3A : f32
    %get3A_18 = arith.constant 0 : index
    %get3A_19 = arith.constant 0 : index
    %get3A_20 = vector.load %arg14[%get3A_18, %get3A_19] : memref<4x256xf32, #tpu.memory_space<vmem>>, vector<4x256xf32>
    %reduce_sum3A_21 = vector.shape_cast %get3A_20 : vector<4x256xf32> to vector<1x4x256xf32>
    %reduce_sum3A_22 = arith.constant dense<0.000000e+00> : vector<1xf32>
    %reduce_sum3A_23 = vector.multi_reduction <add>, %reduce_sum3A_21, %reduce_sum3A_22 [1, 2] : vector<1x4x256xf32> to vector<1xf32>
    %reduce_sum3A_24 = vector.shape_cast %reduce_sum3A_23 : vector<1xf32> to vector<1x1x1xf32>
    %reduce_sum3A_25 = vector.extract %reduce_sum3A_24[0, 0, 0] : f32 from vector<1x1x1xf32>
    %add3A_26 = arith.constant 9.99999974E-5 : f32
    %add3A_27 = arith.addf %reduce_sum3A_25, %add3A_26 : f32
    %get3A_28 = arith.constant 0 : index
    %get3A_29 = arith.constant 0 : index
    %get3A_30 = arith.constant 0 : index
    %get3A_31 = vector.load %arg13[%get3A_28, %get3A_29, %get3A_30] : memref<4x4x256xf32, #tpu.memory_space<vmem>>, vector<4x1x256xf32>
    %get3A_32 = vector.shape_cast %get3A_31 : vector<4x1x256xf32> to vector<4x256xf32>
    %get3A_33 = arith.constant 0 : index
    %get3A_34 = arith.constant 1 : index
    %get3A_35 = arith.constant 0 : index
    %get3A_36 = vector.load %arg13[%get3A_33, %get3A_34, %get3A_35] : memref<4x4x256xf32, #tpu.memory_space<vmem>>, vector<4x1x256xf32>
    %get3A_37 = vector.shape_cast %get3A_36 : vector<4x1x256xf32> to vector<4x256xf32>
    %get3A_38 = arith.constant 0 : index
    %get3A_39 = arith.constant 2 : index
    %get3A_40 = arith.constant 0 : index
    %get3A_41 = vector.load %arg13[%get3A_38, %get3A_39, %get3A_40] : memref<4x4x256xf32, #tpu.memory_space<vmem>>, vector<4x1x256xf32>
    %get3A_42 = vector.shape_cast %get3A_41 : vector<4x1x256xf32> to vector<4x256xf32>
    %get3A_43 = arith.constant 0 : index
    %get3A_44 = arith.constant 3 : index
    %get3A_45 = arith.constant 0 : index
    %get3A_46 = vector.load %arg13[%get3A_43, %get3A_44, %get3A_45] : memref<4x4x256xf32, #tpu.memory_space<vmem>>, vector<4x1x256xf32>
    %get3A_47 = vector.shape_cast %get3A_46 : vector<4x1x256xf32> to vector<4x256xf32>
    %mul3A = arith.constant 5.000000e-01 : f32
    %mul3A_48 = vector.broadcast %mul3A : f32 to vector<4x256xf32>
    %mul3A_49 = arith.mulf %mul3A_48, %get3A_42 : vector<4x256xf32>
    %sub3A = arith.subf %get3A_32, %mul3A_49 : vector<4x256xf32>
    %mul3A_50 = arith.constant 5.000000e-01 : f32
    %mul3A_51 = vector.broadcast %mul3A_50 : f32 to vector<4x256xf32>
    %mul3A_52 = arith.mulf %mul3A_51, %get3A_47 : vector<4x256xf32>
    %sub3A_53 = arith.subf %get3A_37, %mul3A_52 : vector<4x256xf32>
    %mul3A_54 = arith.constant 5.000000e-01 : f32
    %mul3A_55 = vector.broadcast %mul3A_54 : f32 to vector<4x256xf32>
    %mul3A_56 = arith.mulf %mul3A_55, %get3A_42 : vector<4x256xf32>
    %add3A_57 = arith.addf %get3A_32, %mul3A_56 : vector<4x256xf32>
    %mul3A_58 = arith.constant 5.000000e-01 : f32
    %mul3A_59 = vector.broadcast %mul3A_58 : f32 to vector<4x256xf32>
    %mul3A_60 = arith.mulf %mul3A_59, %get3A_47 : vector<4x256xf32>
    %add3A_61 = arith.addf %get3A_37, %mul3A_60 : vector<4x256xf32>
    %sub3A_62 = arith.subf %add3A_57, %sub3A : vector<4x256xf32>
    %sub3A_63 = arith.subf %add3A_61, %sub3A_53 : vector<4x256xf32>
    %mul3A_64 = arith.mulf %sub3A_62, %sub3A_63 : vector<4x256xf32>
    %eq3A_65 = arith.constant 0 : i32
    %eq3A_66 = vector.broadcast %eq3A_65 : i32 to vector<1x128xi32>
    %eq3A_67 = arith.cmpi eq, %iota3A, %eq3A_66 : vector<1x128xi32>
    %jit3A_68 = arith.constant 0.000000e+00 : f32
    %broadcast_in_dim3A_69 = vector.broadcast %jit3A_68 : f32 to vector<1x128xf32>
    %select_n3A_70 = arith.select %eq3A_67, %get3A_1, %broadcast_in_dim3A_69 : vector<1x128xi1>, vector<1x128xf32>
    %reduce_sum3A_71 = vector.shape_cast %select_n3A_70 : vector<1x128xf32> to vector<1x1x128xf32>
    %reduce_sum3A_72 = arith.constant dense<0.000000e+00> : vector<1xf32>
    %reduce_sum3A_73 = vector.multi_reduction <add>, %reduce_sum3A_71, %reduce_sum3A_72 [1, 2] : vector<1x1x128xf32> to vector<1xf32>
    %reduce_sum3A_74 = vector.shape_cast %reduce_sum3A_73 : vector<1xf32> to vector<1x1x1xf32>
    %reduce_sum3A_75 = vector.extract %reduce_sum3A_74[0, 0, 0] : f32 from vector<1x1x1xf32>
    %get3A_76 = arith.constant 0 : index
    %get3A_77 = arith.constant 0 : index
    %get3A_78 = arith.constant 0 : index
    %get3A_79 = vector.load %arg1[%get3A_76, %get3A_77, %get3A_78] : memref<2x4x256xf32, #tpu.memory_space<vmem>>, vector<1x4x256xf32>
    %get3A_80 = vector.shape_cast %get3A_79 : vector<1x4x256xf32> to vector<4x256xf32>
    %neg3A = arith.constant 0.000000e+00 : f32
    %neg3A_81 = vector.broadcast %neg3A : f32 to vector<4x256xf32>
    %neg3A_82 = arith.subf %neg3A_81, %get3A_80 : vector<4x256xf32>
    %exp3A = math.exp %neg3A_82 : vector<4x256xf32>
    %add3A_83 = arith.constant 1.000000e+00 : f32
    %add3A_84 = vector.broadcast %add3A_83 : f32 to vector<4x256xf32>
    %add3A_85 = arith.addf %add3A_84, %exp3A : vector<4x256xf32>
    %div3A = arith.constant 1.000000e+00 : f32
    %div3A_86 = vector.broadcast %div3A : f32 to vector<4x256xf32>
    %div3A_87 = arith.divf %div3A_86, %add3A_85 : vector<4x256xf32>
    %jit3A_88 = arith.constant 9.99999974E-5 : f32
    %jit3A_89 = arith.constant 0.999899983 : f32
    %max3A_90 = vector.broadcast %jit3A_88 : f32 to vector<4x256xf32>
    %max3A_91 = arith.maximumf %max3A_90, %div3A_87 : vector<4x256xf32>
    %min3A = vector.broadcast %jit3A_89 : f32 to vector<4x256xf32>
    %min3A_92 = arith.minimumf %min3A, %max3A_91 : vector<4x256xf32>
    %sub3A_93 = arith.constant 1.000000e+00 : f32
    %sub3A_94 = vector.broadcast %sub3A_93 : f32 to vector<4x256xf32>
    %sub3A_95 = arith.subf %sub3A_94, %min3A_92 : vector<4x256xf32>
    %log3A = math.log %min3A_92 : vector<4x256xf32>
    %mul3A_96 = arith.mulf %log3A, %sub3A_95 : vector<4x256xf32>
    %mul3A_97 = arith.mulf %mul3A_96, %sub3A_95 : vector<4x256xf32>
    %get3A_98 = arith.constant 0 : index
    %get3A_99 = arith.constant 0 : index
    %get3A_100 = vector.load %arg2[%get3A_98, %get3A_99] : memref<4x256xf32, #tpu.memory_space<vmem>>, vector<4x256xf32>
    %mul3A_101 = arith.mulf %mul3A_97, %get3A_100 : vector<4x256xf32>
    %reduce_sum3A_102 = vector.shape_cast %mul3A_101 : vector<4x256xf32> to vector<1x4x256xf32>
    %reduce_sum3A_103 = arith.constant dense<0.000000e+00> : vector<1xf32>
    %reduce_sum3A_104 = vector.multi_reduction <add>, %reduce_sum3A_102, %reduce_sum3A_103 [1, 2] : vector<1x4x256xf32> to vector<1xf32>
    %reduce_sum3A_105 = vector.shape_cast %reduce_sum3A_104 : vector<1xf32> to vector<1x1x1xf32>
    %reduce_sum3A_106 = vector.extract %reduce_sum3A_105[0, 0, 0] : f32 from vector<1x1x1xf32>
    %eq3A_107 = arith.constant 0.000000e+00 : f32
    %eq3A_108 = arith.cmpf oeq, %reduce_sum3A_8, %eq3A_107 : f32
    %neg3A_109 = arith.constant 0.000000e+00 : f32
    %neg3A_110 = arith.subf %neg3A_109, %reduce_sum3A_75 : f32
    %add3A_111 = arith.addf %reduce_sum3A_106, %reduce_sum3A_75 : f32
    %neg3A_112 = arith.constant 0.000000e+00 : f32
    %neg3A_113 = arith.subf %neg3A_112, %add3A_111 : f32
    %div3A_114 = arith.divf %neg3A_113, %max3A_9 : f32
    %select_n3A_115 = arith.select %eq3A_108, %neg3A_110, %div3A_114 : f32
    %eq3A_116 = arith.constant 2 : i32
    %eq3A_117 = vector.broadcast %eq3A_116 : i32 to vector<1x128xi32>
    %eq3A_118 = arith.cmpi eq, %iota3A, %eq3A_117 : vector<1x128xi32>
    %jit3A_119 = arith.constant 0.000000e+00 : f32
    %broadcast_in_dim3A_120 = vector.broadcast %jit3A_119 : f32 to vector<1x128xf32>
    %select_n3A_121 = arith.select %eq3A_118, %get3A_1, %broadcast_in_dim3A_120 : vector<1x128xi1>, vector<1x128xf32>
    %reduce_sum3A_122 = vector.shape_cast %select_n3A_121 : vector<1x128xf32> to vector<1x1x128xf32>
    %reduce_sum3A_123 = arith.constant dense<0.000000e+00> : vector<1xf32>
    %reduce_sum3A_124 = vector.multi_reduction <add>, %reduce_sum3A_122, %reduce_sum3A_123 [1, 2] : vector<1x1x128xf32> to vector<1xf32>
    %reduce_sum3A_125 = vector.shape_cast %reduce_sum3A_124 : vector<1xf32> to vector<1x1x1xf32>
    %reduce_sum3A_126 = vector.extract %reduce_sum3A_125[0, 0, 0] : f32 from vector<1x1x1xf32>
    %div3A_127 = arith.divf %reduce_sum3A_126, %add3A_17 : f32
    %get3A_128 = arith.constant 0 : index
    %get3A_129 = arith.constant 0 : index
    %get3A_130 = arith.constant 0 : index
    %get3A_131 = arith.constant 0 : index
    %get3A_132 = vector.load %arg3[%get3A_128, %get3A_129, %get3A_130, %get3A_131] : memref<2x4x2x256xf32, #tpu.memory_space<vmem>>, vector<1x4x2x256xf32>
    %get3A_133 = vector.shape_cast %get3A_132 : vector<1x4x2x256xf32> to vector<4x2x256xf32>
    %get3A_134 = arith.constant 0 : index
    %get3A_135 = arith.constant 0 : index
    %get3A_136 = arith.constant 0 : index
    %get3A_137 = vector.load %arg4[%get3A_134, %get3A_135, %get3A_136] : memref<4x2x256xf32, #tpu.memory_space<vmem>>, vector<4x2x256xf32>
    %get3A_138 = arith.constant 0 : index
    %get3A_139 = arith.constant 0 : index
    %get3A_140 = arith.constant 0 : index
    %get3A_141 = vector.load %arg5[%get3A_138, %get3A_139, %get3A_140] : memref<4x2x256xf32, #tpu.memory_space<vmem>>, vector<4x2x256xf32>
    %mul3A_142 = arith.mulf %get3A_133, %get3A_141 : vector<4x2x256xf32>
    %mul3A_143 = arith.mulf %get3A_137, %get3A_141 : vector<4x2x256xf32>
    %sub3A_144 = arith.subf %mul3A_142, %mul3A_143 : vector<4x2x256xf32>
    %abs3A = math.absf %sub3A_144 : vector<4x2x256xf32>
    %reduce_sum3A_145 = vector.shape_cast %abs3A : vector<4x2x256xf32> to vector<1x4x2x256xf32>
    %reduce_sum3A_146 = arith.constant dense<0.000000e+00> : vector<1xf32>
    %reduce_sum3A_147 = vector.multi_reduction <add>, %reduce_sum3A_145, %reduce_sum3A_146 [1, 2, 3] : vector<1x4x2x256xf32> to vector<1xf32>
    %reduce_sum3A_148 = vector.shape_cast %reduce_sum3A_147 : vector<1xf32> to vector<1x1x1x1xf32>
    %reduce_sum3A_149 = vector.extract %reduce_sum3A_148[0, 0, 0, 0] : f32 from vector<1x1x1x1xf32>
    %reduce_sum3A_150 = vector.shape_cast %get3A_141 : vector<4x2x256xf32> to vector<1x4x2x256xf32>
    %reduce_sum3A_151 = arith.constant dense<0.000000e+00> : vector<1xf32>
    %reduce_sum3A_152 = vector.multi_reduction <add>, %reduce_sum3A_150, %reduce_sum3A_151 [1, 2, 3] : vector<1x4x2x256xf32> to vector<1xf32>
    %reduce_sum3A_153 = vector.shape_cast %reduce_sum3A_152 : vector<1xf32> to vector<1x1x1x1xf32>
    %reduce_sum3A_154 = vector.extract %reduce_sum3A_153[0, 0, 0, 0] : f32 from vector<1x1x1x1xf32>
    %add3A_155 = arith.constant 9.99999974E-5 : f32
    %add3A_156 = arith.addf %reduce_sum3A_154, %add3A_155 : f32
    %div3A_157 = arith.divf %reduce_sum3A_149, %add3A_156 : f32
    %get3A_158 = arith.constant 0 : index
    %get3A_159 = arith.constant 0 : index
    %get3A_160 = arith.constant 0 : index
    %get3A_161 = arith.constant 0 : index
    %get3A_162 = vector.load %arg6[%get3A_158, %get3A_159, %get3A_160, %get3A_161] : memref<2x4x2x256xf32, #tpu.memory_space<vmem>>, vector<1x4x2x256xf32>
    %get3A_163 = vector.shape_cast %get3A_162 : vector<1x4x2x256xf32> to vector<4x2x256xf32>
    %get3A_164 = arith.constant 0 : index
    %get3A_165 = arith.constant 0 : index
    %get3A_166 = arith.constant 0 : index
    %get3A_167 = vector.load %arg7[%get3A_164, %get3A_165, %get3A_166] : memref<4x2x256xf32, #tpu.memory_space<vmem>>, vector<4x2x256xf32>
    %get3A_168 = arith.constant 0 : index
    %get3A_169 = arith.constant 0 : index
    %get3A_170 = arith.constant 0 : index
    %get3A_171 = vector.load %arg8[%get3A_168, %get3A_169, %get3A_170] : memref<4x2x256xf32, #tpu.memory_space<vmem>>, vector<4x2x256xf32>
    %mul3A_172 = arith.mulf %get3A_163, %get3A_171 : vector<4x2x256xf32>
    %mul3A_173 = arith.mulf %get3A_167, %get3A_171 : vector<4x2x256xf32>
    %sub3A_174 = arith.subf %mul3A_172, %mul3A_173 : vector<4x2x256xf32>
    %abs3A_175 = math.absf %sub3A_174 : vector<4x2x256xf32>
    %reduce_sum3A_176 = vector.shape_cast %abs3A_175 : vector<4x2x256xf32> to vector<1x4x2x256xf32>
    %reduce_sum3A_177 = arith.constant dense<0.000000e+00> : vector<1xf32>
    %reduce_sum3A_178 = vector.multi_reduction <add>, %reduce_sum3A_176, %reduce_sum3A_177 [1, 2, 3] : vector<1x4x2x256xf32> to vector<1xf32>
    %reduce_sum3A_179 = vector.shape_cast %reduce_sum3A_178 : vector<1xf32> to vector<1x1x1x1xf32>
    %reduce_sum3A_180 = vector.extract %reduce_sum3A_179[0, 0, 0, 0] : f32 from vector<1x1x1x1xf32>
    %reduce_sum3A_181 = vector.shape_cast %get3A_171 : vector<4x2x256xf32> to vector<1x4x2x256xf32>
    %reduce_sum3A_182 = arith.constant dense<0.000000e+00> : vector<1xf32>
    %reduce_sum3A_183 = vector.multi_reduction <add>, %reduce_sum3A_181, %reduce_sum3A_182 [1, 2, 3] : vector<1x4x2x256xf32> to vector<1xf32>
    %reduce_sum3A_184 = vector.shape_cast %reduce_sum3A_183 : vector<1xf32> to vector<1x1x1x1xf32>
    %reduce_sum3A_185 = vector.extract %reduce_sum3A_184[0, 0, 0, 0] : f32 from vector<1x1x1x1xf32>
    %add3A_186 = arith.constant 9.99999974E-5 : f32
    %add3A_187 = arith.addf %reduce_sum3A_185, %add3A_186 : f32
    %div3A_188 = arith.divf %reduce_sum3A_180, %add3A_187 : f32
    %get3A_189 = arith.constant 0 : index
    %get3A_190 = arith.constant 0 : index
    %get3A_191 = arith.constant 0 : index
    %get3A_192 = arith.constant 0 : index
    %get3A_193 = vector.load %arg9[%get3A_189, %get3A_190, %get3A_191, %get3A_192] : memref<2x4x2x256xf32, #tpu.memory_space<vmem>>, vector<1x4x2x256xf32>
    %get3A_194 = vector.shape_cast %get3A_193 : vector<1x4x2x256xf32> to vector<4x2x256xf32>
    %get3A_195 = arith.constant 0 : index
    %get3A_196 = arith.constant 0 : index
    %get3A_197 = arith.constant 0 : index
    %get3A_198 = vector.load %arg10[%get3A_195, %get3A_196, %get3A_197] : memref<4x2x256xf32, #tpu.memory_space<vmem>>, vector<4x2x256xf32>
    %get3A_199 = arith.constant 0 : index
    %get3A_200 = arith.constant 0 : index
    %get3A_201 = arith.constant 0 : index
    %get3A_202 = vector.load %arg11[%get3A_199, %get3A_200, %get3A_201] : memref<4x2x256xf32, #tpu.memory_space<vmem>>, vector<4x2x256xf32>
    %mul3A_203 = arith.mulf %get3A_194, %get3A_202 : vector<4x2x256xf32>
    %mul3A_204 = arith.mulf %get3A_198, %get3A_202 : vector<4x2x256xf32>
    %sub3A_205 = arith.subf %mul3A_203, %mul3A_204 : vector<4x2x256xf32>
    %abs3A_206 = math.absf %sub3A_205 : vector<4x2x256xf32>
    %reduce_sum3A_207 = vector.shape_cast %abs3A_206 : vector<4x2x256xf32> to vector<1x4x2x256xf32>
    %reduce_sum3A_208 = arith.constant dense<0.000000e+00> : vector<1xf32>
    %reduce_sum3A_209 = vector.multi_reduction <add>, %reduce_sum3A_207, %reduce_sum3A_208 [1, 2, 3] : vector<1x4x2x256xf32> to vector<1xf32>
    %reduce_sum3A_210 = vector.shape_cast %reduce_sum3A_209 : vector<1xf32> to vector<1x1x1x1xf32>
    %reduce_sum3A_211 = vector.extract %reduce_sum3A_210[0, 0, 0, 0] : f32 from vector<1x1x1x1xf32>
    %reduce_sum3A_212 = vector.shape_cast %get3A_202 : vector<4x2x256xf32> to vector<1x4x2x256xf32>
    %reduce_sum3A_213 = arith.constant dense<0.000000e+00> : vector<1xf32>
    %reduce_sum3A_214 = vector.multi_reduction <add>, %reduce_sum3A_212, %reduce_sum3A_213 [1, 2, 3] : vector<1x4x2x256xf32> to vector<1xf32>
    %reduce_sum3A_215 = vector.shape_cast %reduce_sum3A_214 : vector<1xf32> to vector<1x1x1x1xf32>
    %reduce_sum3A_216 = vector.extract %reduce_sum3A_215[0, 0, 0, 0] : f32 from vector<1x1x1x1xf32>
    %add3A_217 = arith.constant 9.99999974E-5 : f32
    %add3A_218 = arith.addf %reduce_sum3A_216, %add3A_217 : f32
    %div3A_219 = arith.divf %reduce_sum3A_211, %add3A_218 : f32
    %get3A_220 = arith.constant 0 : index
    %get3A_221 = arith.constant 0 : index
    %get3A_222 = arith.constant 0 : index
    %get3A_223 = arith.constant 0 : index
    %get3A_224 = vector.load %arg12[%get3A_220, %get3A_221, %get3A_222, %get3A_223] : memref<2x4x4x256xf32, #tpu.memory_space<vmem>>, vector<1x4x1x256xf32>
    %get3A_225 = vector.shape_cast %get3A_224 : vector<1x4x1x256xf32> to vector<4x256xf32>
    %get3A_226 = arith.constant 0 : index
    %get3A_227 = arith.constant 0 : index
    %get3A_228 = arith.constant 1 : index
    %get3A_229 = arith.constant 0 : index
    %get3A_230 = vector.load %arg12[%get3A_226, %get3A_227, %get3A_228, %get3A_229] : memref<2x4x4x256xf32, #tpu.memory_space<vmem>>, vector<1x4x1x256xf32>
    %get3A_231 = vector.shape_cast %get3A_230 : vector<1x4x1x256xf32> to vector<4x256xf32>
    %get3A_232 = arith.constant 0 : index
    %get3A_233 = arith.constant 0 : index
    %get3A_234 = arith.constant 2 : index
    %get3A_235 = arith.constant 0 : index
    %get3A_236 = vector.load %arg12[%get3A_232, %get3A_233, %get3A_234, %get3A_235] : memref<2x4x4x256xf32, #tpu.memory_space<vmem>>, vector<1x4x1x256xf32>
    %get3A_237 = vector.shape_cast %get3A_236 : vector<1x4x1x256xf32> to vector<4x256xf32>
    %get3A_238 = arith.constant 0 : index
    %get3A_239 = arith.constant 0 : index
    %get3A_240 = arith.constant 3 : index
    %get3A_241 = arith.constant 0 : index
    %get3A_242 = vector.load %arg12[%get3A_238, %get3A_239, %get3A_240, %get3A_241] : memref<2x4x4x256xf32, #tpu.memory_space<vmem>>, vector<1x4x1x256xf32>
    %get3A_243 = vector.shape_cast %get3A_242 : vector<1x4x1x256xf32> to vector<4x256xf32>
    %sub3A_244 = arith.subf %get3A_225, %get3A_32 : vector<4x256xf32>
    %abs3A_245 = math.absf %sub3A_244 : vector<4x256xf32>
    %mul3A_246 = arith.mulf %abs3A_245, %get3A_20 : vector<4x256xf32>
    %reduce_sum3A_247 = vector.shape_cast %mul3A_246 : vector<4x256xf32> to vector<1x4x256xf32>
    %reduce_sum3A_248 = arith.constant dense<0.000000e+00> : vector<1xf32>
    %reduce_sum3A_249 = vector.multi_reduction <add>, %reduce_sum3A_247, %reduce_sum3A_248 [1, 2] : vector<1x4x256xf32> to vector<1xf32>
    %reduce_sum3A_250 = vector.shape_cast %reduce_sum3A_249 : vector<1xf32> to vector<1x1x1xf32>
    %reduce_sum3A_251 = vector.extract %reduce_sum3A_250[0, 0, 0] : f32 from vector<1x1x1xf32>
    %add3A_252 = arith.constant 0.000000e+00 : f32
    %add3A_253 = arith.addf %add3A_252, %reduce_sum3A_251 : f32
    %sub3A_254 = arith.subf %get3A_231, %get3A_37 : vector<4x256xf32>
    %abs3A_255 = math.absf %sub3A_254 : vector<4x256xf32>
    %mul3A_256 = arith.mulf %abs3A_255, %get3A_20 : vector<4x256xf32>
    %reduce_sum3A_257 = vector.shape_cast %mul3A_256 : vector<4x256xf32> to vector<1x4x256xf32>
    %reduce_sum3A_258 = arith.constant dense<0.000000e+00> : vector<1xf32>
    %reduce_sum3A_259 = vector.multi_reduction <add>, %reduce_sum3A_257, %reduce_sum3A_258 [1, 2] : vector<1x4x256xf32> to vector<1xf32>
    %reduce_sum3A_260 = vector.shape_cast %reduce_sum3A_259 : vector<1xf32> to vector<1x1x1xf32>
    %reduce_sum3A_261 = vector.extract %reduce_sum3A_260[0, 0, 0] : f32 from vector<1x1x1xf32>
    %add3A_262 = arith.addf %add3A_253, %reduce_sum3A_261 : f32
    %sub3A_263 = arith.subf %get3A_237, %get3A_42 : vector<4x256xf32>
    %abs3A_264 = math.absf %sub3A_263 : vector<4x256xf32>
    %mul3A_265 = arith.mulf %abs3A_264, %get3A_20 : vector<4x256xf32>
    %reduce_sum3A_266 = vector.shape_cast %mul3A_265 : vector<4x256xf32> to vector<1x4x256xf32>
    %reduce_sum3A_267 = arith.constant dense<0.000000e+00> : vector<1xf32>
    %reduce_sum3A_268 = vector.multi_reduction <add>, %reduce_sum3A_266, %reduce_sum3A_267 [1, 2] : vector<1x4x256xf32> to vector<1xf32>
    %reduce_sum3A_269 = vector.shape_cast %reduce_sum3A_268 : vector<1xf32> to vector<1x1x1xf32>
    %reduce_sum3A_270 = vector.extract %reduce_sum3A_269[0, 0, 0] : f32 from vector<1x1x1xf32>
    %add3A_271 = arith.addf %add3A_262, %reduce_sum3A_270 : f32
    %sub3A_272 = arith.subf %get3A_243, %get3A_47 : vector<4x256xf32>
    %abs3A_273 = math.absf %sub3A_272 : vector<4x256xf32>
    %mul3A_274 = arith.mulf %abs3A_273, %get3A_20 : vector<4x256xf32>
    %reduce_sum3A_275 = vector.shape_cast %mul3A_274 : vector<4x256xf32> to vector<1x4x256xf32>
    %reduce_sum3A_276 = arith.constant dense<0.000000e+00> : vector<1xf32>
    %reduce_sum3A_277 = vector.multi_reduction <add>, %reduce_sum3A_275, %reduce_sum3A_276 [1, 2] : vector<1x4x256xf32> to vector<1xf32>
    %reduce_sum3A_278 = vector.shape_cast %reduce_sum3A_277 : vector<1xf32> to vector<1x1x1xf32>
    %reduce_sum3A_279 = vector.extract %reduce_sum3A_278[0, 0, 0] : f32 from vector<1x1x1xf32>
    %add3A_280 = arith.addf %add3A_271, %reduce_sum3A_279 : f32
    %div3A_281 = arith.divf %add3A_280, %add3A_27 : f32
    %mul3A_282 = arith.constant 5.000000e-01 : f32
    %mul3A_283 = vector.broadcast %mul3A_282 : f32 to vector<4x256xf32>
    %mul3A_284 = arith.mulf %mul3A_283, %get3A_237 : vector<4x256xf32>
    %sub3A_285 = arith.subf %get3A_225, %mul3A_284 : vector<4x256xf32>
    %mul3A_286 = arith.constant 5.000000e-01 : f32
    %mul3A_287 = vector.broadcast %mul3A_286 : f32 to vector<4x256xf32>
    %mul3A_288 = arith.mulf %mul3A_287, %get3A_243 : vector<4x256xf32>
    %sub3A_289 = arith.subf %get3A_231, %mul3A_288 : vector<4x256xf32>
    %mul3A_290 = arith.constant 5.000000e-01 : f32
    %mul3A_291 = vector.broadcast %mul3A_290 : f32 to vector<4x256xf32>
    %mul3A_292 = arith.mulf %mul3A_291, %get3A_237 : vector<4x256xf32>
    %add3A_293 = arith.addf %get3A_225, %mul3A_292 : vector<4x256xf32>
    %mul3A_294 = arith.constant 5.000000e-01 : f32
    %mul3A_295 = vector.broadcast %mul3A_294 : f32 to vector<4x256xf32>
    %mul3A_296 = arith.mulf %mul3A_295, %get3A_243 : vector<4x256xf32>
    %add3A_297 = arith.addf %get3A_231, %mul3A_296 : vector<4x256xf32>
    %sub3A_298 = arith.subf %add3A_293, %sub3A_285 : vector<4x256xf32>
    %sub3A_299 = arith.subf %add3A_297, %sub3A_289 : vector<4x256xf32>
    %mul3A_300 = arith.mulf %sub3A_298, %sub3A_299 : vector<4x256xf32>
    %min3A_301 = arith.minimumf %add3A_293, %add3A_57 : vector<4x256xf32>
    %max3A_302 = arith.maximumf %sub3A_285, %sub3A : vector<4x256xf32>
    %sub3A_303 = arith.subf %min3A_301, %max3A_302 : vector<4x256xf32>
    %max3A_304 = arith.constant 0.000000e+00 : f32
    %max3A_305 = vector.broadcast %max3A_304 : f32 to vector<4x256xf32>
    %max3A_306 = arith.maximumf %sub3A_303, %max3A_305 : vector<4x256xf32>
    %min3A_307 = arith.minimumf %add3A_297, %add3A_61 : vector<4x256xf32>
    %max3A_308 = arith.maximumf %sub3A_289, %sub3A_53 : vector<4x256xf32>
    %sub3A_309 = arith.subf %min3A_307, %max3A_308 : vector<4x256xf32>
    %max3A_310 = arith.constant 0.000000e+00 : f32
    %max3A_311 = vector.broadcast %max3A_310 : f32 to vector<4x256xf32>
    %max3A_312 = arith.maximumf %sub3A_309, %max3A_311 : vector<4x256xf32>
    %mul3A_313 = arith.mulf %max3A_306, %max3A_312 : vector<4x256xf32>
    %add3A_314 = arith.addf %mul3A_300, %mul3A_64 : vector<4x256xf32>
    %sub3A_315 = arith.subf %add3A_314, %mul3A_313 : vector<4x256xf32>
    %add3A_316 = arith.constant 1.000000e-07 : f32
    %add3A_317 = vector.broadcast %add3A_316 : f32 to vector<4x256xf32>
    %add3A_318 = arith.addf %sub3A_315, %add3A_317 : vector<4x256xf32>
    %div3A_319 = arith.divf %mul3A_313, %add3A_318 : vector<4x256xf32>
    %max3A_320 = arith.maximumf %add3A_293, %add3A_57 : vector<4x256xf32>
    %min3A_321 = arith.minimumf %sub3A_285, %sub3A : vector<4x256xf32>
    %sub3A_322 = arith.subf %max3A_320, %min3A_321 : vector<4x256xf32>
    %max3A_323 = arith.constant 0.000000e+00 : f32
    %max3A_324 = vector.broadcast %max3A_323 : f32 to vector<4x256xf32>
    %max3A_325 = arith.maximumf %sub3A_322, %max3A_324 : vector<4x256xf32>
    %max3A_326 = arith.maximumf %add3A_297, %add3A_61 : vector<4x256xf32>
    %min3A_327 = arith.minimumf %sub3A_289, %sub3A_53 : vector<4x256xf32>
    %sub3A_328 = arith.subf %max3A_326, %min3A_327 : vector<4x256xf32>
    %max3A_329 = arith.constant 0.000000e+00 : f32
    %max3A_330 = vector.broadcast %max3A_329 : f32 to vector<4x256xf32>
    %max3A_331 = arith.maximumf %sub3A_328, %max3A_330 : vector<4x256xf32>
    %mul3A_332 = arith.mulf %max3A_325, %max3A_331 : vector<4x256xf32>
    %sub3A_333 = arith.subf %mul3A_332, %sub3A_315 : vector<4x256xf32>
    %add3A_334 = arith.constant 1.000000e-07 : f32
    %add3A_335 = vector.broadcast %add3A_334 : f32 to vector<4x256xf32>
    %add3A_336 = arith.addf %mul3A_332, %add3A_335 : vector<4x256xf32>
    %div3A_337 = arith.divf %sub3A_333, %add3A_336 : vector<4x256xf32>
    %sub3A_338 = arith.subf %div3A_319, %div3A_337 : vector<4x256xf32>
    %sub3A_339 = arith.constant 1.000000e+00 : f32
    %sub3A_340 = vector.broadcast %sub3A_339 : f32 to vector<4x256xf32>
    %sub3A_341 = arith.subf %sub3A_340, %sub3A_338 : vector<4x256xf32>
    %mul3A_342 = arith.mulf %sub3A_341, %get3A_20 : vector<4x256xf32>
    %reduce_sum3A_343 = vector.shape_cast %mul3A_342 : vector<4x256xf32> to vector<1x4x256xf32>
    %reduce_sum3A_344 = arith.constant dense<0.000000e+00> : vector<1xf32>
    %reduce_sum3A_345 = vector.multi_reduction <add>, %reduce_sum3A_343, %reduce_sum3A_344 [1, 2] : vector<1x4x256xf32> to vector<1xf32>
    %reduce_sum3A_346 = vector.shape_cast %reduce_sum3A_345 : vector<1xf32> to vector<1x1x1xf32>
    %reduce_sum3A_347 = vector.extract %reduce_sum3A_346[0, 0, 0] : f32 from vector<1x1x1xf32>
    %div3A_348 = arith.divf %reduce_sum3A_347, %add3A_27 : f32
    %eq3A_349 = arith.constant 1 : i32
    %eq3A_350 = vector.broadcast %eq3A_349 : i32 to vector<1x128xi32>
    %eq3A_351 = arith.cmpi eq, %iota3A, %eq3A_350 : vector<1x128xi32>
    %jit3A_352 = arith.constant 0.000000e+00 : f32
    %broadcast_in_dim3A_353 = vector.broadcast %jit3A_352 : f32 to vector<1x128xf32>
    %select_n3A_354 = arith.select %eq3A_351, %get3A_1, %broadcast_in_dim3A_353 : vector<1x128xi1>, vector<1x128xf32>
    %reduce_sum3A_355 = vector.shape_cast %select_n3A_354 : vector<1x128xf32> to vector<1x1x128xf32>
    %reduce_sum3A_356 = arith.constant dense<0.000000e+00> : vector<1xf32>
    %reduce_sum3A_357 = vector.multi_reduction <add>, %reduce_sum3A_355, %reduce_sum3A_356 [1, 2] : vector<1x1x128xf32> to vector<1xf32>
    %reduce_sum3A_358 = vector.shape_cast %reduce_sum3A_357 : vector<1xf32> to vector<1x1x1xf32>
    %reduce_sum3A_359 = vector.extract %reduce_sum3A_358[0, 0, 0] : f32 from vector<1x1x1xf32>
    %get3A_360 = arith.constant 1 : index
    %get3A_361 = arith.constant 0 : index
    %get3A_362 = arith.constant 0 : index
    %get3A_363 = vector.load %arg1[%get3A_360, %get3A_361, %get3A_362] : memref<2x4x256xf32, #tpu.memory_space<vmem>>, vector<1x4x256xf32>
    %get3A_364 = vector.shape_cast %get3A_363 : vector<1x4x256xf32> to vector<4x256xf32>
    %neg3A_365 = arith.constant 0.000000e+00 : f32
    %neg3A_366 = vector.broadcast %neg3A_365 : f32 to vector<4x256xf32>
    %neg3A_367 = arith.subf %neg3A_366, %get3A_364 : vector<4x256xf32>
    %exp3A_368 = math.exp %neg3A_367 : vector<4x256xf32>
    %add3A_369 = arith.constant 1.000000e+00 : f32
    %add3A_370 = vector.broadcast %add3A_369 : f32 to vector<4x256xf32>
    %add3A_371 = arith.addf %add3A_370, %exp3A_368 : vector<4x256xf32>
    %div3A_372 = arith.constant 1.000000e+00 : f32
    %div3A_373 = vector.broadcast %div3A_372 : f32 to vector<4x256xf32>
    %div3A_374 = arith.divf %div3A_373, %add3A_371 : vector<4x256xf32>
    %jit3A_375 = arith.constant 9.99999974E-5 : f32
    %jit3A_376 = arith.constant 0.999899983 : f32
    %max3A_377 = vector.broadcast %jit3A_375 : f32 to vector<4x256xf32>
    %max3A_378 = arith.maximumf %max3A_377, %div3A_374 : vector<4x256xf32>
    %min3A_379 = vector.broadcast %jit3A_376 : f32 to vector<4x256xf32>
    %min3A_380 = arith.minimumf %min3A_379, %max3A_378 : vector<4x256xf32>
    %sub3A_381 = arith.constant 1.000000e+00 : f32
    %sub3A_382 = vector.broadcast %sub3A_381 : f32 to vector<4x256xf32>
    %sub3A_383 = arith.subf %sub3A_382, %min3A_380 : vector<4x256xf32>
    %log3A_384 = math.log %min3A_380 : vector<4x256xf32>
    %mul3A_385 = arith.mulf %log3A_384, %sub3A_383 : vector<4x256xf32>
    %mul3A_386 = arith.mulf %mul3A_385, %sub3A_383 : vector<4x256xf32>
    %get3A_387 = arith.constant 0 : index
    %get3A_388 = arith.constant 0 : index
    %get3A_389 = vector.load %arg2[%get3A_387, %get3A_388] : memref<4x256xf32, #tpu.memory_space<vmem>>, vector<4x256xf32>
    %mul3A_390 = arith.mulf %mul3A_386, %get3A_389 : vector<4x256xf32>
    %reduce_sum3A_391 = vector.shape_cast %mul3A_390 : vector<4x256xf32> to vector<1x4x256xf32>
    %reduce_sum3A_392 = arith.constant dense<0.000000e+00> : vector<1xf32>
    %reduce_sum3A_393 = vector.multi_reduction <add>, %reduce_sum3A_391, %reduce_sum3A_392 [1, 2] : vector<1x4x256xf32> to vector<1xf32>
    %reduce_sum3A_394 = vector.shape_cast %reduce_sum3A_393 : vector<1xf32> to vector<1x1x1xf32>
    %reduce_sum3A_395 = vector.extract %reduce_sum3A_394[0, 0, 0] : f32 from vector<1x1x1xf32>
    %eq3A_396 = arith.constant 0.000000e+00 : f32
    %eq3A_397 = arith.cmpf oeq, %reduce_sum3A_8, %eq3A_396 : f32
    %neg3A_398 = arith.constant 0.000000e+00 : f32
    %neg3A_399 = arith.subf %neg3A_398, %reduce_sum3A_359 : f32
    %add3A_400 = arith.addf %reduce_sum3A_395, %reduce_sum3A_359 : f32
    %neg3A_401 = arith.constant 0.000000e+00 : f32
    %neg3A_402 = arith.subf %neg3A_401, %add3A_400 : f32
    %div3A_403 = arith.divf %neg3A_402, %max3A_9 : f32
    %select_n3A_404 = arith.select %eq3A_397, %neg3A_399, %div3A_403 : f32
    %eq3A_405 = arith.constant 3 : i32
    %eq3A_406 = vector.broadcast %eq3A_405 : i32 to vector<1x128xi32>
    %eq3A_407 = arith.cmpi eq, %iota3A, %eq3A_406 : vector<1x128xi32>
    %jit3A_408 = arith.constant 0.000000e+00 : f32
    %broadcast_in_dim3A_409 = vector.broadcast %jit3A_408 : f32 to vector<1x128xf32>
    %select_n3A_410 = arith.select %eq3A_407, %get3A_1, %broadcast_in_dim3A_409 : vector<1x128xi1>, vector<1x128xf32>
    %reduce_sum3A_411 = vector.shape_cast %select_n3A_410 : vector<1x128xf32> to vector<1x1x128xf32>
    %reduce_sum3A_412 = arith.constant dense<0.000000e+00> : vector<1xf32>
    %reduce_sum3A_413 = vector.multi_reduction <add>, %reduce_sum3A_411, %reduce_sum3A_412 [1, 2] : vector<1x1x128xf32> to vector<1xf32>
    %reduce_sum3A_414 = vector.shape_cast %reduce_sum3A_413 : vector<1xf32> to vector<1x1x1xf32>
    %reduce_sum3A_415 = vector.extract %reduce_sum3A_414[0, 0, 0] : f32 from vector<1x1x1xf32>
    %div3A_416 = arith.divf %reduce_sum3A_415, %add3A_17 : f32
    %get3A_417 = arith.constant 1 : index
    %get3A_418 = arith.constant 0 : index
    %get3A_419 = arith.constant 0 : index
    %get3A_420 = arith.constant 0 : index
    %get3A_421 = vector.load %arg3[%get3A_417, %get3A_418, %get3A_419, %get3A_420] : memref<2x4x2x256xf32, #tpu.memory_space<vmem>>, vector<1x4x2x256xf32>
    %get3A_422 = vector.shape_cast %get3A_421 : vector<1x4x2x256xf32> to vector<4x2x256xf32>
    %get3A_423 = arith.constant 0 : index
    %get3A_424 = arith.constant 0 : index
    %get3A_425 = arith.constant 0 : index
    %get3A_426 = vector.load %arg4[%get3A_423, %get3A_424, %get3A_425] : memref<4x2x256xf32, #tpu.memory_space<vmem>>, vector<4x2x256xf32>
    %get3A_427 = arith.constant 0 : index
    %get3A_428 = arith.constant 0 : index
    %get3A_429 = arith.constant 0 : index
    %get3A_430 = vector.load %arg5[%get3A_427, %get3A_428, %get3A_429] : memref<4x2x256xf32, #tpu.memory_space<vmem>>, vector<4x2x256xf32>
    %mul3A_431 = arith.mulf %get3A_422, %get3A_430 : vector<4x2x256xf32>
    %mul3A_432 = arith.mulf %get3A_426, %get3A_430 : vector<4x2x256xf32>
    %sub3A_433 = arith.subf %mul3A_431, %mul3A_432 : vector<4x2x256xf32>
    %abs3A_434 = math.absf %sub3A_433 : vector<4x2x256xf32>
    %reduce_sum3A_435 = vector.shape_cast %abs3A_434 : vector<4x2x256xf32> to vector<1x4x2x256xf32>
    %reduce_sum3A_436 = arith.constant dense<0.000000e+00> : vector<1xf32>
    %reduce_sum3A_437 = vector.multi_reduction <add>, %reduce_sum3A_435, %reduce_sum3A_436 [1, 2, 3] : vector<1x4x2x256xf32> to vector<1xf32>
    %reduce_sum3A_438 = vector.shape_cast %reduce_sum3A_437 : vector<1xf32> to vector<1x1x1x1xf32>
    %reduce_sum3A_439 = vector.extract %reduce_sum3A_438[0, 0, 0, 0] : f32 from vector<1x1x1x1xf32>
    %reduce_sum3A_440 = vector.shape_cast %get3A_430 : vector<4x2x256xf32> to vector<1x4x2x256xf32>
    %reduce_sum3A_441 = arith.constant dense<0.000000e+00> : vector<1xf32>
    %reduce_sum3A_442 = vector.multi_reduction <add>, %reduce_sum3A_440, %reduce_sum3A_441 [1, 2, 3] : vector<1x4x2x256xf32> to vector<1xf32>
    %reduce_sum3A_443 = vector.shape_cast %reduce_sum3A_442 : vector<1xf32> to vector<1x1x1x1xf32>
    %reduce_sum3A_444 = vector.extract %reduce_sum3A_443[0, 0, 0, 0] : f32 from vector<1x1x1x1xf32>
    %add3A_445 = arith.constant 9.99999974E-5 : f32
    %add3A_446 = arith.addf %reduce_sum3A_444, %add3A_445 : f32
    %div3A_447 = arith.divf %reduce_sum3A_439, %add3A_446 : f32
    %get3A_448 = arith.constant 1 : index
    %get3A_449 = arith.constant 0 : index
    %get3A_450 = arith.constant 0 : index
    %get3A_451 = arith.constant 0 : index
    %get3A_452 = vector.load %arg6[%get3A_448, %get3A_449, %get3A_450, %get3A_451] : memref<2x4x2x256xf32, #tpu.memory_space<vmem>>, vector<1x4x2x256xf32>
    %get3A_453 = vector.shape_cast %get3A_452 : vector<1x4x2x256xf32> to vector<4x2x256xf32>
    %get3A_454 = arith.constant 0 : index
    %get3A_455 = arith.constant 0 : index
    %get3A_456 = arith.constant 0 : index
    %get3A_457 = vector.load %arg7[%get3A_454, %get3A_455, %get3A_456] : memref<4x2x256xf32, #tpu.memory_space<vmem>>, vector<4x2x256xf32>
    %get3A_458 = arith.constant 0 : index
    %get3A_459 = arith.constant 0 : index
    %get3A_460 = arith.constant 0 : index
    %get3A_461 = vector.load %arg8[%get3A_458, %get3A_459, %get3A_460] : memref<4x2x256xf32, #tpu.memory_space<vmem>>, vector<4x2x256xf32>
    %mul3A_462 = arith.mulf %get3A_453, %get3A_461 : vector<4x2x256xf32>
    %mul3A_463 = arith.mulf %get3A_457, %get3A_461 : vector<4x2x256xf32>
    %sub3A_464 = arith.subf %mul3A_462, %mul3A_463 : vector<4x2x256xf32>
    %abs3A_465 = math.absf %sub3A_464 : vector<4x2x256xf32>
    %reduce_sum3A_466 = vector.shape_cast %abs3A_465 : vector<4x2x256xf32> to vector<1x4x2x256xf32>
    %reduce_sum3A_467 = arith.constant dense<0.000000e+00> : vector<1xf32>
    %reduce_sum3A_468 = vector.multi_reduction <add>, %reduce_sum3A_466, %reduce_sum3A_467 [1, 2, 3] : vector<1x4x2x256xf32> to vector<1xf32>
    %reduce_sum3A_469 = vector.shape_cast %reduce_sum3A_468 : vector<1xf32> to vector<1x1x1x1xf32>
    %reduce_sum3A_470 = vector.extract %reduce_sum3A_469[0, 0, 0, 0] : f32 from vector<1x1x1x1xf32>
    %reduce_sum3A_471 = vector.shape_cast %get3A_461 : vector<4x2x256xf32> to vector<1x4x2x256xf32>
    %reduce_sum3A_472 = arith.constant dense<0.000000e+00> : vector<1xf32>
    %reduce_sum3A_473 = vector.multi_reduction <add>, %reduce_sum3A_471, %reduce_sum3A_472 [1, 2, 3] : vector<1x4x2x256xf32> to vector<1xf32>
    %reduce_sum3A_474 = vector.shape_cast %reduce_sum3A_473 : vector<1xf32> to vector<1x1x1x1xf32>
    %reduce_sum3A_475 = vector.extract %reduce_sum3A_474[0, 0, 0, 0] : f32 from vector<1x1x1x1xf32>
    %add3A_476 = arith.constant 9.99999974E-5 : f32
    %add3A_477 = arith.addf %reduce_sum3A_475, %add3A_476 : f32
    %div3A_478 = arith.divf %reduce_sum3A_470, %add3A_477 : f32
    %get3A_479 = arith.constant 1 : index
    %get3A_480 = arith.constant 0 : index
    %get3A_481 = arith.constant 0 : index
    %get3A_482 = arith.constant 0 : index
    %get3A_483 = vector.load %arg9[%get3A_479, %get3A_480, %get3A_481, %get3A_482] : memref<2x4x2x256xf32, #tpu.memory_space<vmem>>, vector<1x4x2x256xf32>
    %get3A_484 = vector.shape_cast %get3A_483 : vector<1x4x2x256xf32> to vector<4x2x256xf32>
    %get3A_485 = arith.constant 0 : index
    %get3A_486 = arith.constant 0 : index
    %get3A_487 = arith.constant 0 : index
    %get3A_488 = vector.load %arg10[%get3A_485, %get3A_486, %get3A_487] : memref<4x2x256xf32, #tpu.memory_space<vmem>>, vector<4x2x256xf32>
    %get3A_489 = arith.constant 0 : index
    %get3A_490 = arith.constant 0 : index
    %get3A_491 = arith.constant 0 : index
    %get3A_492 = vector.load %arg11[%get3A_489, %get3A_490, %get3A_491] : memref<4x2x256xf32, #tpu.memory_space<vmem>>, vector<4x2x256xf32>
    %mul3A_493 = arith.mulf %get3A_484, %get3A_492 : vector<4x2x256xf32>
    %mul3A_494 = arith.mulf %get3A_488, %get3A_492 : vector<4x2x256xf32>
    %sub3A_495 = arith.subf %mul3A_493, %mul3A_494 : vector<4x2x256xf32>
    %abs3A_496 = math.absf %sub3A_495 : vector<4x2x256xf32>
    %reduce_sum3A_497 = vector.shape_cast %abs3A_496 : vector<4x2x256xf32> to vector<1x4x2x256xf32>
    %reduce_sum3A_498 = arith.constant dense<0.000000e+00> : vector<1xf32>
    %reduce_sum3A_499 = vector.multi_reduction <add>, %reduce_sum3A_497, %reduce_sum3A_498 [1, 2, 3] : vector<1x4x2x256xf32> to vector<1xf32>
    %reduce_sum3A_500 = vector.shape_cast %reduce_sum3A_499 : vector<1xf32> to vector<1x1x1x1xf32>
    %reduce_sum3A_501 = vector.extract %reduce_sum3A_500[0, 0, 0, 0] : f32 from vector<1x1x1x1xf32>
    %reduce_sum3A_502 = vector.shape_cast %get3A_492 : vector<4x2x256xf32> to vector<1x4x2x256xf32>
    %reduce_sum3A_503 = arith.constant dense<0.000000e+00> : vector<1xf32>
    %reduce_sum3A_504 = vector.multi_reduction <add>, %reduce_sum3A_502, %reduce_sum3A_503 [1, 2, 3] : vector<1x4x2x256xf32> to vector<1xf32>
    %reduce_sum3A_505 = vector.shape_cast %reduce_sum3A_504 : vector<1xf32> to vector<1x1x1x1xf32>
    %reduce_sum3A_506 = vector.extract %reduce_sum3A_505[0, 0, 0, 0] : f32 from vector<1x1x1x1xf32>
    %add3A_507 = arith.constant 9.99999974E-5 : f32
    %add3A_508 = arith.addf %reduce_sum3A_506, %add3A_507 : f32
    %div3A_509 = arith.divf %reduce_sum3A_501, %add3A_508 : f32
    %get3A_510 = arith.constant 1 : index
    %get3A_511 = arith.constant 0 : index
    %get3A_512 = arith.constant 0 : index
    %get3A_513 = arith.constant 0 : index
    %get3A_514 = vector.load %arg12[%get3A_510, %get3A_511, %get3A_512, %get3A_513] : memref<2x4x4x256xf32, #tpu.memory_space<vmem>>, vector<1x4x1x256xf32>
    %get3A_515 = vector.shape_cast %get3A_514 : vector<1x4x1x256xf32> to vector<4x256xf32>
    %get3A_516 = arith.constant 1 : index
    %get3A_517 = arith.constant 0 : index
    %get3A_518 = arith.constant 1 : index
    %get3A_519 = arith.constant 0 : index
    %get3A_520 = vector.load %arg12[%get3A_516, %get3A_517, %get3A_518, %get3A_519] : memref<2x4x4x256xf32, #tpu.memory_space<vmem>>, vector<1x4x1x256xf32>
    %get3A_521 = vector.shape_cast %get3A_520 : vector<1x4x1x256xf32> to vector<4x256xf32>
    %get3A_522 = arith.constant 1 : index
    %get3A_523 = arith.constant 0 : index
    %get3A_524 = arith.constant 2 : index
    %get3A_525 = arith.constant 0 : index
    %get3A_526 = vector.load %arg12[%get3A_522, %get3A_523, %get3A_524, %get3A_525] : memref<2x4x4x256xf32, #tpu.memory_space<vmem>>, vector<1x4x1x256xf32>
    %get3A_527 = vector.shape_cast %get3A_526 : vector<1x4x1x256xf32> to vector<4x256xf32>
    %get3A_528 = arith.constant 1 : index
    %get3A_529 = arith.constant 0 : index
    %get3A_530 = arith.constant 3 : index
    %get3A_531 = arith.constant 0 : index
    %get3A_532 = vector.load %arg12[%get3A_528, %get3A_529, %get3A_530, %get3A_531] : memref<2x4x4x256xf32, #tpu.memory_space<vmem>>, vector<1x4x1x256xf32>
    %get3A_533 = vector.shape_cast %get3A_532 : vector<1x4x1x256xf32> to vector<4x256xf32>
    %sub3A_534 = arith.subf %get3A_515, %get3A_32 : vector<4x256xf32>
    %abs3A_535 = math.absf %sub3A_534 : vector<4x256xf32>
    %mul3A_536 = arith.mulf %abs3A_535, %get3A_20 : vector<4x256xf32>
    %reduce_sum3A_537 = vector.shape_cast %mul3A_536 : vector<4x256xf32> to vector<1x4x256xf32>
    %reduce_sum3A_538 = arith.constant dense<0.000000e+00> : vector<1xf32>
    %reduce_sum3A_539 = vector.multi_reduction <add>, %reduce_sum3A_537, %reduce_sum3A_538 [1, 2] : vector<1x4x256xf32> to vector<1xf32>
    %reduce_sum3A_540 = vector.shape_cast %reduce_sum3A_539 : vector<1xf32> to vector<1x1x1xf32>
    %reduce_sum3A_541 = vector.extract %reduce_sum3A_540[0, 0, 0] : f32 from vector<1x1x1xf32>
    %add3A_542 = arith.constant 0.000000e+00 : f32
    %add3A_543 = arith.addf %add3A_542, %reduce_sum3A_541 : f32
    %sub3A_544 = arith.subf %get3A_521, %get3A_37 : vector<4x256xf32>
    %abs3A_545 = math.absf %sub3A_544 : vector<4x256xf32>
    %mul3A_546 = arith.mulf %abs3A_545, %get3A_20 : vector<4x256xf32>
    %reduce_sum3A_547 = vector.shape_cast %mul3A_546 : vector<4x256xf32> to vector<1x4x256xf32>
    %reduce_sum3A_548 = arith.constant dense<0.000000e+00> : vector<1xf32>
    %reduce_sum3A_549 = vector.multi_reduction <add>, %reduce_sum3A_547, %reduce_sum3A_548 [1, 2] : vector<1x4x256xf32> to vector<1xf32>
    %reduce_sum3A_550 = vector.shape_cast %reduce_sum3A_549 : vector<1xf32> to vector<1x1x1xf32>
    %reduce_sum3A_551 = vector.extract %reduce_sum3A_550[0, 0, 0] : f32 from vector<1x1x1xf32>
    %add3A_552 = arith.addf %add3A_543, %reduce_sum3A_551 : f32
    %sub3A_553 = arith.subf %get3A_527, %get3A_42 : vector<4x256xf32>
    %abs3A_554 = math.absf %sub3A_553 : vector<4x256xf32>
    %mul3A_555 = arith.mulf %abs3A_554, %get3A_20 : vector<4x256xf32>
    %reduce_sum3A_556 = vector.shape_cast %mul3A_555 : vector<4x256xf32> to vector<1x4x256xf32>
    %reduce_sum3A_557 = arith.constant dense<0.000000e+00> : vector<1xf32>
    %reduce_sum3A_558 = vector.multi_reduction <add>, %reduce_sum3A_556, %reduce_sum3A_557 [1, 2] : vector<1x4x256xf32> to vector<1xf32>
    %reduce_sum3A_559 = vector.shape_cast %reduce_sum3A_558 : vector<1xf32> to vector<1x1x1xf32>
    %reduce_sum3A_560 = vector.extract %reduce_sum3A_559[0, 0, 0] : f32 from vector<1x1x1xf32>
    %add3A_561 = arith.addf %add3A_552, %reduce_sum3A_560 : f32
    %sub3A_562 = arith.subf %get3A_533, %get3A_47 : vector<4x256xf32>
    %abs3A_563 = math.absf %sub3A_562 : vector<4x256xf32>
    %mul3A_564 = arith.mulf %abs3A_563, %get3A_20 : vector<4x256xf32>
    %reduce_sum3A_565 = vector.shape_cast %mul3A_564 : vector<4x256xf32> to vector<1x4x256xf32>
    %reduce_sum3A_566 = arith.constant dense<0.000000e+00> : vector<1xf32>
    %reduce_sum3A_567 = vector.multi_reduction <add>, %reduce_sum3A_565, %reduce_sum3A_566 [1, 2] : vector<1x4x256xf32> to vector<1xf32>
    %reduce_sum3A_568 = vector.shape_cast %reduce_sum3A_567 : vector<1xf32> to vector<1x1x1xf32>
    %reduce_sum3A_569 = vector.extract %reduce_sum3A_568[0, 0, 0] : f32 from vector<1x1x1xf32>
    %add3A_570 = arith.addf %add3A_561, %reduce_sum3A_569 : f32
    %div3A_571 = arith.divf %add3A_570, %add3A_27 : f32
    %mul3A_572 = arith.constant 5.000000e-01 : f32
    %mul3A_573 = vector.broadcast %mul3A_572 : f32 to vector<4x256xf32>
    %mul3A_574 = arith.mulf %mul3A_573, %get3A_527 : vector<4x256xf32>
    %sub3A_575 = arith.subf %get3A_515, %mul3A_574 : vector<4x256xf32>
    %mul3A_576 = arith.constant 5.000000e-01 : f32
    %mul3A_577 = vector.broadcast %mul3A_576 : f32 to vector<4x256xf32>
    %mul3A_578 = arith.mulf %mul3A_577, %get3A_533 : vector<4x256xf32>
    %sub3A_579 = arith.subf %get3A_521, %mul3A_578 : vector<4x256xf32>
    %mul3A_580 = arith.constant 5.000000e-01 : f32
    %mul3A_581 = vector.broadcast %mul3A_580 : f32 to vector<4x256xf32>
    %mul3A_582 = arith.mulf %mul3A_581, %get3A_527 : vector<4x256xf32>
    %add3A_583 = arith.addf %get3A_515, %mul3A_582 : vector<4x256xf32>
    %mul3A_584 = arith.constant 5.000000e-01 : f32
    %mul3A_585 = vector.broadcast %mul3A_584 : f32 to vector<4x256xf32>
    %mul3A_586 = arith.mulf %mul3A_585, %get3A_533 : vector<4x256xf32>
    %add3A_587 = arith.addf %get3A_521, %mul3A_586 : vector<4x256xf32>
    %sub3A_588 = arith.subf %add3A_583, %sub3A_575 : vector<4x256xf32>
    %sub3A_589 = arith.subf %add3A_587, %sub3A_579 : vector<4x256xf32>
    %mul3A_590 = arith.mulf %sub3A_588, %sub3A_589 : vector<4x256xf32>
    %min3A_591 = arith.minimumf %add3A_583, %add3A_57 : vector<4x256xf32>
    %max3A_592 = arith.maximumf %sub3A_575, %sub3A : vector<4x256xf32>
    %sub3A_593 = arith.subf %min3A_591, %max3A_592 : vector<4x256xf32>
    %max3A_594 = arith.constant 0.000000e+00 : f32
    %max3A_595 = vector.broadcast %max3A_594 : f32 to vector<4x256xf32>
    %max3A_596 = arith.maximumf %sub3A_593, %max3A_595 : vector<4x256xf32>
    %min3A_597 = arith.minimumf %add3A_587, %add3A_61 : vector<4x256xf32>
    %max3A_598 = arith.maximumf %sub3A_579, %sub3A_53 : vector<4x256xf32>
    %sub3A_599 = arith.subf %min3A_597, %max3A_598 : vector<4x256xf32>
    %max3A_600 = arith.constant 0.000000e+00 : f32
    %max3A_601 = vector.broadcast %max3A_600 : f32 to vector<4x256xf32>
    %max3A_602 = arith.maximumf %sub3A_599, %max3A_601 : vector<4x256xf32>
    %mul3A_603 = arith.mulf %max3A_596, %max3A_602 : vector<4x256xf32>
    %add3A_604 = arith.addf %mul3A_590, %mul3A_64 : vector<4x256xf32>
    %sub3A_605 = arith.subf %add3A_604, %mul3A_603 : vector<4x256xf32>
    %add3A_606 = arith.constant 1.000000e-07 : f32
    %add3A_607 = vector.broadcast %add3A_606 : f32 to vector<4x256xf32>
    %add3A_608 = arith.addf %sub3A_605, %add3A_607 : vector<4x256xf32>
    %div3A_609 = arith.divf %mul3A_603, %add3A_608 : vector<4x256xf32>
    %max3A_610 = arith.maximumf %add3A_583, %add3A_57 : vector<4x256xf32>
    %min3A_611 = arith.minimumf %sub3A_575, %sub3A : vector<4x256xf32>
    %sub3A_612 = arith.subf %max3A_610, %min3A_611 : vector<4x256xf32>
    %max3A_613 = arith.constant 0.000000e+00 : f32
    %max3A_614 = vector.broadcast %max3A_613 : f32 to vector<4x256xf32>
    %max3A_615 = arith.maximumf %sub3A_612, %max3A_614 : vector<4x256xf32>
    %max3A_616 = arith.maximumf %add3A_587, %add3A_61 : vector<4x256xf32>
    %min3A_617 = arith.minimumf %sub3A_579, %sub3A_53 : vector<4x256xf32>
    %sub3A_618 = arith.subf %max3A_616, %min3A_617 : vector<4x256xf32>
    %max3A_619 = arith.constant 0.000000e+00 : f32
    %max3A_620 = vector.broadcast %max3A_619 : f32 to vector<4x256xf32>
    %max3A_621 = arith.maximumf %sub3A_618, %max3A_620 : vector<4x256xf32>
    %mul3A_622 = arith.mulf %max3A_615, %max3A_621 : vector<4x256xf32>
    %sub3A_623 = arith.subf %mul3A_622, %sub3A_605 : vector<4x256xf32>
    %add3A_624 = arith.constant 1.000000e-07 : f32
    %add3A_625 = vector.broadcast %add3A_624 : f32 to vector<4x256xf32>
    %add3A_626 = arith.addf %mul3A_622, %add3A_625 : vector<4x256xf32>
    %div3A_627 = arith.divf %sub3A_623, %add3A_626 : vector<4x256xf32>
    %sub3A_628 = arith.subf %div3A_609, %div3A_627 : vector<4x256xf32>
    %sub3A_629 = arith.constant 1.000000e+00 : f32
    %sub3A_630 = vector.broadcast %sub3A_629 : f32 to vector<4x256xf32>
    %sub3A_631 = arith.subf %sub3A_630, %sub3A_628 : vector<4x256xf32>
    %mul3A_632 = arith.mulf %sub3A_631, %get3A_20 : vector<4x256xf32>
    %reduce_sum3A_633 = vector.shape_cast %mul3A_632 : vector<4x256xf32> to vector<1x4x256xf32>
    %reduce_sum3A_634 = arith.constant dense<0.000000e+00> : vector<1xf32>
    %reduce_sum3A_635 = vector.multi_reduction <add>, %reduce_sum3A_633, %reduce_sum3A_634 [1, 2] : vector<1x4x256xf32> to vector<1xf32>
    %reduce_sum3A_636 = vector.shape_cast %reduce_sum3A_635 : vector<1xf32> to vector<1x1x1xf32>
    %reduce_sum3A_637 = vector.extract %reduce_sum3A_636[0, 0, 0] : f32 from vector<1x1x1xf32>
    %div3A_638 = arith.divf %reduce_sum3A_637, %add3A_27 : f32
    %iota3A_639 = tpu.iota {dimensions = array<i32: 1>} : vector<1x14xi32>
    %iota3A_640 = vector.shape_cast %iota3A_639 : vector<1x14xi32> to vector<14xi32>
    %broadcast_in_dim3A_641 = arith.constant 0.000000e+00 : f32
    %broadcast_in_dim3A_642 = vector.broadcast %broadcast_in_dim3A_641 : f32 to vector<14xf32>
    %eq3A_643 = arith.constant 0 : i32
    %eq3A_644 = vector.broadcast %eq3A_643 : i32 to vector<14xi32>
    %eq3A_645 = arith.cmpi eq, %iota3A_640, %eq3A_644 : vector<14xi32>
    %jit3A_646 = arith.constant 0.000000e+00 : f32
    %broadcast_in_dim3A_647 = vector.broadcast %select_n3A_115 : f32 to vector<14xf32>
    %broadcast_in_dim3A_648 = vector.broadcast %jit3A_646 : f32 to vector<14xf32>
    %select_n3A_649 = arith.select %eq3A_645, %broadcast_in_dim3A_647, %broadcast_in_dim3A_648 : vector<14xi1>, vector<14xf32>
    %add3A_650 = arith.addf %broadcast_in_dim3A_642, %select_n3A_649 : vector<14xf32>
    %eq3A_651 = arith.constant 1 : i32
    %eq3A_652 = vector.broadcast %eq3A_651 : i32 to vector<14xi32>
    %eq3A_653 = arith.cmpi eq, %iota3A_640, %eq3A_652 : vector<14xi32>
    %jit3A_654 = arith.constant 0.000000e+00 : f32
    %broadcast_in_dim3A_655 = vector.broadcast %div3A_127 : f32 to vector<14xf32>
    %broadcast_in_dim3A_656 = vector.broadcast %jit3A_654 : f32 to vector<14xf32>
    %select_n3A_657 = arith.select %eq3A_653, %broadcast_in_dim3A_655, %broadcast_in_dim3A_656 : vector<14xi1>, vector<14xf32>
    %add3A_658 = arith.addf %add3A_650, %select_n3A_657 : vector<14xf32>
    %eq3A_659 = arith.constant 2 : i32
    %eq3A_660 = vector.broadcast %eq3A_659 : i32 to vector<14xi32>
    %eq3A_661 = arith.cmpi eq, %iota3A_640, %eq3A_660 : vector<14xi32>
    %jit3A_662 = arith.constant 0.000000e+00 : f32
    %broadcast_in_dim3A_663 = vector.broadcast %div3A_157 : f32 to vector<14xf32>
    %broadcast_in_dim3A_664 = vector.broadcast %jit3A_662 : f32 to vector<14xf32>
    %select_n3A_665 = arith.select %eq3A_661, %broadcast_in_dim3A_663, %broadcast_in_dim3A_664 : vector<14xi1>, vector<14xf32>
    %add3A_666 = arith.addf %add3A_658, %select_n3A_665 : vector<14xf32>
    %eq3A_667 = arith.constant 3 : i32
    %eq3A_668 = vector.broadcast %eq3A_667 : i32 to vector<14xi32>
    %eq3A_669 = arith.cmpi eq, %iota3A_640, %eq3A_668 : vector<14xi32>
    %jit3A_670 = arith.constant 0.000000e+00 : f32
    %broadcast_in_dim3A_671 = vector.broadcast %div3A_188 : f32 to vector<14xf32>
    %broadcast_in_dim3A_672 = vector.broadcast %jit3A_670 : f32 to vector<14xf32>
    %select_n3A_673 = arith.select %eq3A_669, %broadcast_in_dim3A_671, %broadcast_in_dim3A_672 : vector<14xi1>, vector<14xf32>
    %add3A_674 = arith.addf %add3A_666, %select_n3A_673 : vector<14xf32>
    %eq3A_675 = arith.constant 4 : i32
    %eq3A_676 = vector.broadcast %eq3A_675 : i32 to vector<14xi32>
    %eq3A_677 = arith.cmpi eq, %iota3A_640, %eq3A_676 : vector<14xi32>
    %jit3A_678 = arith.constant 0.000000e+00 : f32
    %broadcast_in_dim3A_679 = vector.broadcast %div3A_219 : f32 to vector<14xf32>
    %broadcast_in_dim3A_680 = vector.broadcast %jit3A_678 : f32 to vector<14xf32>
    %select_n3A_681 = arith.select %eq3A_677, %broadcast_in_dim3A_679, %broadcast_in_dim3A_680 : vector<14xi1>, vector<14xf32>
    %add3A_682 = arith.addf %add3A_674, %select_n3A_681 : vector<14xf32>
    %eq3A_683 = arith.constant 5 : i32
    %eq3A_684 = vector.broadcast %eq3A_683 : i32 to vector<14xi32>
    %eq3A_685 = arith.cmpi eq, %iota3A_640, %eq3A_684 : vector<14xi32>
    %jit3A_686 = arith.constant 0.000000e+00 : f32
    %broadcast_in_dim3A_687 = vector.broadcast %div3A_281 : f32 to vector<14xf32>
    %broadcast_in_dim3A_688 = vector.broadcast %jit3A_686 : f32 to vector<14xf32>
    %select_n3A_689 = arith.select %eq3A_685, %broadcast_in_dim3A_687, %broadcast_in_dim3A_688 : vector<14xi1>, vector<14xf32>
    %add3A_690 = arith.addf %add3A_682, %select_n3A_689 : vector<14xf32>
    %eq3A_691 = arith.constant 6 : i32
    %eq3A_692 = vector.broadcast %eq3A_691 : i32 to vector<14xi32>
    %eq3A_693 = arith.cmpi eq, %iota3A_640, %eq3A_692 : vector<14xi32>
    %jit3A_694 = arith.constant 0.000000e+00 : f32
    %broadcast_in_dim3A_695 = vector.broadcast %div3A_348 : f32 to vector<14xf32>
    %broadcast_in_dim3A_696 = vector.broadcast %jit3A_694 : f32 to vector<14xf32>
    %select_n3A_697 = arith.select %eq3A_693, %broadcast_in_dim3A_695, %broadcast_in_dim3A_696 : vector<14xi1>, vector<14xf32>
    %add3A_698 = arith.addf %add3A_690, %select_n3A_697 : vector<14xf32>
    %eq3A_699 = arith.constant 7 : i32
    %eq3A_700 = vector.broadcast %eq3A_699 : i32 to vector<14xi32>
    %eq3A_701 = arith.cmpi eq, %iota3A_640, %eq3A_700 : vector<14xi32>
    %jit3A_702 = arith.constant 0.000000e+00 : f32
    %broadcast_in_dim3A_703 = vector.broadcast %select_n3A_404 : f32 to vector<14xf32>
    %broadcast_in_dim3A_704 = vector.broadcast %jit3A_702 : f32 to vector<14xf32>
    %select_n3A_705 = arith.select %eq3A_701, %broadcast_in_dim3A_703, %broadcast_in_dim3A_704 : vector<14xi1>, vector<14xf32>
    %add3A_706 = arith.addf %add3A_698, %select_n3A_705 : vector<14xf32>
    %eq3A_707 = arith.constant 8 : i32
    %eq3A_708 = vector.broadcast %eq3A_707 : i32 to vector<14xi32>
    %eq3A_709 = arith.cmpi eq, %iota3A_640, %eq3A_708 : vector<14xi32>
    %jit3A_710 = arith.constant 0.000000e+00 : f32
    %broadcast_in_dim3A_711 = vector.broadcast %div3A_416 : f32 to vector<14xf32>
    %broadcast_in_dim3A_712 = vector.broadcast %jit3A_710 : f32 to vector<14xf32>
    %select_n3A_713 = arith.select %eq3A_709, %broadcast_in_dim3A_711, %broadcast_in_dim3A_712 : vector<14xi1>, vector<14xf32>
    %add3A_714 = arith.addf %add3A_706, %select_n3A_713 : vector<14xf32>
    %eq3A_715 = arith.constant 9 : i32
    %eq3A_716 = vector.broadcast %eq3A_715 : i32 to vector<14xi32>
    %eq3A_717 = arith.cmpi eq, %iota3A_640, %eq3A_716 : vector<14xi32>
    %jit3A_718 = arith.constant 0.000000e+00 : f32
    %broadcast_in_dim3A_719 = vector.broadcast %div3A_447 : f32 to vector<14xf32>
    %broadcast_in_dim3A_720 = vector.broadcast %jit3A_718 : f32 to vector<14xf32>
    %select_n3A_721 = arith.select %eq3A_717, %broadcast_in_dim3A_719, %broadcast_in_dim3A_720 : vector<14xi1>, vector<14xf32>
    %add3A_722 = arith.addf %add3A_714, %select_n3A_721 : vector<14xf32>
    %eq3A_723 = arith.constant 10 : i32
    %eq3A_724 = vector.broadcast %eq3A_723 : i32 to vector<14xi32>
    %eq3A_725 = arith.cmpi eq, %iota3A_640, %eq3A_724 : vector<14xi32>
    %jit3A_726 = arith.constant 0.000000e+00 : f32
    %broadcast_in_dim3A_727 = vector.broadcast %div3A_478 : f32 to vector<14xf32>
    %broadcast_in_dim3A_728 = vector.broadcast %jit3A_726 : f32 to vector<14xf32>
    %select_n3A_729 = arith.select %eq3A_725, %broadcast_in_dim3A_727, %broadcast_in_dim3A_728 : vector<14xi1>, vector<14xf32>
    %add3A_730 = arith.addf %add3A_722, %select_n3A_729 : vector<14xf32>
    %eq3A_731 = arith.constant 11 : i32
    %eq3A_732 = vector.broadcast %eq3A_731 : i32 to vector<14xi32>
    %eq3A_733 = arith.cmpi eq, %iota3A_640, %eq3A_732 : vector<14xi32>
    %jit3A_734 = arith.constant 0.000000e+00 : f32
    %broadcast_in_dim3A_735 = vector.broadcast %div3A_509 : f32 to vector<14xf32>
    %broadcast_in_dim3A_736 = vector.broadcast %jit3A_734 : f32 to vector<14xf32>
    %select_n3A_737 = arith.select %eq3A_733, %broadcast_in_dim3A_735, %broadcast_in_dim3A_736 : vector<14xi1>, vector<14xf32>
    %add3A_738 = arith.addf %add3A_730, %select_n3A_737 : vector<14xf32>
    %eq3A_739 = arith.constant 12 : i32
    %eq3A_740 = vector.broadcast %eq3A_739 : i32 to vector<14xi32>
    %eq3A_741 = arith.cmpi eq, %iota3A_640, %eq3A_740 : vector<14xi32>
    %jit3A_742 = arith.constant 0.000000e+00 : f32
    %broadcast_in_dim3A_743 = vector.broadcast %div3A_571 : f32 to vector<14xf32>
    %broadcast_in_dim3A_744 = vector.broadcast %jit3A_742 : f32 to vector<14xf32>
    %select_n3A_745 = arith.select %eq3A_741, %broadcast_in_dim3A_743, %broadcast_in_dim3A_744 : vector<14xi1>, vector<14xf32>
    %add3A_746 = arith.addf %add3A_738, %select_n3A_745 : vector<14xf32>
    %eq3A_747 = arith.constant 13 : i32
    %eq3A_748 = vector.broadcast %eq3A_747 : i32 to vector<14xi32>
    %eq3A_749 = arith.cmpi eq, %iota3A_640, %eq3A_748 : vector<14xi32>
    %jit3A_750 = arith.constant 0.000000e+00 : f32
    %broadcast_in_dim3A_751 = vector.broadcast %div3A_638 : f32 to vector<14xf32>
    %broadcast_in_dim3A_752 = vector.broadcast %jit3A_750 : f32 to vector<14xf32>
    %select_n3A_753 = arith.select %eq3A_749, %broadcast_in_dim3A_751, %broadcast_in_dim3A_752 : vector<14xi1>, vector<14xf32>
    %add3A_754 = arith.addf %add3A_746, %select_n3A_753 : vector<14xf32>
    %swap3A = arith.constant 0 : index
    %swap3A_755 = vector.load %arg15[%swap3A] : memref<14xf32, #tpu.memory_space<vmem>>, vector<14xf32>
    tpu.vector_store %arg15[%swap3A], %add3A_754 {strides = array<i32>} : memref<14xf32, #tpu.memory_space<vmem>>, vector<14xf32>,
    return
  }
}

</mosaic_0001>

<sc_bundles>
// kernel: kernel.5.cloned.1.call-start
scs
__scs_entry_jumppad:
0x0: {  	(pc) =	sbr.rel $0x88, $3  }
0x1: {  	(tag) =	ssettag $0x0;
	lr =	simm.s32 $0x1  }
0x2: {  	[smem:$0x3F8E] =	sst lr;
	_ =	strace $0xD0000000  }
0x3: {  	_ = 	snop  }
0x4: {  	_ = 	snop  }
0x5: {  	_ = 	snop  }
0x6: {  	_ = 	snop  }
0x7: {  	_ = 	snop  }
__scs_overlays_trampoline_lowered:
0x8: {  	[smem:$0x3F9D] =	sst s0  }
0x9: {  	[smem:$0x3F9E] =	sst s1  }
0xa: {  	[smem:$0x3F9F] =	sst s2  }
0xb: {  	[smem:$0x3FA0] =	sst s3  }
0xc: {  	[smem:$0x3FA1] =	sst s4  }
0xd: {  	[smem:$0x3FA2] =	sst s5  }
0xe: {  	[smem:$0x3FA3] =	sst s6  }
0xf: {  	[smem:$0x3FA4] =	sst s7  }
0x10: {  	[smem:$0x3FA5] =	sst s8  }
0x11: {  	[smem:$0x3FA6] =	sst s9;
	s0 =	simm.s32 @!p0 $0x0  }
0x12: {  	s1 =	sld [smem:$0x3F8C];
	s0 =	simm.s32 @p0 $0x1  }
0x13: {  	[smem:$0x3FA7] =	sst s0;
	s0 =	simm.s32 @!p1 $0x0  }
0x14: {  	s2 =	sld [smem:$0x3F8B];
	s0 =	simm.s32 @p1 $0x1  }
0x15: {  	[smem:$0x3FA8] =	sst s0;
	s0 =	simm.s32 @!p2 $0x0  }
0x16: {  	s3 =	sld [smem:$0x3FDB];
	s0 =	simm.s32 @p2 $0x1  }
0x17: {  	s4 =	simm.s32 $0x1BF5;
	[smem:$0x3FAA] =	sst s0  }
0x18: {  	s0 =	sld [smem:$0x3F8D];
	_ =	swait.ge [sflag:s4], $0x0  }
0x19: {  	s7 =	sld [smem:$0x3F8E]  }
0x1a: {  	s8 =	sadd.s32 $0xFFFFE003, lr  }
0x1b: {  	s9 =	sadd.s32 $0xFFFFFEF7, lr;
	s5 =	simm.s32 $0xFFFFFFFF;
	p2 =	slt.u32 s8, $0xFFFFF086  }
0x1c: {  	p1 =	slt.u32 s9, $0xF7A;
	s5 =	simm.s32 @!p2 $0x0  }
0x1d: {  	s5 =	simm.s32 @p1 $0x1;
	p0 =	seq.s32 s7, s2  }
0x1e: {  	s7 =	smul.u32 @!p0 $0xF7A, s2;
	p2 =	seq.s32 @!p0 s5, $0x0  }
0x1f: {  	s9 =	smul.u32 $0xF7A, s1;
	s8 =	simm.s32 @!p0 $0x1BF5;
	p2 =	por !p2, p0  }
0x20: {  	[sflag:s8] =	ssyncset.s32 @!p0 $0xFFFFF086;
	s6 =	sadd.s32 @!p0 s3, s7;
	s7 =	simm.s32 @!p0 $0x108  }
0x21: {  	s3 =	sadd.s32 s3, s9;
	s6 =	sadd.s32 @!p0 $0x88, s6;
	s7 =	simm.s32 @p2 $0x1082  }
0x22: {  	[simem:s7], [sflag:s8] =	dma.local @!p0 [hbm:s6], $0xF7A  }
0x23: {  	s9 =	sor.u32 $0xD0000000, s2;
	s6 =	simm.s32 $0x108;
	_ =	swait.ge @!p0 [sflag:s8], $0x0  }
0x24: {  	s3 =	sadd.s32 $0x88, s3;
	s6 =	simm.s32 @!p1 $0x1082;
	[sflag:s4] =	ssyncset.s32 $0xFFFFF086  }
0x25: {  	[simem:s6], [sflag:s4] =	dma.local [hbm:s3], $0xF7A  }
0x26: {  	[smem:$0x3F8E] =	sst s1;
	(tag) =	ssettag s2;
	_ =	strace s9  }
0x27: {  	s1 =	sld [smem:$0x3F9E]  }
0x28: {  	s2 =	sld [smem:$0x3F9F]  }
0x29: {  	s4 =	sld [smem:$0x3FA1]  }
0x2a: {  	p0 =	seq.s32 s5, $0x0;
	s5 =	sld [smem:$0x3FA2]  }
0x2b: {  	s6 =	sld [smem:$0x3FA3]  }
0x2c: {  	s7 =	sld [smem:$0x3FA4]  }
0x2d: {  	s3 =	simm.s32 $0x108;
	s8 =	sld [smem:$0x3FA5]  }
0x2e: {  	s3 =	simm.s32 @!p0 $0x1082;
	s9 =	sld [smem:$0x3FA6]  }
0x2f: {  	lr =	sadd.s32 s0, s3;
	s0 =	sld [smem:$0x3F9D]  }
0x30: {  	s3 =	sld [smem:$0x3FA0]  }
0x31: {  	[smem:$0x3FA9] =	sst s10  }
0x32: {  	s10 =	sld [smem:$0x3FA7];
	_ =	sdelay $0x3  }
0x33: {  	p0 =	seq.s32 s10, $0x1;
	s10 =	sld [smem:$0x3FA9];
	_ =	sdelay $0x3  }
0x34: {  	[smem:$0x3FA9] =	sst s10  }
0x35: {  	s10 =	sld [smem:$0x3FA8];
	_ =	sdelay $0x3  }
0x36: {  	p1 =	seq.s32 s10, $0x1;
	s10 =	sld [smem:$0x3FA9];
	_ =	sdelay $0x3  }
0x37: {  	[smem:$0x3FA9] =	sst s10  }
0x38: {  	s10 =	sld [smem:$0x3FAA]  }
0x39: {  	_ = 	snop;
	(pc) =	sbr.ind lr, $3  }
0x3a: {  	_ = 	snop  }
0x3b: {  	_ = 	snop  }
0x3c: {  	p2 =	seq.s32 s10, $0x1;
	s10 =	sld [smem:$0x3FA9]  }
0x3d: {  	_ =	shalt  }
0x3e: {  	_ =	shalt  }
0x3f: {  	_ =	shalt  }
0x40: {  	_ =	shalt  }
0x41: {  	_ =	shalt  }
0x42: {  	_ =	shalt  }
0x43: {  	_ =	shalt  }
0x44: {  	_ =	shalt  }
0x45: {  	_ =	shalt  }
0x46: {  	_ =	shalt  }
0x47: {  	_ =	shalt  }
0x48: {  	_ =	shalt  }
0x49: {  	_ =	shalt  }
0x4a: {  	_ =	shalt  }
0x4b: {  	_ =	shalt  }
0x4c: {  	_ =	shalt  }
0x4d: {  	_ =	shalt  }
0x4e: {  	_ =	shalt  }
0x4f: {  	_ =	shalt  }
0x50: {  	_ =	shalt  }
0x51: {  	_ =	shalt  }
0x52: {  	_ =	shalt  }
0x53: {  	_ =	shalt  }
0x54: {  	_ =	shalt  }
0x55: {  	_ =	shalt  }
0x56: {  	_ =	shalt  }
0x57: {  	_ =	shalt  }
0x58: {  	_ =	shalt  }
0x59: {  	_ =	shalt  }
0x5a: {  	_ =	shalt  }
0x5b: {  	_ =	shalt  }
0x5c: {  	_ =	shalt  }
0x5d: {  	_ =	shalt  }
0x5e: {  	_ =	shalt  }
0x5f: {  	_ =	shalt  }
0x60: {  	_ =	shalt  }
0x61: {  	_ =	shalt  }
0x62: {  	_ =	shalt  }
0x63: {  	_ =	shalt  }
0x64: {  	_ =	shalt  }
0x65: {  	_ =	shalt  }
0x66: {  	_ =	shalt  }
0x67: {  	_ =	shalt  }
0x68: {  	_ =	shalt  }
0x69: {  	_ =	shalt  }
0x6a: {  	_ =	shalt  }
0x6b: {  	_ =	shalt  }
0x6c: {  	_ =	shalt  }
0x6d: {  	_ =	shalt  }
0x6e: {  	_ =	shalt  }
0x6f: {  	_ =	shalt  }
0x70: {  	_ =	shalt  }
0x71: {  	_ =	shalt  }
0x72: {  	_ =	shalt  }
0x73: {  	_ =	shalt  }
0x74: {  	_ =	shalt  }
0x75: {  	_ =	shalt  }
0x76: {  	_ =	shalt  }
0x77: {  	_ =	shalt  }
0x78: {  	_ =	shalt  }
0x79: {  	_ =	shalt  }
0x7a: {  	_ =	shalt  }
0x7b: {  	_ =	shalt  }
0x7c: {  	_ =	shalt  }
0x7d: {  	_ =	shalt  }
0x7e: {  	_ =	shalt  }
0x7f: {  	_ =	shalt  }
0x80: {  	_ =	shalt  }
0x81: {  	_ =	shalt  }
0x82: {  	_ =	shalt  }
0x83: {  	_ =	shalt  }
0x84: {  	_ =	shalt  }
0x85: {  	_ =	shalt  }
0x86: {  	_ =	shalt  }
0x87: {  	_ =	shalt  }
.Lfunc_end0:
.L_simem_size_0:
called_computation_lowered:
.L_overlay_start_0:
0x88: {  	s2 =	sld [smem:$0x3FD9]  }
0x89: {  	s3 =	sld [smem:$0x3FFE];
	_ =	sdelay $0x1  }
0x8a: {  	s1 =	srdreg.scid  }
0x8b: {  	s0 =	sand.u32 $0x1, s1  }
0x8c: {  	s16 =	sshll.u32 s0, $0xA;
	s2 =	sadd.s32 s3, s2  }
0x8d: {  	s2 =	sadd.s32 s2, s16  }
0x8e: {  	[smem:$0x3FB5] =	sst s2  }
0x8f: {  	_ = 	snop  }
0x90: {  	(tm) =	ssettm $0x1  }
0x91: {  	s17 =	sld [smem:$0x3FFB];
	_ =	sdelay $0x3  }
0x92: {  	_ =	strace s17  }
0x93: {  	s2 =	sld [smem:$0x3FFC];
	_ =	sdelay $0x3  }
0x94: {  	_ =	strace s2  }
0x95: {  	s2 =	sld [smem:$0x3FFD];
	_ =	sdelay $0x3  }
0x96: {  	_ =	strace s2  }
0x97: {  	_ =	strace $0x8FFFFFFF  }
0x98: {  	s18 =	sld [smem:$0x3FDB];
	_ =	sdelay $0x1  }
0x99: {  	s19 =	simm.s32 $_scs_section_size  }
0x9a: {  	s4 =	simm.s32 $_size__tile_overlayer_lowered;
	s5 =	simm.s32 $_tile_overlayer_lowered  }
0x9b: {  	s22 =	simm.s32 $0x1BFF;
	s21 =	sshll.u32 s5, $0x1;
	s2 =	sadd.s32 s19, s18  }
0x9c: {  	s6 =	simm.s32 $0x0;
	s20 =	sshll.u32 s4, $0x1;
	s4 =	sadd.s32 s21, s2  }
0x9d: {  	[timem:s6], [sflag:s22] =	dma.local [hbm:s4], s20  }
0x9e: {  	_ =	swait.ge [sflag:s22], s20  }
0x9f: {  	s3 =	ssub.s32 $0x0, s20;
	[sflag:s22] =	ssyncset.done $0x0  }
0xa0: {  	[sflag:s22] =	ssyncadd.s32 s3;
	_ =	sdelay $0x1  }
0xa1: {  	s23 =	simm.s32 $0x1B8B  }
0xa2: {  	_ =	swait.ge [sflag:s23], $0x1  }
0xa3: {  	[sflag:s23] =	ssyncset.done $0x0  }
0xa4: {  	s25 =	simm.s32 $0x1B8E;
	s24 =	sld [smem:$0x3FFE];
	[sflag:s23] =	ssyncadd.s32 $0xFFFFFFFF  }
0xa5: {  	s26 =	simm.s32 $execute0_lowered;
	[smem:$0x3FD2] =	sst s25  }
0xa6: {  	s4 =	sshll.u32 s26, $0x1;
	_ =	strace $0x80000046;
	[dreg:$0x1] =	wrdreg $0xFFFFFFFF  }
0xa7: {  	s28 =	simm.s32 $_size_execute0_lowered;
	s2 =	sadd.s32 s2, s4;
	[dreg:$0x0] =	wrdreg $0x0  }
0xa8: {  	s4 =	sshll.u32 s28, $0x1;
	[dreg:$0x2] =	wrdreg s2  }
0xa9: {  	[dreg:$0x3] =	wrdreg s4  }
0xaa: {  	[dreg:$0x4] =	wrdreg $0xC0  }
0xab: {  	_ =	task [dreg:s6], $0x5FFFF  }
0xac: {  	[dreg:$0x1] =	wrdreg $0xFFFFFFFF  }
0xad: {  	[dreg:$0x0] =	wrdreg $0x60  }
0xae: {  	[dreg:$0x2] =	wrdreg s24  }
0xaf: {  	[dreg:$0x3] =	wrdreg $0x9  }
0xb0: {  	_ =	task.clear_ibuf [dreg:s6], $0x4FFFF;
	_ =	strace $0x90000046  }
0xb1: {  	s29 =	simm.s32 $0x9;
	_ =	strace $0x80000048  }
0xb2: {  	_ =	swait.ge [sflag:s29], $0x1  }
0xb3: {  	[sflag:s29] =	ssyncadd.s32 $0xFFFFFFFF  }
0xb4: {  	_ =	strace $0x90000048  }
0xb5: {  	_ =	sfence  }
0xb6: {  	s30 =	sld [smem:$0x0];
	_ =	sdelay $0x2  }
0xb7: {  	s31 =	sshll.u32 s1, $0xD;
	s1 =	sshrl.u32 s1, $0x2  }
0xb8: {  	s3 =	sand.u32 $0x4000, s31;
	s1 =	sadd.s32 s1, s30  }
0xb9: {  	s0 =	sor.u32 s3, s0;
	s1 =	sshll.u32 s1, $0x11  }
0xba: {  	s0 =	sor.u32 s1, s0  }
0xbb: {  	s0 =	sadd.s32 $0x8F2B, s0  }
0xbc: {  	[sflag:s0] =	ssyncadd.remote.s32 $0x1  }
0xbd: {  	_ =	sfence.sel $0xFFFF  }
0xbe: {  	[dreg:$0x0] =	wrdreg $0xFFFFFFFF;
	(pc) =	sbr.abs _section_cstart, $3  }
0xbf: {  	[dreg:$0x1] =	wrdreg $0xFFFFFFFF  }
0xc0: {  	_ =	task.clear_ibuf [dreg:s6], $0x2FFFF;
	_ =	strace $0x9FFFFFFF  }
0xc1: {  	(tm) =	ssettm $0x7FFFFFFF  }
tec
execute0_lowered:
.L_overlay_start_1:
0x0: {  	(tag) =	ssettag $0x1  }
0x1: {  	s8 =	rddreg [dreg:$0x0]  }
0x2: {  	s2 =	simm.s32 $0x0;
	s0 =	srdreg.scid;
	s1 =	stileid.u32  }
0x3: {  	s29 =	simm.s32 $0x500;
	[smem:$0x7FF] =	sst s2;
	s9 =	sand.u32 $0x1, s0  }
0x4: {  	s3 =	sshll.u32 s1, $0x1;
	s0 =	sshrl.u32 s1, $0x3;
	s21 =	sadd.s32 $0x68800, s8  }
0x5: {  	s25 =	sadd.s32 $0x73000, s8;
	s17 =	sadd.s32 $0x73200, s8;
	s18 =	sadd.s32 $0x73400, s8  }
0x6: {  	_ =	strace $0x80000047;
	s3 =	sor.u32 s9, s3;
	s4 =	sshll.u32 s0, $0x4  }
0x7: {  	[dreg:$0x2] =	wrdreg s21;
	s23 =	sshll.u32 s0, $0xA;
	s24 =	sshll.u32 s0, $0xC  }
0x8: {  	s26 =	sshll.u32 s0, $0xB;
	s9 =	ssub.s32 $0x2, s9;
	s0 =	sshll.u32 s0, $0x2  }
0x9: {  	s5 =	ssub.s32 s3, s4;
	p0 =	sne.s32 s3, s4;
	s4 =	simm.s32 $0x1  }
0xa: {  	s3 =	sand.u32 $0x3, s3;
	s1 =	sshrl.u32 s9, $0x1;
	s6 =	sshll.u32 s5, $0x6  }
0xb: {  	s7 =	sshra.s32 s5, $0x1F;
	s4 =	simm.s32 @!p0 $0x0;
	s19 =	sand.u32 $0xC0, s5  }
0xc: {  	p1 =	sne.s32 s3, $0x0;
	s9 =	ssub.s32 s9, s1;
	s10 =	sshrl.u32 s6, $0x3  }
0xd: {  	s4 =	sor.u32 s4, s7;
	s20 =	sshrl.u32 s19, $0x6;
	s13 =	sand.u32 $0x40, s6  }
0xe: {  	p6 =	sne.s32 s4, $0x1;
	s10 =	sadd.s32 s10, s8;
	s3 =	sadd.s32 s20, s5  }
0xf: {  	s4 =	simm.s32 $0x1;
	s5 =	sadd.s32 $0x54400, s8;
	p0 =	por !p1, !p6  }
0x10: {  	s22 =	sshra.s32 s3, $0x2;
	s10 =	sadd.s32 $0x72A00, s10;
	p0 =	por !p0, !p0  }
0x11: {  	s3 =	sadd.s32 $0x2BC00, s8;
	[dreg:$0x3] =	wrdreg s10;
	s4 =	simm.s32 @!p0 $0x0  }
0x12: {  	s10 =	simm.s32 $0x40;
	s11 =	ssub.s32 s22, s4;
	s4 =	sadd.s32 $0x40000, s8  }
0x13: {  	s7 =	sshll.u32 s11, $0x8;
	s14 =	sshll.u32 s11, $0x7;
	s16 =	sshll.u32 s11, $0xA  }
0x14: {  	s19 =	sshll.u32 s11, $0x9;
	s0 =	sadd.s32 s0, s11;
	s12 =	ssub.s32 s6, s7  }
0x15: {  	s7 =	sand.u32 $0xFFFFFC00, s7;
	s6 =	sor.u32 s23, s13;
	s14 =	sand.u32 $0x180, s14  }
0x16: {  	s23 =	smul.u32 $0xA180, s0;
	s12 =	sshrl.u32 s12, $0x7;
	s6 =	sadd.s32 s7, s6  }
0x17: {  	s7 =	sor.u32 s24, s13;
	s13 =	sor.u32 s26, s13;
	s26 =	smul.u32 $0x14300, s0  }
0x18: {  	s0 =	smul.u32 $0x28600, s0;
	s15 =	sshll.u32 s12, $0x9;
	s6 =	sor.u32 s14, s6  }
0x19: {  	s16 =	sadd.s32 s16, s7;
	s7 =	simm.s32 $0x1;
	s12 =	sshll.u32 s12, $0x8  }
0x1a: {  	s13 =	sadd.s32 s19, s13;
	v0 =	vmov s23;
	s23 =	simm.s32 $0xB80;
	s14 =	sadd.s32 s15, s6  }
0x1b: {  	s6 =	sadd.s32 $0x3600, s8;
	s15 =	sadd.s32 s15, s16;
	s12 =	sadd.s32 s12, s13  }
0x1c: {  	s28 =	sadd.s32 $0xA180, s26;
	s30 =	sadd.s32 $0xA180, s0;
	s31 =	sadd.s32 $0x14300, s0  }
0x1d: {  	s16 =	simm.s32 $0x200;
	v1 =	vmov s26;
	s26 =	simm.s32 $0x480;
	s14 =	sshrl.u32 s14, $0x3  }
0x1e: {  	s15 =	sshrl.u32 s15, $0x3;
	s12 =	sshrl.u32 s12, $0x3;
	v2 =	vmov s28;
	s28 =	simm.s32 $0xC80  }
0x1f: {  	v4 =	vmov s30;
	v5 =	vmov s31;
	s30 =	simm.s32 $0xD00;
	s31 =	simm.s32 $0x580;
	s20 =	sadd.s32 s17, s12  }
0x20: {  	s14 =	sadd.s32 s14, s8;
	s22 =	sadd.s32 s18, s12;
	[dreg:$0x7] =	wrdreg s20  }
0x21: {  	s8 =	sadd.s32 s15, s8;
	s13 =	sadd.s32 $0x73600, s14;
	[dreg:$0x9] =	wrdreg s22  }
0x22: {  	s15 =	sor.u32 $0x10, s12;
	s14 =	sadd.s32 s25, s12;
	[dreg:$0x4] =	wrdreg s13  }
0x23: {  	s19 =	sadd.s32 s25, s15;
	s21 =	sadd.s32 s17, s15;
	[dreg:$0x5] =	wrdreg s14  }
0x24: {  	s24 =	sadd.s32 s18, s15;
	s25 =	sadd.s32 $0x72C00, s8;
	[dreg:$0x6] =	wrdreg s19  }
0x25: {  	s1 =	sadd.s32 $0x72C10, s8;
	s11 =	sadd.s32 $0x72C20, s8;
	[dreg:$0x8] =	wrdreg s21  }
0x26: {  	s12 =	sadd.s32 $0x1E480, s0;
	s8 =	sadd.s32 $0x72C30, s8;
	[dreg:$0xa] =	wrdreg s24  }
0x27: {  	s15 =	simm.s32 $0x980;
	s17 =	simm.s32 $0xA00;
	[dreg:$0xb] =	wrdreg s25  }
0x28: {  	s18 =	simm.s32 $0x280;
	s20 =	simm.s32 $0x300;
	[dreg:$0xc] =	wrdreg s1  }
0x29: {  	v3 =	vmov s0;
	s22 =	simm.s32 $0x380;
	s0 =	simm.s32 $0xD80;
	[dreg:$0xd] =	wrdreg s11  }
0x2a: {  	[dreg:$0xe] =	wrdreg s8;
	s8 =	smax.u32 s9, $0x1;
	s25 =	simm.s32 $0x80  }
0x2b: {  	s9 =	simm.s32 $0x2;
	s11 =	simm.s32 $0x880;
	s13 =	simm.s32 $0x900  }
0x2c: {  	s14 =	simm.s32 $0x180;
	s19 =	simm.s32 $0xA80;
	s21 =	simm.s32 $0xB00  }
0x2d: {  	s24 =	simm.s32 $0x400;
	v6 =	vmov s12;
	[dreg:$0xf] =	wrdreg s25;
	s25 =	simm.s32 $0xC00  }
.LBB2_1:
0x2e: {  	s1 =	rddreg [dreg:$0x3]  }
0x2f: {  	[tilespmem:s2], [sflag:$0x2] =	stream.linear.gather [hbm4b:s1+s2], $0x40, $0x38;
	[tilespmem:$0x1080] =	vst v63  }
0x30: {  	_ =	swait.ge [sflag:s9], $0x40  }
0x31: {  	[sflag:s9] =	ssyncset.done $0x0  }
0x32: {  	[sflag:s9] =	ssyncadd.s32 $0xFFFFFFC0  }
0x33: {  	v7 =	vld [tilespmem:$0x0]  }
0x34: {  	v8 =	vld [tilespmem:$0x10]  }
0x35: {  	v9 =	vld [tilespmem:$0x20]  }
0x36: {  	v10 =	vld [tilespmem:$0x30]  }
0x37: {  	v11 =	vld [tilespmem:$0x0]  }
0x38: {  	v12 =	vld [tilespmem:$0x10];
	v7 =	vadd.s32 v0, v7  }
0x39: {  	[tilespmem:$0x80] =	vst v7;
	v7 =	vadd.s32 v0, v8;
	v8 =	vld [tilespmem:$0x20]  }
0x3a: {  	v34 =	vld [tilespmem:$0x30];
	[tilespmem:$0x90] =	vst v7;
	v7 =	vadd.s32 v0, v9  }
0x3b: {  	v35 =	vld [tilespmem:$0x0];
	[tilespmem:$0xA0] =	vst v7;
	v7 =	vadd.s32 v0, v10  }
0x3c: {  	v36 =	vld [tilespmem:$0x10];
	[tilespmem:$0xB0] =	vst v7;
	v7 =	vadd.s32 v1, v11  }
0x3d: {  	v37 =	vld [tilespmem:$0x20];
	[tilespmem:$0x100] =	vst v7;
	v7 =	vadd.s32 v1, v12  }
0x3e: {  	[tilespmem:$0x110] =	vst v7;
	v7 =	vadd.s32 v1, v8;
	v8 =	vld [tilespmem:$0x30]  }
0x3f: {  	v38 =	vld [tilespmem:$0x0];
	[tilespmem:$0x120] =	vst v7;
	v7 =	vadd.s32 v1, v34  }
0x40: {  	v39 =	vld [tilespmem:$0x10];
	[tilespmem:$0x130] =	vst v7;
	v7 =	vadd.s32 v2, v35  }
0x41: {  	v40 =	vld [tilespmem:$0x20];
	[tilespmem:$0x180] =	vst v7;
	v7 =	vadd.s32 v2, v36  }
0x42: {  	v41 =	vld [tilespmem:$0x30];
	[tilespmem:$0x190] =	vst v7;
	v7 =	vadd.s32 v2, v37  }
0x43: {  	[tilespmem:$0x1A0] =	vst v7;
	v7 =	vadd.s32 v2, v8;
	v8 =	vld [tilespmem:$0x0]  }
0x44: {  	v42 =	vld [tilespmem:$0x10];
	[tilespmem:$0x1B0] =	vst v7;
	v7 =	vadd.s32 v1, v38  }
0x45: {  	v43 =	vld [tilespmem:$0x20];
	[tilespmem:$0x200] =	vst v7;
	v7 =	vadd.s32 v1, v39  }
0x46: {  	v44 =	vld [tilespmem:$0x30];
	[tilespmem:$0x210] =	vst v7;
	v7 =	vadd.s32 v1, v40  }
0x47: {  	v45 =	vld [tilespmem:$0x0];
	[tilespmem:$0x220] =	vst v7;
	v7 =	vadd.s32 v1, v41  }
0x48: {  	[tilespmem:$0x230] =	vst v7;
	v7 =	vadd.s32 v2, v8;
	v8 =	vld [tilespmem:$0x10]  }
0x49: {  	v46 =	vld [tilespmem:$0x20];
	[tilespmem:$0x280] =	vst v7;
	v7 =	vadd.s32 v2, v42  }
0x4a: {  	v47 =	vld [tilespmem:$0x30];
	[tilespmem:$0x290] =	vst v7;
	v7 =	vadd.s32 v2, v43  }
0x4b: {  	v48 =	vld [tilespmem:$0x0];
	[tilespmem:$0x2A0] =	vst v7;
	v7 =	vadd.s32 v2, v44  }
0x4c: {  	v49 =	vld [tilespmem:$0x10];
	[tilespmem:$0x2B0] =	vst v7;
	v7 =	vadd.s32 v1, v45  }
0x4d: {  	[tilespmem:$0x300] =	vst v7;
	v7 =	vadd.s32 v1, v8;
	v8 =	vld [tilespmem:$0x20]  }
0x4e: {  	v50 =	vld [tilespmem:$0x30];
	[tilespmem:$0x310] =	vst v7;
	v7 =	vadd.s32 v1, v46  }
0x4f: {  	v51 =	vld [tilespmem:$0x0];
	[tilespmem:$0x320] =	vst v7;
	v7 =	vadd.s32 v1, v47  }
0x50: {  	v52 =	vld [tilespmem:$0x10];
	[tilespmem:$0x330] =	vst v7;
	v7 =	vadd.s32 v2, v48  }
0x51: {  	v53 =	vld [tilespmem:$0x20];
	[tilespmem:$0x380] =	vst v7;
	v7 =	vadd.s32 v2, v49  }
0x52: {  	[tilespmem:$0x390] =	vst v7;
	v7 =	vadd.s32 v2, v8;
	v8 =	vld [tilespmem:$0x30]  }
0x53: {  	v54 =	vld [tilespmem:$0x0];
	[tilespmem:$0x3A0] =	vst v7;
	v7 =	vadd.s32 v2, v50  }
0x54: {  	v55 =	vld [tilespmem:$0x10];
	[tilespmem:$0x3B0] =	vst v7;
	v7 =	vadd.s32 v3, v51  }
0x55: {  	v56 =	vld [tilespmem:$0x20];
	[tilespmem:$0x400] =	vst v7;
	v7 =	vadd.s32 v3, v52  }
0x56: {  	v57 =	vld [tilespmem:$0x30];
	[tilespmem:$0x410] =	vst v7;
	v7 =	vadd.s32 v3, v53  }
0x57: {  	[tilespmem:$0x420] =	vst v7;
	v7 =	vadd.s32 v3, v8;
	v8 =	vld [tilespmem:$0x0]  }
0x58: {  	v58 =	vld [tilespmem:$0x10];
	[tilespmem:$0x430] =	vst v7;
	v7 =	vadd.s32 v4, v54  }
0x59: {  	v59 =	vld [tilespmem:$0x20];
	[tilespmem:$0x480] =	vst v7;
	v7 =	vadd.s32 v4, v55  }
0x5a: {  	v60 =	vld [tilespmem:$0x30];
	[tilespmem:$0x490] =	vst v7;
	v7 =	vadd.s32 v4, v56  }
0x5b: {  	v61 =	vld [tilespmem:$0x0];
	[tilespmem:$0x4A0] =	vst v7;
	v7 =	vadd.s32 v4, v57  }
0x5c: {  	[tilespmem:$0x4B0] =	vst v7;
	v7 =	vadd.s32 v5, v8;
	v8 =	vld [tilespmem:$0x10]  }
0x5d: {  	v62 =	vld [tilespmem:$0x20];
	[tilespmem:$0x500] =	vst v7;
	v7 =	vadd.s32 v5, v58  }
0x5e: {  	v63 =	vld [tilespmem:$0x30];
	[tilespmem:$0x510] =	vst v7;
	v7 =	vadd.s32 v5, v59  }
0x5f: {  	[tilespmem:$0x520] =	vst v7;
	v7 =	vadd.s32 v5, v60  }
0x60: {  	[tilespmem:$0x530] =	vst v7;
	v7 =	vadd.s32 v6, v61  }
0x61: {  	[tilespmem:$0x580] =	vst v7;
	v7 =	vadd.s32 v6, v8  }
0x62: {  	[tilespmem:$0x590] =	vst v7;
	v7 =	vadd.s32 v6, v62  }
0x63: {  	s1 =	rddreg [dreg:$0x2];
	[tilespmem:$0x5A0] =	vst v7;
	v7 =	vadd.s32 v6, v63  }
0x64: {  	s12 =	rddreg [dreg:$0xf];
	[tilespmem:$0x5B0] =	vst v7  }
0x65: {  	[tilespmem:s11], [sflag:$0x1] =	stream.indirect.gather [hbm4b:s1+s10], $0x1, s12, s10, $0xb8;
	[tilespmem:$0x1080] =	vst v63  }
0x66: {  	s12 =	simm.s32 $0x100  }
0x67: {  	[tilespmem:s13], [sflag:$0x1] =	stream.indirect.gather [hbm4b:s3+s10], $0x1, s12, s10, $0xb8;
	[tilespmem:$0x1080] =	vst v63  }
0x68: {  	_ = 	snop  }
0x69: {  	[tilespmem:s15], [sflag:$0x1] =	stream.indirect.gather [hbm4b:s3+s10], $0x1, s14, s10, $0xb8;
	[tilespmem:$0x1080] =	vst v63  }
0x6a: {  	_ = 	snop  }
0x6b: {  	[tilespmem:s17], [sflag:$0x1] =	stream.indirect.gather [hbm4b:s4+s10], $0x1, s16, s10, $0xb8;
	[tilespmem:$0x1080] =	vst v63  }
0x6c: {  	_ = 	snop  }
0x6d: {  	[tilespmem:s19], [sflag:$0x1] =	stream.indirect.gather [hbm4b:s4+s10], $0x1, s18, s10, $0xb8;
	[tilespmem:$0x1080] =	vst v63  }
0x6e: {  	_ = 	snop  }
0x6f: {  	[tilespmem:s21], [sflag:$0x1] =	stream.indirect.gather [hbm4b:s5+s10], $0x1, s20, s10, $0xb8;
	[tilespmem:$0x1080] =	vst v63  }
0x70: {  	_ = 	snop  }
0x71: {  	[tilespmem:s23], [sflag:$0x1] =	stream.indirect.gather [hbm4b:s5+s10], $0x1, s22, s10, $0xb8;
	[tilespmem:$0x1080] =	vst v63  }
0x72: {  	_ = 	snop  }
0x73: {  	[tilespmem:s25], [sflag:$0x1] =	stream.indirect.gather [hbm4b:s6+s10], $0x1, s24, s10, $0xb8;
	[tilespmem:$0x1080] =	vst v63  }
0x74: {  	_ = 	snop  }
0x75: {  	[tilespmem:s28], [sflag:$0x1] =	stream.indirect.gather [hbm4b:s6+s10], $0x1, s26, s10, $0xb8;
	[tilespmem:$0x1080] =	vst v63  }
0x76: {  	_ = 	snop  }
0x77: {  	[tilespmem:s30], [sflag:$0x1] =	stream.indirect.gather [hbm4b:s6+s10], $0x1, s29, s10, $0xb8;
	[tilespmem:$0x1080] =	vst v63  }
0x78: {  	_ = 	snop  }
0x79: {  	[tilespmem:s0], [sflag:$0x1] =	stream.indirect.gather [hbm4b:s6+s10], $0x1, s31, s10, $0xb8;
	[tilespmem:$0x1080] =	vst v63  }
0x7a: {  	_ =	swait.ge [sflag:s7], $0x40  }
0x7b: {  	[sflag:s7] =	ssyncset.done $0x0  }
0x7c: {  	[sflag:s7] =	ssyncadd.s32 $0xFFFFFFC0  }
0x7d: {  	_ =	swait.ge [sflag:s7], $0x40  }
0x7e: {  	[sflag:s7] =	ssyncset.done $0x0  }
0x7f: {  	[sflag:s7] =	ssyncadd.s32 $0xFFFFFFC0  }
0x80: {  	_ =	swait.ge [sflag:s7], $0x40  }
0x81: {  	[sflag:s7] =	ssyncset.done $0x0  }
0x82: {  	[sflag:s7] =	ssyncadd.s32 $0xFFFFFFC0  }
0x83: {  	_ =	swait.ge [sflag:s7], $0x40  }
0x84: {  	[sflag:s7] =	ssyncset.done $0x0  }
0x85: {  	[sflag:s7] =	ssyncadd.s32 $0xFFFFFFC0  }
0x86: {  	_ =	swait.ge [sflag:s7], $0x40  }
0x87: {  	[sflag:s7] =	ssyncset.done $0x0  }
0x88: {  	[sflag:s7] =	ssyncadd.s32 $0xFFFFFFC0  }
0x89: {  	_ =	swait.ge [sflag:s7], $0x40  }
0x8a: {  	[sflag:s7] =	ssyncset.done $0x0  }
0x8b: {  	[sflag:s7] =	ssyncadd.s32 $0xFFFFFFC0  }
0x8c: {  	_ =	swait.ge [sflag:s7], $0x40  }
0x8d: {  	[sflag:s7] =	ssyncset.done $0x0  }
0x8e: {  	[sflag:s7] =	ssyncadd.s32 $0xFFFFFFC0  }
0x8f: {  	_ =	swait.ge [sflag:s7], $0x40  }
0x90: {  	[sflag:s7] =	ssyncset.done $0x0  }
0x91: {  	[sflag:s7] =	ssyncadd.s32 $0xFFFFFFC0  }
0x92: {  	_ =	swait.ge [sflag:s7], $0x40  }
0x93: {  	[sflag:s7] =	ssyncset.done $0x0  }
0x94: {  	[sflag:s7] =	ssyncadd.s32 $0xFFFFFFC0  }
0x95: {  	_ =	swait.ge [sflag:s7], $0x40  }
0x96: {  	[sflag:s7] =	ssyncset.done $0x0  }
0x97: {  	[sflag:s7] =	ssyncadd.s32 $0xFFFFFFC0  }
0x98: {  	_ =	swait.ge [sflag:s7], $0x40  }
0x99: {  	[sflag:s7] =	ssyncset.done $0x0  }
0x9a: {  	s12 =	rddreg [dreg:$0x4];
	[sflag:s7] =	ssyncadd.s32 $0xFFFFFFC0  }
0x9b: {  	[hbm4b:s12+s2] =	stream.linear.scatter [tilespmem:s11], [sflag:$0x2], $0x40, $0x38;
	[tilespmem:$0x1080] =	vst v63  }
0x9c: {  	_ =	swait.ge [sflag:s9], $0x40  }
0x9d: {  	[sflag:s9] =	ssyncset.done $0x0  }
0x9e: {  	s12 =	rddreg [dreg:$0x5];
	[sflag:s9] =	ssyncadd.s32 $0xFFFFFFC0  }
0x9f: {  	[hbm4b:s12+s2] =	stream.linear.scatter [tilespmem:s13], [sflag:$0x2], $0x40, $0x38;
	[tilespmem:$0x1080] =	vst v63  }
0xa0: {  	_ =	swait.ge [sflag:s9], $0x40  }
0xa1: {  	[sflag:s9] =	ssyncset.done $0x0  }
0xa2: {  	s12 =	rddreg [dreg:$0x6];
	[sflag:s9] =	ssyncadd.s32 $0xFFFFFFC0  }
0xa3: {  	[hbm4b:s12+s2] =	stream.linear.scatter [tilespmem:s15], [sflag:$0x2], $0x40, $0x38;
	[tilespmem:$0x1080] =	vst v63  }
0xa4: {  	_ =	swait.ge [sflag:s9], $0x40  }
0xa5: {  	[sflag:s9] =	ssyncset.done $0x0  }
0xa6: {  	s12 =	rddreg [dreg:$0x7];
	[sflag:s9] =	ssyncadd.s32 $0xFFFFFFC0  }
0xa7: {  	[hbm4b:s12+s2] =	stream.linear.scatter [tilespmem:s17], [sflag:$0x2], $0x40, $0x38;
	[tilespmem:$0x1080] =	vst v63  }
0xa8: {  	_ =	swait.ge [sflag:s9], $0x40  }
0xa9: {  	[sflag:s9] =	ssyncset.done $0x0  }
0xaa: {  	s12 =	rddreg [dreg:$0x8];
	[sflag:s9] =	ssyncadd.s32 $0xFFFFFFC0  }
0xab: {  	[hbm4b:s12+s2] =	stream.linear.scatter [tilespmem:s19], [sflag:$0x2], $0x40, $0x38;
	[tilespmem:$0x1080] =	vst v63  }
0xac: {  	_ =	swait.ge [sflag:s9], $0x40  }
0xad: {  	[sflag:s9] =	ssyncset.done $0x0  }
0xae: {  	s12 =	rddreg [dreg:$0x9];
	[sflag:s9] =	ssyncadd.s32 $0xFFFFFFC0  }
0xaf: {  	[hbm4b:s12+s2] =	stream.linear.scatter [tilespmem:s21], [sflag:$0x2], $0x40, $0x38;
	[tilespmem:$0x1080] =	vst v63  }
0xb0: {  	_ =	swait.ge [sflag:s9], $0x40  }
0xb1: {  	[sflag:s9] =	ssyncset.done $0x0  }
0xb2: {  	s12 =	rddreg [dreg:$0xa];
	[sflag:s9] =	ssyncadd.s32 $0xFFFFFFC0  }
0xb3: {  	[hbm4b:s12+s2] =	stream.linear.scatter [tilespmem:s23], [sflag:$0x2], $0x40, $0x38;
	[tilespmem:$0x1080] =	vst v63  }
0xb4: {  	_ =	swait.ge [sflag:s9], $0x40  }
0xb5: {  	[sflag:s9] =	ssyncset.done $0x0  }
0xb6: {  	s12 =	rddreg [dreg:$0xb];
	[sflag:s9] =	ssyncadd.s32 $0xFFFFFFC0  }
0xb7: {  	[hbm4b:s12+s2] =	stream.linear.scatter [tilespmem:s25], [sflag:$0x2], $0x40, $0x38;
	[tilespmem:$0x1080] =	vst v63  }
0xb8: {  	_ =	swait.ge [sflag:s9], $0x40  }
0xb9: {  	[sflag:s9] =	ssyncset.done $0x0  }
0xba: {  	s12 =	rddreg [dreg:$0xc];
	[sflag:s9] =	ssyncadd.s32 $0xFFFFFFC0  }
0xbb: {  	[hbm4b:s12+s2] =	stream.linear.scatter [tilespmem:s28], [sflag:$0x2], $0x40, $0x38;
	[tilespmem:$0x1080] =	vst v63  }
0xbc: {  	_ =	swait.ge [sflag:s9], $0x40  }
0xbd: {  	[sflag:s9] =	ssyncset.done $0x0  }
0xbe: {  	s12 =	rddreg [dreg:$0xd];
	[sflag:s9] =	ssyncadd.s32 $0xFFFFFFC0  }
0xbf: {  	[hbm4b:s12+s2] =	stream.linear.scatter [tilespmem:s30], [sflag:$0x2], $0x40, $0x38;
	[tilespmem:$0x1080] =	vst v63  }
0xc0: {  	_ =	swait.ge [sflag:s9], $0x40  }
0xc1: {  	p0 =	sne.s32 s8, $0x1;
	[sflag:s9] =	ssyncset.done $0x0  }
.Ltmp0:
0xc2: {  	s12 =	rddreg [dreg:$0xe];
	[sflag:s9] =	ssyncadd.s32 $0xFFFFFFC0;
	(pc) =	sbr.rel @p0 .LBB2_1-.Ltmp0, $4  }
0xc3: {  	[hbm4b:s12+s2] =	stream.linear.scatter [tilespmem:s0], [sflag:$0x2], $0x40, $0x38;
	[tilespmem:$0x1080] =	vst v63  }
0xc4: {  	_ =	swait.ge [sflag:s9], $0x40  }
0xc5: {  	[sflag:s9] =	ssyncset.done $0x0  }
0xc6: {  	s8 =	sadd.s32 $0xFFFFFFFF, s8;
	[sflag:s9] =	ssyncadd.s32 $0xFFFFFFC0  }
0xc7: {  	_ =	sfence.sel $0x180000  }
0xc8: {  	[bflag:$0x0] =	sbarrier.arrive $0xFFFF  }
0xc9: {  	_ =	strace $0x90000047  }
0xca: {  	s0 =	stileid.u32;
	[bflag:$0x2] =	sbarrier.arrive $0xFFFF  }
0xcb: {  	p0 =	sne.s32 s0, $0x0;
	s0 =	rddreg [dreg:$0x1]  }
0xcc: {  	s0 =	sadd.s32 @!p0 $0x100000, s0  }
0xcd: {  	[sflag:s0] =	ssyncadd.tile.s32 @!p0 $0x1;
	_ =	shalt  }
.Lfunc_end2:
_tile_overlayer_lowered:
.L_overlay_start_2:
0xce: {  	(tag) =	ssettag $0x2  }
0xcf: {  	s0 =	rddreg [dreg:$0x0];
	s2 =	stileid.u32  }
0xd0: {  	s1 =	rddreg [dreg:$0x1];
	p0 =	sne.s32 s2, $0x0  }
0xd1: {  	s3 =	rddreg [dreg:$0x2];
	[bflag:$0x3] =	sbarrier.arrive $0xFFFF;
	s2 =	simm.s32 @!p0 $0x1C02  }
0xd2: {  	[timem:s3], [sflag:s2] =	dma.local @!p0 [hbm:s0], s1  }
0xd3: {  	s0 =	simm.s32 @!p0 $0x2  }
0xd4: {  	_ =	swait.ge @!p0 [sflag:s0], s1  }
0xd5: {  	s1 =	ssub.s32 @!p0 $0x0, s1;
	[sflag:s0] =	ssyncset.done @!p0 $0x0  }
0xd6: {  	[sflag:s0] =	ssyncadd.s32 @!p0 s1  }
0xd7: {  	[bflag:$0x3] =	sbarrier.arrive $0xFFFF  }
0xd8: {  	_ =	shalt  }

</sc_bundles>
